<compile_context>
chip_gen: v7x
topology: tpu7x:2x2x1
jax: 0.10.2.dev20260603
libtpu: 0.0.44.dev20260713+nightly
codegen_flags: <defaults>
</compile_context>

<pallas_src>
import functools

import jax
import jax.numpy as jnp
from jax import lax
from jax.experimental import pallas as pl
from jax.experimental.pallas import tpu as pltpu
from jax.experimental.pallas import tpu_sc as plsc

VOCAB = 1000000
BIGRAM_DIM = 64
MODEL_DIM = 1024
BATCH = 4
SEQ = 4096
TOKENS = BATCH * SEQ

PAIR = 2 * BIGRAM_DIM

NC = 2
NS = 16
NW = NC * NS
CHUNK = TOKENS // NW
GCHUNK = 128
NG = CHUNK // GCHUNK
NVEC = CHUNK // 16

_MOD = VOCAB - 1
_RECIP = 1.0 / _MOD


def _mod999999(x):
    m = jnp.int32(_MOD)
    q = (x.astype(jnp.float32) * jnp.float32(_RECIP)).astype(jnp.int32)
    r = x - q * m
    r = jnp.where(r < 0, r + m, r)
    r = jnp.where(r < 0, r + m, r)
    r = jnp.where(r >= m, r - m, r)
    return r


def _sc_gather(prev_hbm, cur_hbm, table_pairs_hbm):
    mesh = plsc.VectorSubcoreMesh(core_axis_name="c", subcore_axis_name="s")

    @functools.partial(
        pl.kernel,
        mesh=mesh,
        out_type=(
            jax.ShapeDtypeStruct((TOKENS, PAIR), jnp.float32),
            jax.ShapeDtypeStruct((TOKENS,), jnp.int32),
        ),
        scratch_types=[
            pltpu.VMEM((CHUNK,), jnp.int32),
            pltpu.VMEM((CHUNK,), jnp.int32),
            pltpu.VMEM((NG, GCHUNK), jnp.int32),
            pltpu.VMEM((CHUNK,), jnp.int32),
            pltpu.VMEM((CHUNK, PAIR), jnp.float32),
            pltpu.SemaphoreType.DMA,
        ],
    )
    def body(prev_ref, cur_ref, table_ref, out_ref, par_ref,
             prev_v, cur_v, idx_v, par_v, rows_v, sem):
        wid = lax.axis_index("s") * NC + lax.axis_index("c")
        base = wid * CHUNK
        pltpu.sync_copy(prev_ref.at[pl.ds(base, CHUNK)], prev_v)
        pltpu.sync_copy(cur_ref.at[pl.ds(base, CHUNK)], cur_v)

        lane = lax.iota(jnp.int32, 16)
        for v in range(NVEC):
            prev = prev_v[pl.ds(v * 16, 16)]
            cur = cur_v[pl.ds(v * 16, 16)]
            h = _mod999999(
                jnp.bitwise_xor(cur * jnp.int32(36313), prev * jnp.int32(27191))
            )
            pos = base + v * 16 + lane
            is_first = (pos & jnp.int32(SEQ - 1)) == 0
            idx = jnp.where(is_first, jnp.int32(_MOD), h)
            idx_v[v // (GCHUNK // 16), pl.ds((v % (GCHUNK // 16)) * 16, 16)] = (
                lax.shift_right_logical(idx, jnp.int32(1))
            )
            par_v[pl.ds(v * 16, 16)] = lax.bitwise_and(idx, jnp.int32(1))

        copies = []
        for g in range(NG):
            copies.append(
                pltpu.async_copy(
                    table_ref.at[idx_v.at[g]],
                    rows_v.at[pl.ds(g * GCHUNK, GCHUNK)],
                    sem,
                )
            )
        for c in copies:
            c.wait()

        pltpu.sync_copy(rows_v, out_ref.at[pl.ds(base, CHUNK)])
        pltpu.sync_copy(par_v, par_ref.at[pl.ds(base, CHUNK)])

    return body(prev_hbm, cur_hbm, table_pairs_hbm)


def _tc_matmul(pairs, parity_col, proj_weight, scale):
    ROWS = 1024
    grid = TOKENS // ROWS

    def tc_body(scale_ref, g_ref, s_ref, p_ref, o_ref):
        g = g_ref[...]
        take_hi = s_ref[...] > 0
        g_sel = jnp.where(take_hi, g[:, BIGRAM_DIM:], g[:, :BIGRAM_DIM])
        o_ref[...] = lax.dot_general(
            g_sel,
            p_ref[...] * scale_ref[0],
            (((1,), (1,)), ((), ())),
            preferred_element_type=jnp.float32,
        )

    return pl.pallas_call(
        tc_body,
        grid=(grid,),
        in_specs=[
            pl.BlockSpec(memory_space=pltpu.SMEM),
            pl.BlockSpec((ROWS, PAIR), lambda i: (i, 0)),
            pl.BlockSpec((ROWS, 1), lambda i: (i, 0)),
            pl.BlockSpec((MODEL_DIM, BIGRAM_DIM), lambda i: (0, 0)),
        ],
        out_specs=pl.BlockSpec((ROWS, MODEL_DIM), lambda i: (i, 0)),
        out_shape=jax.ShapeDtypeStruct((TOKENS, MODEL_DIM), jnp.float32),
    )(scale.reshape(1), pairs, parity_col, proj_weight)


def kernel(token_ids, embed_weight, proj_weight, scale):
    flat = token_ids.astype(jnp.int32).reshape(-1)
    prev = jnp.concatenate([jnp.zeros((1,), jnp.int32), flat[:-1]])
    table_pairs = embed_weight.reshape(VOCAB // 2, PAIR)
    pairs, parity = _sc_gather(prev, flat, table_pairs)
    out = _tc_matmul(pairs, parity.reshape(TOKENS, 1), proj_weight,
                     scale.astype(jnp.float32))
    return out.reshape(BATCH, SEQ, MODEL_DIM)

# --- scband reference (transcript-rebuilt; emitter-appended) ---
"""Pipeline reference for scband-bigram-hash-embedding-37254546325709 (READ-ONLY COPY).

The authoritative reference and input builder live on the scoring server;
editing this copy changes nothing except your own understanding.
"""

import jax, jax.numpy as jnp
import numpy as np

VOCAB = 1000000
BIGRAM_DIM = 64
MODEL_DIM = 1024
BATCH = 4
SEQ = 4096


def bigram_hash(tokens):
    t = tokens.astype(jnp.int32)
    mod = VOCAB - 1
    h = jnp.mod(
        jnp.bitwise_xor(t[..., 1:] * jnp.int32(36313), t[..., :-1] * jnp.int32(27191)),
        jnp.int32(mod),
    )
    first = jnp.full(t.shape[:-1] + (1,), mod, dtype=jnp.int32)
    return jnp.concatenate([first, h], axis=-1)


def setup_inputs(seed: int = 0) -> dict:
    key = jax.random.key(seed)
    k1, k2, k3 = jax.random.split(key, 3)
    token_ids = jax.random.randint(k1, (BATCH, SEQ), 0, 50000)
    embed_weight = jax.random.normal(k2, (VOCAB, BIGRAM_DIM), dtype=jnp.float32) * 0.02
    proj_weight = jax.random.normal(k3, (MODEL_DIM, BIGRAM_DIM), dtype=jnp.float32) * 0.02
    scale = jnp.asarray(0.05, dtype=jnp.float32)
    return {
        "token_ids": token_ids,
        "embed_weight": embed_weight,
        "proj_weight": proj_weight,
        "scale": scale,
    }


def reference(token_ids, embed_weight, proj_weight, scale):
    idx = bigram_hash(token_ids)
    h = jnp.take(embed_weight, idx, axis=0)
    h = h @ proj_weight.T
    return h * scale.astype(h.dtype)

if __name__ == "__main__":
    import jax
    _d = setup_inputs()
    print(jax.jit(kernel)(*tuple(_d.values())))

</pallas_src>

<mosaic_0001>
#map = affine_map<(d0, d1) -> (0)>
#map1 = affine_map<(d0, d1) -> (0, 0)>
module attributes {stable_mosaic.version = 14 : i64} {
  func.func @body(%arg0: i32, %arg1: i32, %arg2: memref<16384xi32, #tpu.memory_space<hbm>>, %arg3: memref<16384xi32, #tpu.memory_space<hbm>>, %arg4: memref<500000x128xf32, #tpu.memory_space<hbm>>, %arg5: memref<16384x128xf32, #tpu.memory_space<hbm>>, %arg6: memref<16384xi32, #tpu.memory_space<hbm>>, %arg7: memref<512xi32, #tpu.memory_space<vmem>>, %arg8: memref<512xi32, #tpu.memory_space<vmem>>, %arg9: memref<4x128xi32, #tpu.memory_space<vmem>>, %arg10: memref<512xi32, #tpu.memory_space<vmem>>, %arg11: memref<512x128xf32, #tpu.memory_space<vmem>>, %arg12: memref<!tpu.dma_semaphore, #tpu.memory_space<semaphore_mem>>) attributes {dimension_semantics = [#tpu.dimension_semantics<core_parallel>, #tpu.dimension_semantics<subcore_parallel>], iteration_bounds = array<i64: 2, 16>, scalar_prefetch = 0 : i64, scratch_operands = 6 : i64, tpu.core_type = #tpu.core_type<sc_vector_subcore>, window_params = [{transform_indices = #map}, {transform_indices = #map}, {transform_indices = #map1}, {transform_indices = #map1}, {transform_indices = #map}]} {
    %mul3A = arith.constant 2 : i32
    %mul3A_0 = arith.muli %arg1, %mul3A : i32
    %add3A = arith.addi %mul3A_0, %arg0 : i32
    %mul3A_1 = arith.constant 512 : i32
    %mul3A_2 = arith.muli %add3A, %mul3A_1 : i32
    "tpu.region"() ({
      %run_scoped3A = tpu.sem_alloc : memref<!tpu.dma_semaphore, #tpu.memory_space<semaphore_mem>>
      %dma_start3A_2372 = tpu.memref_slice %arg2[%mul3A_2] : memref<16384xi32, #tpu.memory_space<hbm>> -> memref<512xi32, #tpu.memory_space<hbm>>
      %dma_start3A_2373 = tpu.memref_slice %arg2[%mul3A_2] : memref<16384xi32, #tpu.memory_space<hbm>> -> memref<512xi32, #tpu.memory_space<hbm>>
      tpu.enqueue_dma source(%dma_start3A_2373 : memref<512xi32, #tpu.memory_space<hbm>>) target(%arg7 : memref<512xi32, #tpu.memory_space<vmem>>) target_semaphore(%run_scoped3A : memref<!tpu.dma_semaphore, #tpu.memory_space<semaphore_mem>>)
      %dma_wait3A_2374 = tpu.memref_slice %arg2[%mul3A_2] : memref<16384xi32, #tpu.memory_space<hbm>> -> memref<512xi32, #tpu.memory_space<hbm>>
      %dma_wait3A_2375 = tpu.memref_slice %arg2[%mul3A_2] : memref<16384xi32, #tpu.memory_space<hbm>> -> memref<512xi32, #tpu.memory_space<hbm>>
      tpu.wait_dma2 semaphore(%run_scoped3A : memref<!tpu.dma_semaphore, #tpu.memory_space<semaphore_mem>>) src(%dma_wait3A_2375 : memref<512xi32, #tpu.memory_space<hbm>>) dst(%arg7 : memref<512xi32, #tpu.memory_space<vmem>>)
      tpu.yield
    }) : () -> ()
    "tpu.region"() ({
      %run_scoped3A = tpu.sem_alloc : memref<!tpu.dma_semaphore, #tpu.memory_space<semaphore_mem>>
      %dma_start3A_2372 = tpu.memref_slice %arg3[%mul3A_2] : memref<16384xi32, #tpu.memory_space<hbm>> -> memref<512xi32, #tpu.memory_space<hbm>>
      %dma_start3A_2373 = tpu.memref_slice %arg3[%mul3A_2] : memref<16384xi32, #tpu.memory_space<hbm>> -> memref<512xi32, #tpu.memory_space<hbm>>
      tpu.enqueue_dma source(%dma_start3A_2373 : memref<512xi32, #tpu.memory_space<hbm>>) target(%arg8 : memref<512xi32, #tpu.memory_space<vmem>>) target_semaphore(%run_scoped3A : memref<!tpu.dma_semaphore, #tpu.memory_space<semaphore_mem>>)
      %dma_wait3A_2374 = tpu.memref_slice %arg3[%mul3A_2] : memref<16384xi32, #tpu.memory_space<hbm>> -> memref<512xi32, #tpu.memory_space<hbm>>
      %dma_wait3A_2375 = tpu.memref_slice %arg3[%mul3A_2] : memref<16384xi32, #tpu.memory_space<hbm>> -> memref<512xi32, #tpu.memory_space<hbm>>
      tpu.wait_dma2 semaphore(%run_scoped3A : memref<!tpu.dma_semaphore, #tpu.memory_space<semaphore_mem>>) src(%dma_wait3A_2375 : memref<512xi32, #tpu.memory_space<hbm>>) dst(%arg8 : memref<512xi32, #tpu.memory_space<vmem>>)
      tpu.yield
    }) : () -> ()
    %iota3A = tpu.iota {dimensions = array<i32: 0>} : vector<16xi32>
    %get3A = arith.constant 0 : index
    %get3A_3 = tpu.vector_load %arg7[%get3A] {strides = array<i32>} : memref<512xi32, #tpu.memory_space<vmem>>, vector<16xi32>,
    %get3A_4 = vector.shape_cast %get3A_3 : vector<16xi32> to vector<16xi32>
    %get3A_5 = arith.constant 0 : index
    %get3A_6 = tpu.vector_load %arg8[%get3A_5] {strides = array<i32>} : memref<512xi32, #tpu.memory_space<vmem>>, vector<16xi32>,
    %get3A_7 = vector.shape_cast %get3A_6 : vector<16xi32> to vector<16xi32>
    %mul3A_8 = arith.constant 36313 : i32
    %mul3A_9 = vector.broadcast %mul3A_8 : i32 to vector<16xi32>
    %mul3A_10 = arith.muli %get3A_7, %mul3A_9 : vector<16xi32>
    %mul3A_11 = arith.constant 27191 : i32
    %mul3A_12 = vector.broadcast %mul3A_11 : i32 to vector<16xi32>
    %mul3A_13 = arith.muli %get3A_4, %mul3A_12 : vector<16xi32>
    %xor3A = arith.xori %mul3A_10, %mul3A_13 : vector<16xi32>
    %convert_element_type3A = arith.sitofp %xor3A : vector<16xi32> to vector<16xf32>
    %mul3A_14 = arith.constant 1.00000102E-6 : f32
    %mul3A_15 = vector.broadcast %mul3A_14 : f32 to vector<16xf32>
    %mul3A_16 = arith.mulf %convert_element_type3A, %mul3A_15 : vector<16xf32>
    %convert_element_type3A_17 = arith.fptosi %mul3A_16 : vector<16xf32> to vector<16xi32>
    %mul3A_18 = arith.constant 999999 : i32
    %mul3A_19 = vector.broadcast %mul3A_18 : i32 to vector<16xi32>
    %mul3A_20 = arith.muli %convert_element_type3A_17, %mul3A_19 : vector<16xi32>
    %sub3A = arith.subi %xor3A, %mul3A_20 : vector<16xi32>
    %lt3A = arith.constant 0 : i32
    %lt3A_21 = vector.broadcast %lt3A : i32 to vector<16xi32>
    %lt3A_22 = arith.cmpi slt, %sub3A, %lt3A_21 : vector<16xi32>
    %add3A_23 = arith.constant 999999 : i32
    %add3A_24 = vector.broadcast %add3A_23 : i32 to vector<16xi32>
    %add3A_25 = arith.addi %sub3A, %add3A_24 : vector<16xi32>
    %select_n3A = arith.select %lt3A_22, %add3A_25, %sub3A : vector<16xi1>, vector<16xi32>
    %lt3A_26 = arith.constant 0 : i32
    %lt3A_27 = vector.broadcast %lt3A_26 : i32 to vector<16xi32>
    %lt3A_28 = arith.cmpi slt, %select_n3A, %lt3A_27 : vector<16xi32>
    %add3A_29 = arith.constant 999999 : i32
    %add3A_30 = vector.broadcast %add3A_29 : i32 to vector<16xi32>
    %add3A_31 = arith.addi %select_n3A, %add3A_30 : vector<16xi32>
    %select_n3A_32 = arith.select %lt3A_28, %add3A_31, %select_n3A : vector<16xi1>, vector<16xi32>
    %ge3A = arith.constant 999999 : i32
    %ge3A_33 = vector.broadcast %ge3A : i32 to vector<16xi32>
    %ge3A_34 = arith.cmpi sge, %select_n3A_32, %ge3A_33 : vector<16xi32>
    %sub3A_35 = arith.constant 999999 : i32
    %sub3A_36 = vector.broadcast %sub3A_35 : i32 to vector<16xi32>
    %sub3A_37 = arith.subi %select_n3A_32, %sub3A_36 : vector<16xi32>
    %select_n3A_38 = arith.select %ge3A_34, %sub3A_37, %select_n3A_32 : vector<16xi1>, vector<16xi32>
    %add3A_39 = arith.constant 0 : i32
    %add3A_40 = arith.addi %mul3A_2, %add3A_39 : i32
    %add3A_41 = vector.broadcast %add3A_40 : i32 to vector<16xi32>
    %add3A_42 = arith.addi %add3A_41, %iota3A : vector<16xi32>
    %and3A = arith.constant 4095 : i32
    %and3A_43 = vector.broadcast %and3A : i32 to vector<16xi32>
    %and3A_44 = arith.andi %add3A_42, %and3A_43 : vector<16xi32>
    %eq3A = arith.constant 0 : i32
    %eq3A_45 = vector.broadcast %eq3A : i32 to vector<16xi32>
    %eq3A_46 = arith.cmpi eq, %and3A_44, %eq3A_45 : vector<16xi32>
    %jit3A = arith.constant 999999 : i32
    %broadcast_in_dim3A = vector.broadcast %jit3A : i32 to vector<16xi32>
    %select_n3A_47 = arith.select %eq3A_46, %broadcast_in_dim3A, %select_n3A_38 : vector<16xi1>, vector<16xi32>
    %shift_right_logical3A = arith.constant 1 : i32
    %shift_right_logical3A_48 = vector.broadcast %shift_right_logical3A : i32 to vector<16xi32>
    %shift_right_logical3A_49 = arith.shrui %select_n3A_47, %shift_right_logical3A_48 : vector<16xi32>
    %swap3A = arith.constant 0 : i32
    %swap3A_50 = arith.index_cast %swap3A : i32 to index
    %swap3A_51 = arith.constant 0 : index
    %swap3A_52 = tpu.vector_load %arg9[%swap3A_50, %swap3A_51] {strides = array<i32>} : memref<4x128xi32, #tpu.memory_space<vmem>>, vector<1x16xi32>,
    %swap3A_53 = vector.shape_cast %swap3A_52 : vector<1x16xi32> to vector<16xi32>
    %swap3A_54 = vector.shape_cast %shift_right_logical3A_49 : vector<16xi32> to vector<1x16xi32>
    tpu.vector_store %arg9[%swap3A_50, %swap3A_51], %swap3A_54 {strides = array<i32>} : memref<4x128xi32, #tpu.memory_space<vmem>>, vector<1x16xi32>,
    %and3A_55 = arith.constant 1 : i32
    %and3A_56 = vector.broadcast %and3A_55 : i32 to vector<16xi32>
    %and3A_57 = arith.andi %select_n3A_47, %and3A_56 : vector<16xi32>
    %swap3A_58 = arith.constant 0 : index
    %swap3A_59 = tpu.vector_load %arg10[%swap3A_58] {strides = array<i32>} : memref<512xi32, #tpu.memory_space<vmem>>, vector<16xi32>,
    %swap3A_60 = vector.shape_cast %swap3A_59 : vector<16xi32> to vector<16xi32>
    %swap3A_61 = vector.shape_cast %and3A_57 : vector<16xi32> to vector<16xi32>
    tpu.vector_store %arg10[%swap3A_58], %swap3A_61 {strides = array<i32>} : memref<512xi32, #tpu.memory_space<vmem>>, vector<16xi32>,
    %get3A_62 = arith.constant 16 : index
    %get3A_63 = tpu.vector_load %arg7[%get3A_62] {strides = array<i32>} : memref<512xi32, #tpu.memory_space<vmem>>, vector<16xi32>,
    %get3A_64 = vector.shape_cast %get3A_63 : vector<16xi32> to vector<16xi32>
    %get3A_65 = arith.constant 16 : index
    %get3A_66 = tpu.vector_load %arg8[%get3A_65] {strides = array<i32>} : memref<512xi32, #tpu.memory_space<vmem>>, vector<16xi32>,
    %get3A_67 = vector.shape_cast %get3A_66 : vector<16xi32> to vector<16xi32>
    %mul3A_68 = arith.constant 36313 : i32
    %mul3A_69 = vector.broadcast %mul3A_68 : i32 to vector<16xi32>
    %mul3A_70 = arith.muli %get3A_67, %mul3A_69 : vector<16xi32>
    %mul3A_71 = arith.constant 27191 : i32
    %mul3A_72 = vector.broadcast %mul3A_71 : i32 to vector<16xi32>
    %mul3A_73 = arith.muli %get3A_64, %mul3A_72 : vector<16xi32>
    %xor3A_74 = arith.xori %mul3A_70, %mul3A_73 : vector<16xi32>
    %convert_element_type3A_75 = arith.sitofp %xor3A_74 : vector<16xi32> to vector<16xf32>
    %mul3A_76 = arith.constant 1.00000102E-6 : f32
    %mul3A_77 = vector.broadcast %mul3A_76 : f32 to vector<16xf32>
    %mul3A_78 = arith.mulf %convert_element_type3A_75, %mul3A_77 : vector<16xf32>
    %convert_element_type3A_79 = arith.fptosi %mul3A_78 : vector<16xf32> to vector<16xi32>
    %mul3A_80 = arith.constant 999999 : i32
    %mul3A_81 = vector.broadcast %mul3A_80 : i32 to vector<16xi32>
    %mul3A_82 = arith.muli %convert_element_type3A_79, %mul3A_81 : vector<16xi32>
    %sub3A_83 = arith.subi %xor3A_74, %mul3A_82 : vector<16xi32>
    %lt3A_84 = arith.constant 0 : i32
    %lt3A_85 = vector.broadcast %lt3A_84 : i32 to vector<16xi32>
    %lt3A_86 = arith.cmpi slt, %sub3A_83, %lt3A_85 : vector<16xi32>
    %add3A_87 = arith.constant 999999 : i32
    %add3A_88 = vector.broadcast %add3A_87 : i32 to vector<16xi32>
    %add3A_89 = arith.addi %sub3A_83, %add3A_88 : vector<16xi32>
    %select_n3A_90 = arith.select %lt3A_86, %add3A_89, %sub3A_83 : vector<16xi1>, vector<16xi32>
    %lt3A_91 = arith.constant 0 : i32
    %lt3A_92 = vector.broadcast %lt3A_91 : i32 to vector<16xi32>
    %lt3A_93 = arith.cmpi slt, %select_n3A_90, %lt3A_92 : vector<16xi32>
    %add3A_94 = arith.constant 999999 : i32
    %add3A_95 = vector.broadcast %add3A_94 : i32 to vector<16xi32>
    %add3A_96 = arith.addi %select_n3A_90, %add3A_95 : vector<16xi32>
    %select_n3A_97 = arith.select %lt3A_93, %add3A_96, %select_n3A_90 : vector<16xi1>, vector<16xi32>
    %ge3A_98 = arith.constant 999999 : i32
    %ge3A_99 = vector.broadcast %ge3A_98 : i32 to vector<16xi32>
    %ge3A_100 = arith.cmpi sge, %select_n3A_97, %ge3A_99 : vector<16xi32>
    %sub3A_101 = arith.constant 999999 : i32
    %sub3A_102 = vector.broadcast %sub3A_101 : i32 to vector<16xi32>
    %sub3A_103 = arith.subi %select_n3A_97, %sub3A_102 : vector<16xi32>
    %select_n3A_104 = arith.select %ge3A_100, %sub3A_103, %select_n3A_97 : vector<16xi1>, vector<16xi32>
    %add3A_105 = arith.constant 16 : i32
    %add3A_106 = arith.addi %mul3A_2, %add3A_105 : i32
    %add3A_107 = vector.broadcast %add3A_106 : i32 to vector<16xi32>
    %add3A_108 = arith.addi %add3A_107, %iota3A : vector<16xi32>
    %and3A_109 = arith.constant 4095 : i32
    %and3A_110 = vector.broadcast %and3A_109 : i32 to vector<16xi32>
    %and3A_111 = arith.andi %add3A_108, %and3A_110 : vector<16xi32>
    %eq3A_112 = arith.constant 0 : i32
    %eq3A_113 = vector.broadcast %eq3A_112 : i32 to vector<16xi32>
    %eq3A_114 = arith.cmpi eq, %and3A_111, %eq3A_113 : vector<16xi32>
    %jit3A_115 = arith.constant 999999 : i32
    %broadcast_in_dim3A_116 = vector.broadcast %jit3A_115 : i32 to vector<16xi32>
    %select_n3A_117 = arith.select %eq3A_114, %broadcast_in_dim3A_116, %select_n3A_104 : vector<16xi1>, vector<16xi32>
    %shift_right_logical3A_118 = arith.constant 1 : i32
    %shift_right_logical3A_119 = vector.broadcast %shift_right_logical3A_118 : i32 to vector<16xi32>
    %shift_right_logical3A_120 = arith.shrui %select_n3A_117, %shift_right_logical3A_119 : vector<16xi32>
    %swap3A_121 = arith.constant 0 : i32
    %swap3A_122 = arith.index_cast %swap3A_121 : i32 to index
    %swap3A_123 = arith.constant 16 : index
    %swap3A_124 = tpu.vector_load %arg9[%swap3A_122, %swap3A_123] {strides = array<i32>} : memref<4x128xi32, #tpu.memory_space<vmem>>, vector<1x16xi32>,
    %swap3A_125 = vector.shape_cast %swap3A_124 : vector<1x16xi32> to vector<16xi32>
    %swap3A_126 = vector.shape_cast %shift_right_logical3A_120 : vector<16xi32> to vector<1x16xi32>
    tpu.vector_store %arg9[%swap3A_122, %swap3A_123], %swap3A_126 {strides = array<i32>} : memref<4x128xi32, #tpu.memory_space<vmem>>, vector<1x16xi32>,
    %and3A_127 = arith.constant 1 : i32
    %and3A_128 = vector.broadcast %and3A_127 : i32 to vector<16xi32>
    %and3A_129 = arith.andi %select_n3A_117, %and3A_128 : vector<16xi32>
    %swap3A_130 = arith.constant 16 : index
    %swap3A_131 = tpu.vector_load %arg10[%swap3A_130] {strides = array<i32>} : memref<512xi32, #tpu.memory_space<vmem>>, vector<16xi32>,
    %swap3A_132 = vector.shape_cast %swap3A_131 : vector<16xi32> to vector<16xi32>
    %swap3A_133 = vector.shape_cast %and3A_129 : vector<16xi32> to vector<16xi32>
    tpu.vector_store %arg10[%swap3A_130], %swap3A_133 {strides = array<i32>} : memref<512xi32, #tpu.memory_space<vmem>>, vector<16xi32>,
    %get3A_134 = arith.constant 32 : index
    %get3A_135 = tpu.vector_load %arg7[%get3A_134] {strides = array<i32>} : memref<512xi32, #tpu.memory_space<vmem>>, vector<16xi32>,
    %get3A_136 = vector.shape_cast %get3A_135 : vector<16xi32> to vector<16xi32>
    %get3A_137 = arith.constant 32 : index
    %get3A_138 = tpu.vector_load %arg8[%get3A_137] {strides = array<i32>} : memref<512xi32, #tpu.memory_space<vmem>>, vector<16xi32>,
    %get3A_139 = vector.shape_cast %get3A_138 : vector<16xi32> to vector<16xi32>
    %mul3A_140 = arith.constant 36313 : i32
    %mul3A_141 = vector.broadcast %mul3A_140 : i32 to vector<16xi32>
    %mul3A_142 = arith.muli %get3A_139, %mul3A_141 : vector<16xi32>
    %mul3A_143 = arith.constant 27191 : i32
    %mul3A_144 = vector.broadcast %mul3A_143 : i32 to vector<16xi32>
    %mul3A_145 = arith.muli %get3A_136, %mul3A_144 : vector<16xi32>
    %xor3A_146 = arith.xori %mul3A_142, %mul3A_145 : vector<16xi32>
    %convert_element_type3A_147 = arith.sitofp %xor3A_146 : vector<16xi32> to vector<16xf32>
    %mul3A_148 = arith.constant 1.00000102E-6 : f32
    %mul3A_149 = vector.broadcast %mul3A_148 : f32 to vector<16xf32>
    %mul3A_150 = arith.mulf %convert_element_type3A_147, %mul3A_149 : vector<16xf32>
    %convert_element_type3A_151 = arith.fptosi %mul3A_150 : vector<16xf32> to vector<16xi32>
    %mul3A_152 = arith.constant 999999 : i32
    %mul3A_153 = vector.broadcast %mul3A_152 : i32 to vector<16xi32>
    %mul3A_154 = arith.muli %convert_element_type3A_151, %mul3A_153 : vector<16xi32>
    %sub3A_155 = arith.subi %xor3A_146, %mul3A_154 : vector<16xi32>
    %lt3A_156 = arith.constant 0 : i32
    %lt3A_157 = vector.broadcast %lt3A_156 : i32 to vector<16xi32>
    %lt3A_158 = arith.cmpi slt, %sub3A_155, %lt3A_157 : vector<16xi32>
    %add3A_159 = arith.constant 999999 : i32
    %add3A_160 = vector.broadcast %add3A_159 : i32 to vector<16xi32>
    %add3A_161 = arith.addi %sub3A_155, %add3A_160 : vector<16xi32>
    %select_n3A_162 = arith.select %lt3A_158, %add3A_161, %sub3A_155 : vector<16xi1>, vector<16xi32>
    %lt3A_163 = arith.constant 0 : i32
    %lt3A_164 = vector.broadcast %lt3A_163 : i32 to vector<16xi32>
    %lt3A_165 = arith.cmpi slt, %select_n3A_162, %lt3A_164 : vector<16xi32>
    %add3A_166 = arith.constant 999999 : i32
    %add3A_167 = vector.broadcast %add3A_166 : i32 to vector<16xi32>
    %add3A_168 = arith.addi %select_n3A_162, %add3A_167 : vector<16xi32>
    %select_n3A_169 = arith.select %lt3A_165, %add3A_168, %select_n3A_162 : vector<16xi1>, vector<16xi32>
    %ge3A_170 = arith.constant 999999 : i32
    %ge3A_171 = vector.broadcast %ge3A_170 : i32 to vector<16xi32>
    %ge3A_172 = arith.cmpi sge, %select_n3A_169, %ge3A_171 : vector<16xi32>
    %sub3A_173 = arith.constant 999999 : i32
    %sub3A_174 = vector.broadcast %sub3A_173 : i32 to vector<16xi32>
    %sub3A_175 = arith.subi %select_n3A_169, %sub3A_174 : vector<16xi32>
    %select_n3A_176 = arith.select %ge3A_172, %sub3A_175, %select_n3A_169 : vector<16xi1>, vector<16xi32>
    %add3A_177 = arith.constant 32 : i32
    %add3A_178 = arith.addi %mul3A_2, %add3A_177 : i32
    %add3A_179 = vector.broadcast %add3A_178 : i32 to vector<16xi32>
    %add3A_180 = arith.addi %add3A_179, %iota3A : vector<16xi32>
    %and3A_181 = arith.constant 4095 : i32
    %and3A_182 = vector.broadcast %and3A_181 : i32 to vector<16xi32>
    %and3A_183 = arith.andi %add3A_180, %and3A_182 : vector<16xi32>
    %eq3A_184 = arith.constant 0 : i32
    %eq3A_185 = vector.broadcast %eq3A_184 : i32 to vector<16xi32>
    %eq3A_186 = arith.cmpi eq, %and3A_183, %eq3A_185 : vector<16xi32>
    %jit3A_187 = arith.constant 999999 : i32
    %broadcast_in_dim3A_188 = vector.broadcast %jit3A_187 : i32 to vector<16xi32>
    %select_n3A_189 = arith.select %eq3A_186, %broadcast_in_dim3A_188, %select_n3A_176 : vector<16xi1>, vector<16xi32>
    %shift_right_logical3A_190 = arith.constant 1 : i32
    %shift_right_logical3A_191 = vector.broadcast %shift_right_logical3A_190 : i32 to vector<16xi32>
    %shift_right_logical3A_192 = arith.shrui %select_n3A_189, %shift_right_logical3A_191 : vector<16xi32>
    %swap3A_193 = arith.constant 0 : i32
    %swap3A_194 = arith.index_cast %swap3A_193 : i32 to index
    %swap3A_195 = arith.constant 32 : index
    %swap3A_196 = tpu.vector_load %arg9[%swap3A_194, %swap3A_195] {strides = array<i32>} : memref<4x128xi32, #tpu.memory_space<vmem>>, vector<1x16xi32>,
    %swap3A_197 = vector.shape_cast %swap3A_196 : vector<1x16xi32> to vector<16xi32>
    %swap3A_198 = vector.shape_cast %shift_right_logical3A_192 : vector<16xi32> to vector<1x16xi32>
    tpu.vector_store %arg9[%swap3A_194, %swap3A_195], %swap3A_198 {strides = array<i32>} : memref<4x128xi32, #tpu.memory_space<vmem>>, vector<1x16xi32>,
    %and3A_199 = arith.constant 1 : i32
    %and3A_200 = vector.broadcast %and3A_199 : i32 to vector<16xi32>
    %and3A_201 = arith.andi %select_n3A_189, %and3A_200 : vector<16xi32>
    %swap3A_202 = arith.constant 32 : index
    %swap3A_203 = tpu.vector_load %arg10[%swap3A_202] {strides = array<i32>} : memref<512xi32, #tpu.memory_space<vmem>>, vector<16xi32>,
    %swap3A_204 = vector.shape_cast %swap3A_203 : vector<16xi32> to vector<16xi32>
    %swap3A_205 = vector.shape_cast %and3A_201 : vector<16xi32> to vector<16xi32>
    tpu.vector_store %arg10[%swap3A_202], %swap3A_205 {strides = array<i32>} : memref<512xi32, #tpu.memory_space<vmem>>, vector<16xi32>,
    %get3A_206 = arith.constant 48 : index
    %get3A_207 = tpu.vector_load %arg7[%get3A_206] {strides = array<i32>} : memref<512xi32, #tpu.memory_space<vmem>>, vector<16xi32>,
    %get3A_208 = vector.shape_cast %get3A_207 : vector<16xi32> to vector<16xi32>
    %get3A_209 = arith.constant 48 : index
    %get3A_210 = tpu.vector_load %arg8[%get3A_209] {strides = array<i32>} : memref<512xi32, #tpu.memory_space<vmem>>, vector<16xi32>,
    %get3A_211 = vector.shape_cast %get3A_210 : vector<16xi32> to vector<16xi32>
    %mul3A_212 = arith.constant 36313 : i32
    %mul3A_213 = vector.broadcast %mul3A_212 : i32 to vector<16xi32>
    %mul3A_214 = arith.muli %get3A_211, %mul3A_213 : vector<16xi32>
    %mul3A_215 = arith.constant 27191 : i32
    %mul3A_216 = vector.broadcast %mul3A_215 : i32 to vector<16xi32>
    %mul3A_217 = arith.muli %get3A_208, %mul3A_216 : vector<16xi32>
    %xor3A_218 = arith.xori %mul3A_214, %mul3A_217 : vector<16xi32>
    %convert_element_type3A_219 = arith.sitofp %xor3A_218 : vector<16xi32> to vector<16xf32>
    %mul3A_220 = arith.constant 1.00000102E-6 : f32
    %mul3A_221 = vector.broadcast %mul3A_220 : f32 to vector<16xf32>
    %mul3A_222 = arith.mulf %convert_element_type3A_219, %mul3A_221 : vector<16xf32>
    %convert_element_type3A_223 = arith.fptosi %mul3A_222 : vector<16xf32> to vector<16xi32>
    %mul3A_224 = arith.constant 999999 : i32
    %mul3A_225 = vector.broadcast %mul3A_224 : i32 to vector<16xi32>
    %mul3A_226 = arith.muli %convert_element_type3A_223, %mul3A_225 : vector<16xi32>
    %sub3A_227 = arith.subi %xor3A_218, %mul3A_226 : vector<16xi32>
    %lt3A_228 = arith.constant 0 : i32
    %lt3A_229 = vector.broadcast %lt3A_228 : i32 to vector<16xi32>
    %lt3A_230 = arith.cmpi slt, %sub3A_227, %lt3A_229 : vector<16xi32>
    %add3A_231 = arith.constant 999999 : i32
    %add3A_232 = vector.broadcast %add3A_231 : i32 to vector<16xi32>
    %add3A_233 = arith.addi %sub3A_227, %add3A_232 : vector<16xi32>
    %select_n3A_234 = arith.select %lt3A_230, %add3A_233, %sub3A_227 : vector<16xi1>, vector<16xi32>
    %lt3A_235 = arith.constant 0 : i32
    %lt3A_236 = vector.broadcast %lt3A_235 : i32 to vector<16xi32>
    %lt3A_237 = arith.cmpi slt, %select_n3A_234, %lt3A_236 : vector<16xi32>
    %add3A_238 = arith.constant 999999 : i32
    %add3A_239 = vector.broadcast %add3A_238 : i32 to vector<16xi32>
    %add3A_240 = arith.addi %select_n3A_234, %add3A_239 : vector<16xi32>
    %select_n3A_241 = arith.select %lt3A_237, %add3A_240, %select_n3A_234 : vector<16xi1>, vector<16xi32>
    %ge3A_242 = arith.constant 999999 : i32
    %ge3A_243 = vector.broadcast %ge3A_242 : i32 to vector<16xi32>
    %ge3A_244 = arith.cmpi sge, %select_n3A_241, %ge3A_243 : vector<16xi32>
    %sub3A_245 = arith.constant 999999 : i32
    %sub3A_246 = vector.broadcast %sub3A_245 : i32 to vector<16xi32>
    %sub3A_247 = arith.subi %select_n3A_241, %sub3A_246 : vector<16xi32>
    %select_n3A_248 = arith.select %ge3A_244, %sub3A_247, %select_n3A_241 : vector<16xi1>, vector<16xi32>
    %add3A_249 = arith.constant 48 : i32
    %add3A_250 = arith.addi %mul3A_2, %add3A_249 : i32
    %add3A_251 = vector.broadcast %add3A_250 : i32 to vector<16xi32>
    %add3A_252 = arith.addi %add3A_251, %iota3A : vector<16xi32>
    %and3A_253 = arith.constant 4095 : i32
    %and3A_254 = vector.broadcast %and3A_253 : i32 to vector<16xi32>
    %and3A_255 = arith.andi %add3A_252, %and3A_254 : vector<16xi32>
    %eq3A_256 = arith.constant 0 : i32
    %eq3A_257 = vector.broadcast %eq3A_256 : i32 to vector<16xi32>
    %eq3A_258 = arith.cmpi eq, %and3A_255, %eq3A_257 : vector<16xi32>
    %jit3A_259 = arith.constant 999999 : i32
    %broadcast_in_dim3A_260 = vector.broadcast %jit3A_259 : i32 to vector<16xi32>
    %select_n3A_261 = arith.select %eq3A_258, %broadcast_in_dim3A_260, %select_n3A_248 : vector<16xi1>, vector<16xi32>
    %shift_right_logical3A_262 = arith.constant 1 : i32
    %shift_right_logical3A_263 = vector.broadcast %shift_right_logical3A_262 : i32 to vector<16xi32>
    %shift_right_logical3A_264 = arith.shrui %select_n3A_261, %shift_right_logical3A_263 : vector<16xi32>
    %swap3A_265 = arith.constant 0 : i32
    %swap3A_266 = arith.index_cast %swap3A_265 : i32 to index
    %swap3A_267 = arith.constant 48 : index
    %swap3A_268 = tpu.vector_load %arg9[%swap3A_266, %swap3A_267] {strides = array<i32>} : memref<4x128xi32, #tpu.memory_space<vmem>>, vector<1x16xi32>,
    %swap3A_269 = vector.shape_cast %swap3A_268 : vector<1x16xi32> to vector<16xi32>
    %swap3A_270 = vector.shape_cast %shift_right_logical3A_264 : vector<16xi32> to vector<1x16xi32>
    tpu.vector_store %arg9[%swap3A_266, %swap3A_267], %swap3A_270 {strides = array<i32>} : memref<4x128xi32, #tpu.memory_space<vmem>>, vector<1x16xi32>,
    %and3A_271 = arith.constant 1 : i32
    %and3A_272 = vector.broadcast %and3A_271 : i32 to vector<16xi32>
    %and3A_273 = arith.andi %select_n3A_261, %and3A_272 : vector<16xi32>
    %swap3A_274 = arith.constant 48 : index
    %swap3A_275 = tpu.vector_load %arg10[%swap3A_274] {strides = array<i32>} : memref<512xi32, #tpu.memory_space<vmem>>, vector<16xi32>,
    %swap3A_276 = vector.shape_cast %swap3A_275 : vector<16xi32> to vector<16xi32>
    %swap3A_277 = vector.shape_cast %and3A_273 : vector<16xi32> to vector<16xi32>
    tpu.vector_store %arg10[%swap3A_274], %swap3A_277 {strides = array<i32>} : memref<512xi32, #tpu.memory_space<vmem>>, vector<16xi32>,
    %get3A_278 = arith.constant 64 : index
    %get3A_279 = tpu.vector_load %arg7[%get3A_278] {strides = array<i32>} : memref<512xi32, #tpu.memory_space<vmem>>, vector<16xi32>,
    %get3A_280 = vector.shape_cast %get3A_279 : vector<16xi32> to vector<16xi32>
    %get3A_281 = arith.constant 64 : index
    %get3A_282 = tpu.vector_load %arg8[%get3A_281] {strides = array<i32>} : memref<512xi32, #tpu.memory_space<vmem>>, vector<16xi32>,
    %get3A_283 = vector.shape_cast %get3A_282 : vector<16xi32> to vector<16xi32>
    %mul3A_284 = arith.constant 36313 : i32
    %mul3A_285 = vector.broadcast %mul3A_284 : i32 to vector<16xi32>
    %mul3A_286 = arith.muli %get3A_283, %mul3A_285 : vector<16xi32>
    %mul3A_287 = arith.constant 27191 : i32
    %mul3A_288 = vector.broadcast %mul3A_287 : i32 to vector<16xi32>
    %mul3A_289 = arith.muli %get3A_280, %mul3A_288 : vector<16xi32>
    %xor3A_290 = arith.xori %mul3A_286, %mul3A_289 : vector<16xi32>
    %convert_element_type3A_291 = arith.sitofp %xor3A_290 : vector<16xi32> to vector<16xf32>
    %mul3A_292 = arith.constant 1.00000102E-6 : f32
    %mul3A_293 = vector.broadcast %mul3A_292 : f32 to vector<16xf32>
    %mul3A_294 = arith.mulf %convert_element_type3A_291, %mul3A_293 : vector<16xf32>
    %convert_element_type3A_295 = arith.fptosi %mul3A_294 : vector<16xf32> to vector<16xi32>
    %mul3A_296 = arith.constant 999999 : i32
    %mul3A_297 = vector.broadcast %mul3A_296 : i32 to vector<16xi32>
    %mul3A_298 = arith.muli %convert_element_type3A_295, %mul3A_297 : vector<16xi32>
    %sub3A_299 = arith.subi %xor3A_290, %mul3A_298 : vector<16xi32>
    %lt3A_300 = arith.constant 0 : i32
    %lt3A_301 = vector.broadcast %lt3A_300 : i32 to vector<16xi32>
    %lt3A_302 = arith.cmpi slt, %sub3A_299, %lt3A_301 : vector<16xi32>
    %add3A_303 = arith.constant 999999 : i32
    %add3A_304 = vector.broadcast %add3A_303 : i32 to vector<16xi32>
    %add3A_305 = arith.addi %sub3A_299, %add3A_304 : vector<16xi32>
    %select_n3A_306 = arith.select %lt3A_302, %add3A_305, %sub3A_299 : vector<16xi1>, vector<16xi32>
    %lt3A_307 = arith.constant 0 : i32
    %lt3A_308 = vector.broadcast %lt3A_307 : i32 to vector<16xi32>
    %lt3A_309 = arith.cmpi slt, %select_n3A_306, %lt3A_308 : vector<16xi32>
    %add3A_310 = arith.constant 999999 : i32
    %add3A_311 = vector.broadcast %add3A_310 : i32 to vector<16xi32>
    %add3A_312 = arith.addi %select_n3A_306, %add3A_311 : vector<16xi32>
    %select_n3A_313 = arith.select %lt3A_309, %add3A_312, %select_n3A_306 : vector<16xi1>, vector<16xi32>
    %ge3A_314 = arith.constant 999999 : i32
    %ge3A_315 = vector.broadcast %ge3A_314 : i32 to vector<16xi32>
    %ge3A_316 = arith.cmpi sge, %select_n3A_313, %ge3A_315 : vector<16xi32>
    %sub3A_317 = arith.constant 999999 : i32
    %sub3A_318 = vector.broadcast %sub3A_317 : i32 to vector<16xi32>
    %sub3A_319 = arith.subi %select_n3A_313, %sub3A_318 : vector<16xi32>
    %select_n3A_320 = arith.select %ge3A_316, %sub3A_319, %select_n3A_313 : vector<16xi1>, vector<16xi32>
    %add3A_321 = arith.constant 64 : i32
    %add3A_322 = arith.addi %mul3A_2, %add3A_321 : i32
    %add3A_323 = vector.broadcast %add3A_322 : i32 to vector<16xi32>
    %add3A_324 = arith.addi %add3A_323, %iota3A : vector<16xi32>
    %and3A_325 = arith.constant 4095 : i32
    %and3A_326 = vector.broadcast %and3A_325 : i32 to vector<16xi32>
    %and3A_327 = arith.andi %add3A_324, %and3A_326 : vector<16xi32>
    %eq3A_328 = arith.constant 0 : i32
    %eq3A_329 = vector.broadcast %eq3A_328 : i32 to vector<16xi32>
    %eq3A_330 = arith.cmpi eq, %and3A_327, %eq3A_329 : vector<16xi32>
    %jit3A_331 = arith.constant 999999 : i32
    %broadcast_in_dim3A_332 = vector.broadcast %jit3A_331 : i32 to vector<16xi32>
    %select_n3A_333 = arith.select %eq3A_330, %broadcast_in_dim3A_332, %select_n3A_320 : vector<16xi1>, vector<16xi32>
    %shift_right_logical3A_334 = arith.constant 1 : i32
    %shift_right_logical3A_335 = vector.broadcast %shift_right_logical3A_334 : i32 to vector<16xi32>
    %shift_right_logical3A_336 = arith.shrui %select_n3A_333, %shift_right_logical3A_335 : vector<16xi32>
    %swap3A_337 = arith.constant 0 : i32
    %swap3A_338 = arith.index_cast %swap3A_337 : i32 to index
    %swap3A_339 = arith.constant 64 : index
    %swap3A_340 = tpu.vector_load %arg9[%swap3A_338, %swap3A_339] {strides = array<i32>} : memref<4x128xi32, #tpu.memory_space<vmem>>, vector<1x16xi32>,
    %swap3A_341 = vector.shape_cast %swap3A_340 : vector<1x16xi32> to vector<16xi32>
    %swap3A_342 = vector.shape_cast %shift_right_logical3A_336 : vector<16xi32> to vector<1x16xi32>
    tpu.vector_store %arg9[%swap3A_338, %swap3A_339], %swap3A_342 {strides = array<i32>} : memref<4x128xi32, #tpu.memory_space<vmem>>, vector<1x16xi32>,
    %and3A_343 = arith.constant 1 : i32
    %and3A_344 = vector.broadcast %and3A_343 : i32 to vector<16xi32>
    %and3A_345 = arith.andi %select_n3A_333, %and3A_344 : vector<16xi32>
    %swap3A_346 = arith.constant 64 : index
    %swap3A_347 = tpu.vector_load %arg10[%swap3A_346] {strides = array<i32>} : memref<512xi32, #tpu.memory_space<vmem>>, vector<16xi32>,
    %swap3A_348 = vector.shape_cast %swap3A_347 : vector<16xi32> to vector<16xi32>
    %swap3A_349 = vector.shape_cast %and3A_345 : vector<16xi32> to vector<16xi32>
    tpu.vector_store %arg10[%swap3A_346], %swap3A_349 {strides = array<i32>} : memref<512xi32, #tpu.memory_space<vmem>>, vector<16xi32>,
    %get3A_350 = arith.constant 80 : index
    %get3A_351 = tpu.vector_load %arg7[%get3A_350] {strides = array<i32>} : memref<512xi32, #tpu.memory_space<vmem>>, vector<16xi32>,
    %get3A_352 = vector.shape_cast %get3A_351 : vector<16xi32> to vector<16xi32>
    %get3A_353 = arith.constant 80 : index
    %get3A_354 = tpu.vector_load %arg8[%get3A_353] {strides = array<i32>} : memref<512xi32, #tpu.memory_space<vmem>>, vector<16xi32>,
    %get3A_355 = vector.shape_cast %get3A_354 : vector<16xi32> to vector<16xi32>
    %mul3A_356 = arith.constant 36313 : i32
    %mul3A_357 = vector.broadcast %mul3A_356 : i32 to vector<16xi32>
    %mul3A_358 = arith.muli %get3A_355, %mul3A_357 : vector<16xi32>
    %mul3A_359 = arith.constant 27191 : i32
    %mul3A_360 = vector.broadcast %mul3A_359 : i32 to vector<16xi32>
    %mul3A_361 = arith.muli %get3A_352, %mul3A_360 : vector<16xi32>
    %xor3A_362 = arith.xori %mul3A_358, %mul3A_361 : vector<16xi32>
    %convert_element_type3A_363 = arith.sitofp %xor3A_362 : vector<16xi32> to vector<16xf32>
    %mul3A_364 = arith.constant 1.00000102E-6 : f32
    %mul3A_365 = vector.broadcast %mul3A_364 : f32 to vector<16xf32>
    %mul3A_366 = arith.mulf %convert_element_type3A_363, %mul3A_365 : vector<16xf32>
    %convert_element_type3A_367 = arith.fptosi %mul3A_366 : vector<16xf32> to vector<16xi32>
    %mul3A_368 = arith.constant 999999 : i32
    %mul3A_369 = vector.broadcast %mul3A_368 : i32 to vector<16xi32>
    %mul3A_370 = arith.muli %convert_element_type3A_367, %mul3A_369 : vector<16xi32>
    %sub3A_371 = arith.subi %xor3A_362, %mul3A_370 : vector<16xi32>
    %lt3A_372 = arith.constant 0 : i32
    %lt3A_373 = vector.broadcast %lt3A_372 : i32 to vector<16xi32>
    %lt3A_374 = arith.cmpi slt, %sub3A_371, %lt3A_373 : vector<16xi32>
    %add3A_375 = arith.constant 999999 : i32
    %add3A_376 = vector.broadcast %add3A_375 : i32 to vector<16xi32>
    %add3A_377 = arith.addi %sub3A_371, %add3A_376 : vector<16xi32>
    %select_n3A_378 = arith.select %lt3A_374, %add3A_377, %sub3A_371 : vector<16xi1>, vector<16xi32>
    %lt3A_379 = arith.constant 0 : i32
    %lt3A_380 = vector.broadcast %lt3A_379 : i32 to vector<16xi32>
    %lt3A_381 = arith.cmpi slt, %select_n3A_378, %lt3A_380 : vector<16xi32>
    %add3A_382 = arith.constant 999999 : i32
    %add3A_383 = vector.broadcast %add3A_382 : i32 to vector<16xi32>
    %add3A_384 = arith.addi %select_n3A_378, %add3A_383 : vector<16xi32>
    %select_n3A_385 = arith.select %lt3A_381, %add3A_384, %select_n3A_378 : vector<16xi1>, vector<16xi32>
    %ge3A_386 = arith.constant 999999 : i32
    %ge3A_387 = vector.broadcast %ge3A_386 : i32 to vector<16xi32>
    %ge3A_388 = arith.cmpi sge, %select_n3A_385, %ge3A_387 : vector<16xi32>
    %sub3A_389 = arith.constant 999999 : i32
    %sub3A_390 = vector.broadcast %sub3A_389 : i32 to vector<16xi32>
    %sub3A_391 = arith.subi %select_n3A_385, %sub3A_390 : vector<16xi32>
    %select_n3A_392 = arith.select %ge3A_388, %sub3A_391, %select_n3A_385 : vector<16xi1>, vector<16xi32>
    %add3A_393 = arith.constant 80 : i32
    %add3A_394 = arith.addi %mul3A_2, %add3A_393 : i32
    %add3A_395 = vector.broadcast %add3A_394 : i32 to vector<16xi32>
    %add3A_396 = arith.addi %add3A_395, %iota3A : vector<16xi32>
    %and3A_397 = arith.constant 4095 : i32
    %and3A_398 = vector.broadcast %and3A_397 : i32 to vector<16xi32>
    %and3A_399 = arith.andi %add3A_396, %and3A_398 : vector<16xi32>
    %eq3A_400 = arith.constant 0 : i32
    %eq3A_401 = vector.broadcast %eq3A_400 : i32 to vector<16xi32>
    %eq3A_402 = arith.cmpi eq, %and3A_399, %eq3A_401 : vector<16xi32>
    %jit3A_403 = arith.constant 999999 : i32
    %broadcast_in_dim3A_404 = vector.broadcast %jit3A_403 : i32 to vector<16xi32>
    %select_n3A_405 = arith.select %eq3A_402, %broadcast_in_dim3A_404, %select_n3A_392 : vector<16xi1>, vector<16xi32>
    %shift_right_logical3A_406 = arith.constant 1 : i32
    %shift_right_logical3A_407 = vector.broadcast %shift_right_logical3A_406 : i32 to vector<16xi32>
    %shift_right_logical3A_408 = arith.shrui %select_n3A_405, %shift_right_logical3A_407 : vector<16xi32>
    %swap3A_409 = arith.constant 0 : i32
    %swap3A_410 = arith.index_cast %swap3A_409 : i32 to index
    %swap3A_411 = arith.constant 80 : index
    %swap3A_412 = tpu.vector_load %arg9[%swap3A_410, %swap3A_411] {strides = array<i32>} : memref<4x128xi32, #tpu.memory_space<vmem>>, vector<1x16xi32>,
    %swap3A_413 = vector.shape_cast %swap3A_412 : vector<1x16xi32> to vector<16xi32>
    %swap3A_414 = vector.shape_cast %shift_right_logical3A_408 : vector<16xi32> to vector<1x16xi32>
    tpu.vector_store %arg9[%swap3A_410, %swap3A_411], %swap3A_414 {strides = array<i32>} : memref<4x128xi32, #tpu.memory_space<vmem>>, vector<1x16xi32>,
    %and3A_415 = arith.constant 1 : i32
    %and3A_416 = vector.broadcast %and3A_415 : i32 to vector<16xi32>
    %and3A_417 = arith.andi %select_n3A_405, %and3A_416 : vector<16xi32>
    %swap3A_418 = arith.constant 80 : index
    %swap3A_419 = tpu.vector_load %arg10[%swap3A_418] {strides = array<i32>} : memref<512xi32, #tpu.memory_space<vmem>>, vector<16xi32>,
    %swap3A_420 = vector.shape_cast %swap3A_419 : vector<16xi32> to vector<16xi32>
    %swap3A_421 = vector.shape_cast %and3A_417 : vector<16xi32> to vector<16xi32>
    tpu.vector_store %arg10[%swap3A_418], %swap3A_421 {strides = array<i32>} : memref<512xi32, #tpu.memory_space<vmem>>, vector<16xi32>,
    %get3A_422 = arith.constant 96 : index
    %get3A_423 = tpu.vector_load %arg7[%get3A_422] {strides = array<i32>} : memref<512xi32, #tpu.memory_space<vmem>>, vector<16xi32>,
    %get3A_424 = vector.shape_cast %get3A_423 : vector<16xi32> to vector<16xi32>
    %get3A_425 = arith.constant 96 : index
    %get3A_426 = tpu.vector_load %arg8[%get3A_425] {strides = array<i32>} : memref<512xi32, #tpu.memory_space<vmem>>, vector<16xi32>,
    %get3A_427 = vector.shape_cast %get3A_426 : vector<16xi32> to vector<16xi32>
    %mul3A_428 = arith.constant 36313 : i32
    %mul3A_429 = vector.broadcast %mul3A_428 : i32 to vector<16xi32>
    %mul3A_430 = arith.muli %get3A_427, %mul3A_429 : vector<16xi32>
    %mul3A_431 = arith.constant 27191 : i32
    %mul3A_432 = vector.broadcast %mul3A_431 : i32 to vector<16xi32>
    %mul3A_433 = arith.muli %get3A_424, %mul3A_432 : vector<16xi32>
    %xor3A_434 = arith.xori %mul3A_430, %mul3A_433 : vector<16xi32>
    %convert_element_type3A_435 = arith.sitofp %xor3A_434 : vector<16xi32> to vector<16xf32>
    %mul3A_436 = arith.constant 1.00000102E-6 : f32
    %mul3A_437 = vector.broadcast %mul3A_436 : f32 to vector<16xf32>
    %mul3A_438 = arith.mulf %convert_element_type3A_435, %mul3A_437 : vector<16xf32>
    %convert_element_type3A_439 = arith.fptosi %mul3A_438 : vector<16xf32> to vector<16xi32>
    %mul3A_440 = arith.constant 999999 : i32
    %mul3A_441 = vector.broadcast %mul3A_440 : i32 to vector<16xi32>
    %mul3A_442 = arith.muli %convert_element_type3A_439, %mul3A_441 : vector<16xi32>
    %sub3A_443 = arith.subi %xor3A_434, %mul3A_442 : vector<16xi32>
    %lt3A_444 = arith.constant 0 : i32
    %lt3A_445 = vector.broadcast %lt3A_444 : i32 to vector<16xi32>
    %lt3A_446 = arith.cmpi slt, %sub3A_443, %lt3A_445 : vector<16xi32>
    %add3A_447 = arith.constant 999999 : i32
    %add3A_448 = vector.broadcast %add3A_447 : i32 to vector<16xi32>
    %add3A_449 = arith.addi %sub3A_443, %add3A_448 : vector<16xi32>
    %select_n3A_450 = arith.select %lt3A_446, %add3A_449, %sub3A_443 : vector<16xi1>, vector<16xi32>
    %lt3A_451 = arith.constant 0 : i32
    %lt3A_452 = vector.broadcast %lt3A_451 : i32 to vector<16xi32>
    %lt3A_453 = arith.cmpi slt, %select_n3A_450, %lt3A_452 : vector<16xi32>
    %add3A_454 = arith.constant 999999 : i32
    %add3A_455 = vector.broadcast %add3A_454 : i32 to vector<16xi32>
    %add3A_456 = arith.addi %select_n3A_450, %add3A_455 : vector<16xi32>
    %select_n3A_457 = arith.select %lt3A_453, %add3A_456, %select_n3A_450 : vector<16xi1>, vector<16xi32>
    %ge3A_458 = arith.constant 999999 : i32
    %ge3A_459 = vector.broadcast %ge3A_458 : i32 to vector<16xi32>
    %ge3A_460 = arith.cmpi sge, %select_n3A_457, %ge3A_459 : vector<16xi32>
    %sub3A_461 = arith.constant 999999 : i32
    %sub3A_462 = vector.broadcast %sub3A_461 : i32 to vector<16xi32>
    %sub3A_463 = arith.subi %select_n3A_457, %sub3A_462 : vector<16xi32>
    %select_n3A_464 = arith.select %ge3A_460, %sub3A_463, %select_n3A_457 : vector<16xi1>, vector<16xi32>
    %add3A_465 = arith.constant 96 : i32
    %add3A_466 = arith.addi %mul3A_2, %add3A_465 : i32
    %add3A_467 = vector.broadcast %add3A_466 : i32 to vector<16xi32>
    %add3A_468 = arith.addi %add3A_467, %iota3A : vector<16xi32>
    %and3A_469 = arith.constant 4095 : i32
    %and3A_470 = vector.broadcast %and3A_469 : i32 to vector<16xi32>
    %and3A_471 = arith.andi %add3A_468, %and3A_470 : vector<16xi32>
    %eq3A_472 = arith.constant 0 : i32
    %eq3A_473 = vector.broadcast %eq3A_472 : i32 to vector<16xi32>
    %eq3A_474 = arith.cmpi eq, %and3A_471, %eq3A_473 : vector<16xi32>
    %jit3A_475 = arith.constant 999999 : i32
    %broadcast_in_dim3A_476 = vector.broadcast %jit3A_475 : i32 to vector<16xi32>
    %select_n3A_477 = arith.select %eq3A_474, %broadcast_in_dim3A_476, %select_n3A_464 : vector<16xi1>, vector<16xi32>
    %shift_right_logical3A_478 = arith.constant 1 : i32
    %shift_right_logical3A_479 = vector.broadcast %shift_right_logical3A_478 : i32 to vector<16xi32>
    %shift_right_logical3A_480 = arith.shrui %select_n3A_477, %shift_right_logical3A_479 : vector<16xi32>
    %swap3A_481 = arith.constant 0 : i32
    %swap3A_482 = arith.index_cast %swap3A_481 : i32 to index
    %swap3A_483 = arith.constant 96 : index
    %swap3A_484 = tpu.vector_load %arg9[%swap3A_482, %swap3A_483] {strides = array<i32>} : memref<4x128xi32, #tpu.memory_space<vmem>>, vector<1x16xi32>,
    %swap3A_485 = vector.shape_cast %swap3A_484 : vector<1x16xi32> to vector<16xi32>
    %swap3A_486 = vector.shape_cast %shift_right_logical3A_480 : vector<16xi32> to vector<1x16xi32>
    tpu.vector_store %arg9[%swap3A_482, %swap3A_483], %swap3A_486 {strides = array<i32>} : memref<4x128xi32, #tpu.memory_space<vmem>>, vector<1x16xi32>,
    %and3A_487 = arith.constant 1 : i32
    %and3A_488 = vector.broadcast %and3A_487 : i32 to vector<16xi32>
    %and3A_489 = arith.andi %select_n3A_477, %and3A_488 : vector<16xi32>
    %swap3A_490 = arith.constant 96 : index
    %swap3A_491 = tpu.vector_load %arg10[%swap3A_490] {strides = array<i32>} : memref<512xi32, #tpu.memory_space<vmem>>, vector<16xi32>,
    %swap3A_492 = vector.shape_cast %swap3A_491 : vector<16xi32> to vector<16xi32>
    %swap3A_493 = vector.shape_cast %and3A_489 : vector<16xi32> to vector<16xi32>
    tpu.vector_store %arg10[%swap3A_490], %swap3A_493 {strides = array<i32>} : memref<512xi32, #tpu.memory_space<vmem>>, vector<16xi32>,
    %get3A_494 = arith.constant 112 : index
    %get3A_495 = tpu.vector_load %arg7[%get3A_494] {strides = array<i32>} : memref<512xi32, #tpu.memory_space<vmem>>, vector<16xi32>,
    %get3A_496 = vector.shape_cast %get3A_495 : vector<16xi32> to vector<16xi32>
    %get3A_497 = arith.constant 112 : index
    %get3A_498 = tpu.vector_load %arg8[%get3A_497] {strides = array<i32>} : memref<512xi32, #tpu.memory_space<vmem>>, vector<16xi32>,
    %get3A_499 = vector.shape_cast %get3A_498 : vector<16xi32> to vector<16xi32>
    %mul3A_500 = arith.constant 36313 : i32
    %mul3A_501 = vector.broadcast %mul3A_500 : i32 to vector<16xi32>
    %mul3A_502 = arith.muli %get3A_499, %mul3A_501 : vector<16xi32>
    %mul3A_503 = arith.constant 27191 : i32
    %mul3A_504 = vector.broadcast %mul3A_503 : i32 to vector<16xi32>
    %mul3A_505 = arith.muli %get3A_496, %mul3A_504 : vector<16xi32>
    %xor3A_506 = arith.xori %mul3A_502, %mul3A_505 : vector<16xi32>
    %convert_element_type3A_507 = arith.sitofp %xor3A_506 : vector<16xi32> to vector<16xf32>
    %mul3A_508 = arith.constant 1.00000102E-6 : f32
    %mul3A_509 = vector.broadcast %mul3A_508 : f32 to vector<16xf32>
    %mul3A_510 = arith.mulf %convert_element_type3A_507, %mul3A_509 : vector<16xf32>
    %convert_element_type3A_511 = arith.fptosi %mul3A_510 : vector<16xf32> to vector<16xi32>
    %mul3A_512 = arith.constant 999999 : i32
    %mul3A_513 = vector.broadcast %mul3A_512 : i32 to vector<16xi32>
    %mul3A_514 = arith.muli %convert_element_type3A_511, %mul3A_513 : vector<16xi32>
    %sub3A_515 = arith.subi %xor3A_506, %mul3A_514 : vector<16xi32>
    %lt3A_516 = arith.constant 0 : i32
    %lt3A_517 = vector.broadcast %lt3A_516 : i32 to vector<16xi32>
    %lt3A_518 = arith.cmpi slt, %sub3A_515, %lt3A_517 : vector<16xi32>
    %add3A_519 = arith.constant 999999 : i32
    %add3A_520 = vector.broadcast %add3A_519 : i32 to vector<16xi32>
    %add3A_521 = arith.addi %sub3A_515, %add3A_520 : vector<16xi32>
    %select_n3A_522 = arith.select %lt3A_518, %add3A_521, %sub3A_515 : vector<16xi1>, vector<16xi32>
    %lt3A_523 = arith.constant 0 : i32
    %lt3A_524 = vector.broadcast %lt3A_523 : i32 to vector<16xi32>
    %lt3A_525 = arith.cmpi slt, %select_n3A_522, %lt3A_524 : vector<16xi32>
    %add3A_526 = arith.constant 999999 : i32
    %add3A_527 = vector.broadcast %add3A_526 : i32 to vector<16xi32>
    %add3A_528 = arith.addi %select_n3A_522, %add3A_527 : vector<16xi32>
    %select_n3A_529 = arith.select %lt3A_525, %add3A_528, %select_n3A_522 : vector<16xi1>, vector<16xi32>
    %ge3A_530 = arith.constant 999999 : i32
    %ge3A_531 = vector.broadcast %ge3A_530 : i32 to vector<16xi32>
    %ge3A_532 = arith.cmpi sge, %select_n3A_529, %ge3A_531 : vector<16xi32>
    %sub3A_533 = arith.constant 999999 : i32
    %sub3A_534 = vector.broadcast %sub3A_533 : i32 to vector<16xi32>
    %sub3A_535 = arith.subi %select_n3A_529, %sub3A_534 : vector<16xi32>
    %select_n3A_536 = arith.select %ge3A_532, %sub3A_535, %select_n3A_529 : vector<16xi1>, vector<16xi32>
    %add3A_537 = arith.constant 112 : i32
    %add3A_538 = arith.addi %mul3A_2, %add3A_537 : i32
    %add3A_539 = vector.broadcast %add3A_538 : i32 to vector<16xi32>
    %add3A_540 = arith.addi %add3A_539, %iota3A : vector<16xi32>
    %and3A_541 = arith.constant 4095 : i32
    %and3A_542 = vector.broadcast %and3A_541 : i32 to vector<16xi32>
    %and3A_543 = arith.andi %add3A_540, %and3A_542 : vector<16xi32>
    %eq3A_544 = arith.constant 0 : i32
    %eq3A_545 = vector.broadcast %eq3A_544 : i32 to vector<16xi32>
    %eq3A_546 = arith.cmpi eq, %and3A_543, %eq3A_545 : vector<16xi32>
    %jit3A_547 = arith.constant 999999 : i32
    %broadcast_in_dim3A_548 = vector.broadcast %jit3A_547 : i32 to vector<16xi32>
    %select_n3A_549 = arith.select %eq3A_546, %broadcast_in_dim3A_548, %select_n3A_536 : vector<16xi1>, vector<16xi32>
    %shift_right_logical3A_550 = arith.constant 1 : i32
    %shift_right_logical3A_551 = vector.broadcast %shift_right_logical3A_550 : i32 to vector<16xi32>
    %shift_right_logical3A_552 = arith.shrui %select_n3A_549, %shift_right_logical3A_551 : vector<16xi32>
    %swap3A_553 = arith.constant 0 : i32
    %swap3A_554 = arith.index_cast %swap3A_553 : i32 to index
    %swap3A_555 = arith.constant 112 : index
    %swap3A_556 = tpu.vector_load %arg9[%swap3A_554, %swap3A_555] {strides = array<i32>} : memref<4x128xi32, #tpu.memory_space<vmem>>, vector<1x16xi32>,
    %swap3A_557 = vector.shape_cast %swap3A_556 : vector<1x16xi32> to vector<16xi32>
    %swap3A_558 = vector.shape_cast %shift_right_logical3A_552 : vector<16xi32> to vector<1x16xi32>
    tpu.vector_store %arg9[%swap3A_554, %swap3A_555], %swap3A_558 {strides = array<i32>} : memref<4x128xi32, #tpu.memory_space<vmem>>, vector<1x16xi32>,
    %and3A_559 = arith.constant 1 : i32
    %and3A_560 = vector.broadcast %and3A_559 : i32 to vector<16xi32>
    %and3A_561 = arith.andi %select_n3A_549, %and3A_560 : vector<16xi32>
    %swap3A_562 = arith.constant 112 : index
    %swap3A_563 = tpu.vector_load %arg10[%swap3A_562] {strides = array<i32>} : memref<512xi32, #tpu.memory_space<vmem>>, vector<16xi32>,
    %swap3A_564 = vector.shape_cast %swap3A_563 : vector<16xi32> to vector<16xi32>
    %swap3A_565 = vector.shape_cast %and3A_561 : vector<16xi32> to vector<16xi32>
    tpu.vector_store %arg10[%swap3A_562], %swap3A_565 {strides = array<i32>} : memref<512xi32, #tpu.memory_space<vmem>>, vector<16xi32>,
    %get3A_566 = arith.constant 128 : index
    %get3A_567 = tpu.vector_load %arg7[%get3A_566] {strides = array<i32>} : memref<512xi32, #tpu.memory_space<vmem>>, vector<16xi32>,
    %get3A_568 = vector.shape_cast %get3A_567 : vector<16xi32> to vector<16xi32>
    %get3A_569 = arith.constant 128 : index
    %get3A_570 = tpu.vector_load %arg8[%get3A_569] {strides = array<i32>} : memref<512xi32, #tpu.memory_space<vmem>>, vector<16xi32>,
    %get3A_571 = vector.shape_cast %get3A_570 : vector<16xi32> to vector<16xi32>
    %mul3A_572 = arith.constant 36313 : i32
    %mul3A_573 = vector.broadcast %mul3A_572 : i32 to vector<16xi32>
    %mul3A_574 = arith.muli %get3A_571, %mul3A_573 : vector<16xi32>
    %mul3A_575 = arith.constant 27191 : i32
    %mul3A_576 = vector.broadcast %mul3A_575 : i32 to vector<16xi32>
    %mul3A_577 = arith.muli %get3A_568, %mul3A_576 : vector<16xi32>
    %xor3A_578 = arith.xori %mul3A_574, %mul3A_577 : vector<16xi32>
    %convert_element_type3A_579 = arith.sitofp %xor3A_578 : vector<16xi32> to vector<16xf32>
    %mul3A_580 = arith.constant 1.00000102E-6 : f32
    %mul3A_581 = vector.broadcast %mul3A_580 : f32 to vector<16xf32>
    %mul3A_582 = arith.mulf %convert_element_type3A_579, %mul3A_581 : vector<16xf32>
    %convert_element_type3A_583 = arith.fptosi %mul3A_582 : vector<16xf32> to vector<16xi32>
    %mul3A_584 = arith.constant 999999 : i32
    %mul3A_585 = vector.broadcast %mul3A_584 : i32 to vector<16xi32>
    %mul3A_586 = arith.muli %convert_element_type3A_583, %mul3A_585 : vector<16xi32>
    %sub3A_587 = arith.subi %xor3A_578, %mul3A_586 : vector<16xi32>
    %lt3A_588 = arith.constant 0 : i32
    %lt3A_589 = vector.broadcast %lt3A_588 : i32 to vector<16xi32>
    %lt3A_590 = arith.cmpi slt, %sub3A_587, %lt3A_589 : vector<16xi32>
    %add3A_591 = arith.constant 999999 : i32
    %add3A_592 = vector.broadcast %add3A_591 : i32 to vector<16xi32>
    %add3A_593 = arith.addi %sub3A_587, %add3A_592 : vector<16xi32>
    %select_n3A_594 = arith.select %lt3A_590, %add3A_593, %sub3A_587 : vector<16xi1>, vector<16xi32>
    %lt3A_595 = arith.constant 0 : i32
    %lt3A_596 = vector.broadcast %lt3A_595 : i32 to vector<16xi32>
    %lt3A_597 = arith.cmpi slt, %select_n3A_594, %lt3A_596 : vector<16xi32>
    %add3A_598 = arith.constant 999999 : i32
    %add3A_599 = vector.broadcast %add3A_598 : i32 to vector<16xi32>
    %add3A_600 = arith.addi %select_n3A_594, %add3A_599 : vector<16xi32>
    %select_n3A_601 = arith.select %lt3A_597, %add3A_600, %select_n3A_594 : vector<16xi1>, vector<16xi32>
    %ge3A_602 = arith.constant 999999 : i32
    %ge3A_603 = vector.broadcast %ge3A_602 : i32 to vector<16xi32>
    %ge3A_604 = arith.cmpi sge, %select_n3A_601, %ge3A_603 : vector<16xi32>
    %sub3A_605 = arith.constant 999999 : i32
    %sub3A_606 = vector.broadcast %sub3A_605 : i32 to vector<16xi32>
    %sub3A_607 = arith.subi %select_n3A_601, %sub3A_606 : vector<16xi32>
    %select_n3A_608 = arith.select %ge3A_604, %sub3A_607, %select_n3A_601 : vector<16xi1>, vector<16xi32>
    %add3A_609 = arith.constant 128 : i32
    %add3A_610 = arith.addi %mul3A_2, %add3A_609 : i32
    %add3A_611 = vector.broadcast %add3A_610 : i32 to vector<16xi32>
    %add3A_612 = arith.addi %add3A_611, %iota3A : vector<16xi32>
    %and3A_613 = arith.constant 4095 : i32
    %and3A_614 = vector.broadcast %and3A_613 : i32 to vector<16xi32>
    %and3A_615 = arith.andi %add3A_612, %and3A_614 : vector<16xi32>
    %eq3A_616 = arith.constant 0 : i32
    %eq3A_617 = vector.broadcast %eq3A_616 : i32 to vector<16xi32>
    %eq3A_618 = arith.cmpi eq, %and3A_615, %eq3A_617 : vector<16xi32>
    %jit3A_619 = arith.constant 999999 : i32
    %broadcast_in_dim3A_620 = vector.broadcast %jit3A_619 : i32 to vector<16xi32>
    %select_n3A_621 = arith.select %eq3A_618, %broadcast_in_dim3A_620, %select_n3A_608 : vector<16xi1>, vector<16xi32>
    %shift_right_logical3A_622 = arith.constant 1 : i32
    %shift_right_logical3A_623 = vector.broadcast %shift_right_logical3A_622 : i32 to vector<16xi32>
    %shift_right_logical3A_624 = arith.shrui %select_n3A_621, %shift_right_logical3A_623 : vector<16xi32>
    %swap3A_625 = arith.constant 1 : i32
    %swap3A_626 = arith.index_cast %swap3A_625 : i32 to index
    %swap3A_627 = arith.constant 0 : index
    %swap3A_628 = tpu.vector_load %arg9[%swap3A_626, %swap3A_627] {strides = array<i32>} : memref<4x128xi32, #tpu.memory_space<vmem>>, vector<1x16xi32>,
    %swap3A_629 = vector.shape_cast %swap3A_628 : vector<1x16xi32> to vector<16xi32>
    %swap3A_630 = vector.shape_cast %shift_right_logical3A_624 : vector<16xi32> to vector<1x16xi32>
    tpu.vector_store %arg9[%swap3A_626, %swap3A_627], %swap3A_630 {strides = array<i32>} : memref<4x128xi32, #tpu.memory_space<vmem>>, vector<1x16xi32>,
    %and3A_631 = arith.constant 1 : i32
    %and3A_632 = vector.broadcast %and3A_631 : i32 to vector<16xi32>
    %and3A_633 = arith.andi %select_n3A_621, %and3A_632 : vector<16xi32>
    %swap3A_634 = arith.constant 128 : index
    %swap3A_635 = tpu.vector_load %arg10[%swap3A_634] {strides = array<i32>} : memref<512xi32, #tpu.memory_space<vmem>>, vector<16xi32>,
    %swap3A_636 = vector.shape_cast %swap3A_635 : vector<16xi32> to vector<16xi32>
    %swap3A_637 = vector.shape_cast %and3A_633 : vector<16xi32> to vector<16xi32>
    tpu.vector_store %arg10[%swap3A_634], %swap3A_637 {strides = array<i32>} : memref<512xi32, #tpu.memory_space<vmem>>, vector<16xi32>,
    %get3A_638 = arith.constant 144 : index
    %get3A_639 = tpu.vector_load %arg7[%get3A_638] {strides = array<i32>} : memref<512xi32, #tpu.memory_space<vmem>>, vector<16xi32>,
    %get3A_640 = vector.shape_cast %get3A_639 : vector<16xi32> to vector<16xi32>
    %get3A_641 = arith.constant 144 : index
    %get3A_642 = tpu.vector_load %arg8[%get3A_641] {strides = array<i32>} : memref<512xi32, #tpu.memory_space<vmem>>, vector<16xi32>,
    %get3A_643 = vector.shape_cast %get3A_642 : vector<16xi32> to vector<16xi32>
    %mul3A_644 = arith.constant 36313 : i32
    %mul3A_645 = vector.broadcast %mul3A_644 : i32 to vector<16xi32>
    %mul3A_646 = arith.muli %get3A_643, %mul3A_645 : vector<16xi32>
    %mul3A_647 = arith.constant 27191 : i32
    %mul3A_648 = vector.broadcast %mul3A_647 : i32 to vector<16xi32>
    %mul3A_649 = arith.muli %get3A_640, %mul3A_648 : vector<16xi32>
    %xor3A_650 = arith.xori %mul3A_646, %mul3A_649 : vector<16xi32>
    %convert_element_type3A_651 = arith.sitofp %xor3A_650 : vector<16xi32> to vector<16xf32>
    %mul3A_652 = arith.constant 1.00000102E-6 : f32
    %mul3A_653 = vector.broadcast %mul3A_652 : f32 to vector<16xf32>
    %mul3A_654 = arith.mulf %convert_element_type3A_651, %mul3A_653 : vector<16xf32>
    %convert_element_type3A_655 = arith.fptosi %mul3A_654 : vector<16xf32> to vector<16xi32>
    %mul3A_656 = arith.constant 999999 : i32
    %mul3A_657 = vector.broadcast %mul3A_656 : i32 to vector<16xi32>
    %mul3A_658 = arith.muli %convert_element_type3A_655, %mul3A_657 : vector<16xi32>
    %sub3A_659 = arith.subi %xor3A_650, %mul3A_658 : vector<16xi32>
    %lt3A_660 = arith.constant 0 : i32
    %lt3A_661 = vector.broadcast %lt3A_660 : i32 to vector<16xi32>
    %lt3A_662 = arith.cmpi slt, %sub3A_659, %lt3A_661 : vector<16xi32>
    %add3A_663 = arith.constant 999999 : i32
    %add3A_664 = vector.broadcast %add3A_663 : i32 to vector<16xi32>
    %add3A_665 = arith.addi %sub3A_659, %add3A_664 : vector<16xi32>
    %select_n3A_666 = arith.select %lt3A_662, %add3A_665, %sub3A_659 : vector<16xi1>, vector<16xi32>
    %lt3A_667 = arith.constant 0 : i32
    %lt3A_668 = vector.broadcast %lt3A_667 : i32 to vector<16xi32>
    %lt3A_669 = arith.cmpi slt, %select_n3A_666, %lt3A_668 : vector<16xi32>
    %add3A_670 = arith.constant 999999 : i32
    %add3A_671 = vector.broadcast %add3A_670 : i32 to vector<16xi32>
    %add3A_672 = arith.addi %select_n3A_666, %add3A_671 : vector<16xi32>
    %select_n3A_673 = arith.select %lt3A_669, %add3A_672, %select_n3A_666 : vector<16xi1>, vector<16xi32>
    %ge3A_674 = arith.constant 999999 : i32
    %ge3A_675 = vector.broadcast %ge3A_674 : i32 to vector<16xi32>
    %ge3A_676 = arith.cmpi sge, %select_n3A_673, %ge3A_675 : vector<16xi32>
    %sub3A_677 = arith.constant 999999 : i32
    %sub3A_678 = vector.broadcast %sub3A_677 : i32 to vector<16xi32>
    %sub3A_679 = arith.subi %select_n3A_673, %sub3A_678 : vector<16xi32>
    %select_n3A_680 = arith.select %ge3A_676, %sub3A_679, %select_n3A_673 : vector<16xi1>, vector<16xi32>
    %add3A_681 = arith.constant 144 : i32
    %add3A_682 = arith.addi %mul3A_2, %add3A_681 : i32
    %add3A_683 = vector.broadcast %add3A_682 : i32 to vector<16xi32>
    %add3A_684 = arith.addi %add3A_683, %iota3A : vector<16xi32>
    %and3A_685 = arith.constant 4095 : i32
    %and3A_686 = vector.broadcast %and3A_685 : i32 to vector<16xi32>
    %and3A_687 = arith.andi %add3A_684, %and3A_686 : vector<16xi32>
    %eq3A_688 = arith.constant 0 : i32
    %eq3A_689 = vector.broadcast %eq3A_688 : i32 to vector<16xi32>
    %eq3A_690 = arith.cmpi eq, %and3A_687, %eq3A_689 : vector<16xi32>
    %jit3A_691 = arith.constant 999999 : i32
    %broadcast_in_dim3A_692 = vector.broadcast %jit3A_691 : i32 to vector<16xi32>
    %select_n3A_693 = arith.select %eq3A_690, %broadcast_in_dim3A_692, %select_n3A_680 : vector<16xi1>, vector<16xi32>
    %shift_right_logical3A_694 = arith.constant 1 : i32
    %shift_right_logical3A_695 = vector.broadcast %shift_right_logical3A_694 : i32 to vector<16xi32>
    %shift_right_logical3A_696 = arith.shrui %select_n3A_693, %shift_right_logical3A_695 : vector<16xi32>
    %swap3A_697 = arith.constant 1 : i32
    %swap3A_698 = arith.index_cast %swap3A_697 : i32 to index
    %swap3A_699 = arith.constant 16 : index
    %swap3A_700 = tpu.vector_load %arg9[%swap3A_698, %swap3A_699] {strides = array<i32>} : memref<4x128xi32, #tpu.memory_space<vmem>>, vector<1x16xi32>,
    %swap3A_701 = vector.shape_cast %swap3A_700 : vector<1x16xi32> to vector<16xi32>
    %swap3A_702 = vector.shape_cast %shift_right_logical3A_696 : vector<16xi32> to vector<1x16xi32>
    tpu.vector_store %arg9[%swap3A_698, %swap3A_699], %swap3A_702 {strides = array<i32>} : memref<4x128xi32, #tpu.memory_space<vmem>>, vector<1x16xi32>,
    %and3A_703 = arith.constant 1 : i32
    %and3A_704 = vector.broadcast %and3A_703 : i32 to vector<16xi32>
    %and3A_705 = arith.andi %select_n3A_693, %and3A_704 : vector<16xi32>
    %swap3A_706 = arith.constant 144 : index
    %swap3A_707 = tpu.vector_load %arg10[%swap3A_706] {strides = array<i32>} : memref<512xi32, #tpu.memory_space<vmem>>, vector<16xi32>,
    %swap3A_708 = vector.shape_cast %swap3A_707 : vector<16xi32> to vector<16xi32>
    %swap3A_709 = vector.shape_cast %and3A_705 : vector<16xi32> to vector<16xi32>
    tpu.vector_store %arg10[%swap3A_706], %swap3A_709 {strides = array<i32>} : memref<512xi32, #tpu.memory_space<vmem>>, vector<16xi32>,
    %get3A_710 = arith.constant 160 : index
    %get3A_711 = tpu.vector_load %arg7[%get3A_710] {strides = array<i32>} : memref<512xi32, #tpu.memory_space<vmem>>, vector<16xi32>,
    %get3A_712 = vector.shape_cast %get3A_711 : vector<16xi32> to vector<16xi32>
    %get3A_713 = arith.constant 160 : index
    %get3A_714 = tpu.vector_load %arg8[%get3A_713] {strides = array<i32>} : memref<512xi32, #tpu.memory_space<vmem>>, vector<16xi32>,
    %get3A_715 = vector.shape_cast %get3A_714 : vector<16xi32> to vector<16xi32>
    %mul3A_716 = arith.constant 36313 : i32
    %mul3A_717 = vector.broadcast %mul3A_716 : i32 to vector<16xi32>
    %mul3A_718 = arith.muli %get3A_715, %mul3A_717 : vector<16xi32>
    %mul3A_719 = arith.constant 27191 : i32
    %mul3A_720 = vector.broadcast %mul3A_719 : i32 to vector<16xi32>
    %mul3A_721 = arith.muli %get3A_712, %mul3A_720 : vector<16xi32>
    %xor3A_722 = arith.xori %mul3A_718, %mul3A_721 : vector<16xi32>
    %convert_element_type3A_723 = arith.sitofp %xor3A_722 : vector<16xi32> to vector<16xf32>
    %mul3A_724 = arith.constant 1.00000102E-6 : f32
    %mul3A_725 = vector.broadcast %mul3A_724 : f32 to vector<16xf32>
    %mul3A_726 = arith.mulf %convert_element_type3A_723, %mul3A_725 : vector<16xf32>
    %convert_element_type3A_727 = arith.fptosi %mul3A_726 : vector<16xf32> to vector<16xi32>
    %mul3A_728 = arith.constant 999999 : i32
    %mul3A_729 = vector.broadcast %mul3A_728 : i32 to vector<16xi32>
    %mul3A_730 = arith.muli %convert_element_type3A_727, %mul3A_729 : vector<16xi32>
    %sub3A_731 = arith.subi %xor3A_722, %mul3A_730 : vector<16xi32>
    %lt3A_732 = arith.constant 0 : i32
    %lt3A_733 = vector.broadcast %lt3A_732 : i32 to vector<16xi32>
    %lt3A_734 = arith.cmpi slt, %sub3A_731, %lt3A_733 : vector<16xi32>
    %add3A_735 = arith.constant 999999 : i32
    %add3A_736 = vector.broadcast %add3A_735 : i32 to vector<16xi32>
    %add3A_737 = arith.addi %sub3A_731, %add3A_736 : vector<16xi32>
    %select_n3A_738 = arith.select %lt3A_734, %add3A_737, %sub3A_731 : vector<16xi1>, vector<16xi32>
    %lt3A_739 = arith.constant 0 : i32
    %lt3A_740 = vector.broadcast %lt3A_739 : i32 to vector<16xi32>
    %lt3A_741 = arith.cmpi slt, %select_n3A_738, %lt3A_740 : vector<16xi32>
    %add3A_742 = arith.constant 999999 : i32
    %add3A_743 = vector.broadcast %add3A_742 : i32 to vector<16xi32>
    %add3A_744 = arith.addi %select_n3A_738, %add3A_743 : vector<16xi32>
    %select_n3A_745 = arith.select %lt3A_741, %add3A_744, %select_n3A_738 : vector<16xi1>, vector<16xi32>
    %ge3A_746 = arith.constant 999999 : i32
    %ge3A_747 = vector.broadcast %ge3A_746 : i32 to vector<16xi32>
    %ge3A_748 = arith.cmpi sge, %select_n3A_745, %ge3A_747 : vector<16xi32>
    %sub3A_749 = arith.constant 999999 : i32
    %sub3A_750 = vector.broadcast %sub3A_749 : i32 to vector<16xi32>
    %sub3A_751 = arith.subi %select_n3A_745, %sub3A_750 : vector<16xi32>
    %select_n3A_752 = arith.select %ge3A_748, %sub3A_751, %select_n3A_745 : vector<16xi1>, vector<16xi32>
    %add3A_753 = arith.constant 160 : i32
    %add3A_754 = arith.addi %mul3A_2, %add3A_753 : i32
    %add3A_755 = vector.broadcast %add3A_754 : i32 to vector<16xi32>
    %add3A_756 = arith.addi %add3A_755, %iota3A : vector<16xi32>
    %and3A_757 = arith.constant 4095 : i32
    %and3A_758 = vector.broadcast %and3A_757 : i32 to vector<16xi32>
    %and3A_759 = arith.andi %add3A_756, %and3A_758 : vector<16xi32>
    %eq3A_760 = arith.constant 0 : i32
    %eq3A_761 = vector.broadcast %eq3A_760 : i32 to vector<16xi32>
    %eq3A_762 = arith.cmpi eq, %and3A_759, %eq3A_761 : vector<16xi32>
    %jit3A_763 = arith.constant 999999 : i32
    %broadcast_in_dim3A_764 = vector.broadcast %jit3A_763 : i32 to vector<16xi32>
    %select_n3A_765 = arith.select %eq3A_762, %broadcast_in_dim3A_764, %select_n3A_752 : vector<16xi1>, vector<16xi32>
    %shift_right_logical3A_766 = arith.constant 1 : i32
    %shift_right_logical3A_767 = vector.broadcast %shift_right_logical3A_766 : i32 to vector<16xi32>
    %shift_right_logical3A_768 = arith.shrui %select_n3A_765, %shift_right_logical3A_767 : vector<16xi32>
    %swap3A_769 = arith.constant 1 : i32
    %swap3A_770 = arith.index_cast %swap3A_769 : i32 to index
    %swap3A_771 = arith.constant 32 : index
    %swap3A_772 = tpu.vector_load %arg9[%swap3A_770, %swap3A_771] {strides = array<i32>} : memref<4x128xi32, #tpu.memory_space<vmem>>, vector<1x16xi32>,
    %swap3A_773 = vector.shape_cast %swap3A_772 : vector<1x16xi32> to vector<16xi32>
    %swap3A_774 = vector.shape_cast %shift_right_logical3A_768 : vector<16xi32> to vector<1x16xi32>
    tpu.vector_store %arg9[%swap3A_770, %swap3A_771], %swap3A_774 {strides = array<i32>} : memref<4x128xi32, #tpu.memory_space<vmem>>, vector<1x16xi32>,
    %and3A_775 = arith.constant 1 : i32
    %and3A_776 = vector.broadcast %and3A_775 : i32 to vector<16xi32>
    %and3A_777 = arith.andi %select_n3A_765, %and3A_776 : vector<16xi32>
    %swap3A_778 = arith.constant 160 : index
    %swap3A_779 = tpu.vector_load %arg10[%swap3A_778] {strides = array<i32>} : memref<512xi32, #tpu.memory_space<vmem>>, vector<16xi32>,
    %swap3A_780 = vector.shape_cast %swap3A_779 : vector<16xi32> to vector<16xi32>
    %swap3A_781 = vector.shape_cast %and3A_777 : vector<16xi32> to vector<16xi32>
    tpu.vector_store %arg10[%swap3A_778], %swap3A_781 {strides = array<i32>} : memref<512xi32, #tpu.memory_space<vmem>>, vector<16xi32>,
    %get3A_782 = arith.constant 176 : index
    %get3A_783 = tpu.vector_load %arg7[%get3A_782] {strides = array<i32>} : memref<512xi32, #tpu.memory_space<vmem>>, vector<16xi32>,
    %get3A_784 = vector.shape_cast %get3A_783 : vector<16xi32> to vector<16xi32>
    %get3A_785 = arith.constant 176 : index
    %get3A_786 = tpu.vector_load %arg8[%get3A_785] {strides = array<i32>} : memref<512xi32, #tpu.memory_space<vmem>>, vector<16xi32>,
    %get3A_787 = vector.shape_cast %get3A_786 : vector<16xi32> to vector<16xi32>
    %mul3A_788 = arith.constant 36313 : i32
    %mul3A_789 = vector.broadcast %mul3A_788 : i32 to vector<16xi32>
    %mul3A_790 = arith.muli %get3A_787, %mul3A_789 : vector<16xi32>
    %mul3A_791 = arith.constant 27191 : i32
    %mul3A_792 = vector.broadcast %mul3A_791 : i32 to vector<16xi32>
    %mul3A_793 = arith.muli %get3A_784, %mul3A_792 : vector<16xi32>
    %xor3A_794 = arith.xori %mul3A_790, %mul3A_793 : vector<16xi32>
    %convert_element_type3A_795 = arith.sitofp %xor3A_794 : vector<16xi32> to vector<16xf32>
    %mul3A_796 = arith.constant 1.00000102E-6 : f32
    %mul3A_797 = vector.broadcast %mul3A_796 : f32 to vector<16xf32>
    %mul3A_798 = arith.mulf %convert_element_type3A_795, %mul3A_797 : vector<16xf32>
    %convert_element_type3A_799 = arith.fptosi %mul3A_798 : vector<16xf32> to vector<16xi32>
    %mul3A_800 = arith.constant 999999 : i32
    %mul3A_801 = vector.broadcast %mul3A_800 : i32 to vector<16xi32>
    %mul3A_802 = arith.muli %convert_element_type3A_799, %mul3A_801 : vector<16xi32>
    %sub3A_803 = arith.subi %xor3A_794, %mul3A_802 : vector<16xi32>
    %lt3A_804 = arith.constant 0 : i32
    %lt3A_805 = vector.broadcast %lt3A_804 : i32 to vector<16xi32>
    %lt3A_806 = arith.cmpi slt, %sub3A_803, %lt3A_805 : vector<16xi32>
    %add3A_807 = arith.constant 999999 : i32
    %add3A_808 = vector.broadcast %add3A_807 : i32 to vector<16xi32>
    %add3A_809 = arith.addi %sub3A_803, %add3A_808 : vector<16xi32>
    %select_n3A_810 = arith.select %lt3A_806, %add3A_809, %sub3A_803 : vector<16xi1>, vector<16xi32>
    %lt3A_811 = arith.constant 0 : i32
    %lt3A_812 = vector.broadcast %lt3A_811 : i32 to vector<16xi32>
    %lt3A_813 = arith.cmpi slt, %select_n3A_810, %lt3A_812 : vector<16xi32>
    %add3A_814 = arith.constant 999999 : i32
    %add3A_815 = vector.broadcast %add3A_814 : i32 to vector<16xi32>
    %add3A_816 = arith.addi %select_n3A_810, %add3A_815 : vector<16xi32>
    %select_n3A_817 = arith.select %lt3A_813, %add3A_816, %select_n3A_810 : vector<16xi1>, vector<16xi32>
    %ge3A_818 = arith.constant 999999 : i32
    %ge3A_819 = vector.broadcast %ge3A_818 : i32 to vector<16xi32>
    %ge3A_820 = arith.cmpi sge, %select_n3A_817, %ge3A_819 : vector<16xi32>
    %sub3A_821 = arith.constant 999999 : i32
    %sub3A_822 = vector.broadcast %sub3A_821 : i32 to vector<16xi32>
    %sub3A_823 = arith.subi %select_n3A_817, %sub3A_822 : vector<16xi32>
    %select_n3A_824 = arith.select %ge3A_820, %sub3A_823, %select_n3A_817 : vector<16xi1>, vector<16xi32>
    %add3A_825 = arith.constant 176 : i32
    %add3A_826 = arith.addi %mul3A_2, %add3A_825 : i32
    %add3A_827 = vector.broadcast %add3A_826 : i32 to vector<16xi32>
    %add3A_828 = arith.addi %add3A_827, %iota3A : vector<16xi32>
    %and3A_829 = arith.constant 4095 : i32
    %and3A_830 = vector.broadcast %and3A_829 : i32 to vector<16xi32>
    %and3A_831 = arith.andi %add3A_828, %and3A_830 : vector<16xi32>
    %eq3A_832 = arith.constant 0 : i32
    %eq3A_833 = vector.broadcast %eq3A_832 : i32 to vector<16xi32>
    %eq3A_834 = arith.cmpi eq, %and3A_831, %eq3A_833 : vector<16xi32>
    %jit3A_835 = arith.constant 999999 : i32
    %broadcast_in_dim3A_836 = vector.broadcast %jit3A_835 : i32 to vector<16xi32>
    %select_n3A_837 = arith.select %eq3A_834, %broadcast_in_dim3A_836, %select_n3A_824 : vector<16xi1>, vector<16xi32>
    %shift_right_logical3A_838 = arith.constant 1 : i32
    %shift_right_logical3A_839 = vector.broadcast %shift_right_logical3A_838 : i32 to vector<16xi32>
    %shift_right_logical3A_840 = arith.shrui %select_n3A_837, %shift_right_logical3A_839 : vector<16xi32>
    %swap3A_841 = arith.constant 1 : i32
    %swap3A_842 = arith.index_cast %swap3A_841 : i32 to index
    %swap3A_843 = arith.constant 48 : index
    %swap3A_844 = tpu.vector_load %arg9[%swap3A_842, %swap3A_843] {strides = array<i32>} : memref<4x128xi32, #tpu.memory_space<vmem>>, vector<1x16xi32>,
    %swap3A_845 = vector.shape_cast %swap3A_844 : vector<1x16xi32> to vector<16xi32>
    %swap3A_846 = vector.shape_cast %shift_right_logical3A_840 : vector<16xi32> to vector<1x16xi32>
    tpu.vector_store %arg9[%swap3A_842, %swap3A_843], %swap3A_846 {strides = array<i32>} : memref<4x128xi32, #tpu.memory_space<vmem>>, vector<1x16xi32>,
    %and3A_847 = arith.constant 1 : i32
    %and3A_848 = vector.broadcast %and3A_847 : i32 to vector<16xi32>
    %and3A_849 = arith.andi %select_n3A_837, %and3A_848 : vector<16xi32>
    %swap3A_850 = arith.constant 176 : index
    %swap3A_851 = tpu.vector_load %arg10[%swap3A_850] {strides = array<i32>} : memref<512xi32, #tpu.memory_space<vmem>>, vector<16xi32>,
    %swap3A_852 = vector.shape_cast %swap3A_851 : vector<16xi32> to vector<16xi32>
    %swap3A_853 = vector.shape_cast %and3A_849 : vector<16xi32> to vector<16xi32>
    tpu.vector_store %arg10[%swap3A_850], %swap3A_853 {strides = array<i32>} : memref<512xi32, #tpu.memory_space<vmem>>, vector<16xi32>,
    %get3A_854 = arith.constant 192 : index
    %get3A_855 = tpu.vector_load %arg7[%get3A_854] {strides = array<i32>} : memref<512xi32, #tpu.memory_space<vmem>>, vector<16xi32>,
    %get3A_856 = vector.shape_cast %get3A_855 : vector<16xi32> to vector<16xi32>
    %get3A_857 = arith.constant 192 : index
    %get3A_858 = tpu.vector_load %arg8[%get3A_857] {strides = array<i32>} : memref<512xi32, #tpu.memory_space<vmem>>, vector<16xi32>,
    %get3A_859 = vector.shape_cast %get3A_858 : vector<16xi32> to vector<16xi32>
    %mul3A_860 = arith.constant 36313 : i32
    %mul3A_861 = vector.broadcast %mul3A_860 : i32 to vector<16xi32>
    %mul3A_862 = arith.muli %get3A_859, %mul3A_861 : vector<16xi32>
    %mul3A_863 = arith.constant 27191 : i32
    %mul3A_864 = vector.broadcast %mul3A_863 : i32 to vector<16xi32>
    %mul3A_865 = arith.muli %get3A_856, %mul3A_864 : vector<16xi32>
    %xor3A_866 = arith.xori %mul3A_862, %mul3A_865 : vector<16xi32>
    %convert_element_type3A_867 = arith.sitofp %xor3A_866 : vector<16xi32> to vector<16xf32>
    %mul3A_868 = arith.constant 1.00000102E-6 : f32
    %mul3A_869 = vector.broadcast %mul3A_868 : f32 to vector<16xf32>
    %mul3A_870 = arith.mulf %convert_element_type3A_867, %mul3A_869 : vector<16xf32>
    %convert_element_type3A_871 = arith.fptosi %mul3A_870 : vector<16xf32> to vector<16xi32>
    %mul3A_872 = arith.constant 999999 : i32
    %mul3A_873 = vector.broadcast %mul3A_872 : i32 to vector<16xi32>
    %mul3A_874 = arith.muli %convert_element_type3A_871, %mul3A_873 : vector<16xi32>
    %sub3A_875 = arith.subi %xor3A_866, %mul3A_874 : vector<16xi32>
    %lt3A_876 = arith.constant 0 : i32
    %lt3A_877 = vector.broadcast %lt3A_876 : i32 to vector<16xi32>
    %lt3A_878 = arith.cmpi slt, %sub3A_875, %lt3A_877 : vector<16xi32>
    %add3A_879 = arith.constant 999999 : i32
    %add3A_880 = vector.broadcast %add3A_879 : i32 to vector<16xi32>
    %add3A_881 = arith.addi %sub3A_875, %add3A_880 : vector<16xi32>
    %select_n3A_882 = arith.select %lt3A_878, %add3A_881, %sub3A_875 : vector<16xi1>, vector<16xi32>
    %lt3A_883 = arith.constant 0 : i32
    %lt3A_884 = vector.broadcast %lt3A_883 : i32 to vector<16xi32>
    %lt3A_885 = arith.cmpi slt, %select_n3A_882, %lt3A_884 : vector<16xi32>
    %add3A_886 = arith.constant 999999 : i32
    %add3A_887 = vector.broadcast %add3A_886 : i32 to vector<16xi32>
    %add3A_888 = arith.addi %select_n3A_882, %add3A_887 : vector<16xi32>
    %select_n3A_889 = arith.select %lt3A_885, %add3A_888, %select_n3A_882 : vector<16xi1>, vector<16xi32>
    %ge3A_890 = arith.constant 999999 : i32
    %ge3A_891 = vector.broadcast %ge3A_890 : i32 to vector<16xi32>
    %ge3A_892 = arith.cmpi sge, %select_n3A_889, %ge3A_891 : vector<16xi32>
    %sub3A_893 = arith.constant 999999 : i32
    %sub3A_894 = vector.broadcast %sub3A_893 : i32 to vector<16xi32>
    %sub3A_895 = arith.subi %select_n3A_889, %sub3A_894 : vector<16xi32>
    %select_n3A_896 = arith.select %ge3A_892, %sub3A_895, %select_n3A_889 : vector<16xi1>, vector<16xi32>
    %add3A_897 = arith.constant 192 : i32
    %add3A_898 = arith.addi %mul3A_2, %add3A_897 : i32
    %add3A_899 = vector.broadcast %add3A_898 : i32 to vector<16xi32>
    %add3A_900 = arith.addi %add3A_899, %iota3A : vector<16xi32>
    %and3A_901 = arith.constant 4095 : i32
    %and3A_902 = vector.broadcast %and3A_901 : i32 to vector<16xi32>
    %and3A_903 = arith.andi %add3A_900, %and3A_902 : vector<16xi32>
    %eq3A_904 = arith.constant 0 : i32
    %eq3A_905 = vector.broadcast %eq3A_904 : i32 to vector<16xi32>
    %eq3A_906 = arith.cmpi eq, %and3A_903, %eq3A_905 : vector<16xi32>
    %jit3A_907 = arith.constant 999999 : i32
    %broadcast_in_dim3A_908 = vector.broadcast %jit3A_907 : i32 to vector<16xi32>
    %select_n3A_909 = arith.select %eq3A_906, %broadcast_in_dim3A_908, %select_n3A_896 : vector<16xi1>, vector<16xi32>
    %shift_right_logical3A_910 = arith.constant 1 : i32
    %shift_right_logical3A_911 = vector.broadcast %shift_right_logical3A_910 : i32 to vector<16xi32>
    %shift_right_logical3A_912 = arith.shrui %select_n3A_909, %shift_right_logical3A_911 : vector<16xi32>
    %swap3A_913 = arith.constant 1 : i32
    %swap3A_914 = arith.index_cast %swap3A_913 : i32 to index
    %swap3A_915 = arith.constant 64 : index
    %swap3A_916 = tpu.vector_load %arg9[%swap3A_914, %swap3A_915] {strides = array<i32>} : memref<4x128xi32, #tpu.memory_space<vmem>>, vector<1x16xi32>,
    %swap3A_917 = vector.shape_cast %swap3A_916 : vector<1x16xi32> to vector<16xi32>
    %swap3A_918 = vector.shape_cast %shift_right_logical3A_912 : vector<16xi32> to vector<1x16xi32>
    tpu.vector_store %arg9[%swap3A_914, %swap3A_915], %swap3A_918 {strides = array<i32>} : memref<4x128xi32, #tpu.memory_space<vmem>>, vector<1x16xi32>,
    %and3A_919 = arith.constant 1 : i32
    %and3A_920 = vector.broadcast %and3A_919 : i32 to vector<16xi32>
    %and3A_921 = arith.andi %select_n3A_909, %and3A_920 : vector<16xi32>
    %swap3A_922 = arith.constant 192 : index
    %swap3A_923 = tpu.vector_load %arg10[%swap3A_922] {strides = array<i32>} : memref<512xi32, #tpu.memory_space<vmem>>, vector<16xi32>,
    %swap3A_924 = vector.shape_cast %swap3A_923 : vector<16xi32> to vector<16xi32>
    %swap3A_925 = vector.shape_cast %and3A_921 : vector<16xi32> to vector<16xi32>
    tpu.vector_store %arg10[%swap3A_922], %swap3A_925 {strides = array<i32>} : memref<512xi32, #tpu.memory_space<vmem>>, vector<16xi32>,
    %get3A_926 = arith.constant 208 : index
    %get3A_927 = tpu.vector_load %arg7[%get3A_926] {strides = array<i32>} : memref<512xi32, #tpu.memory_space<vmem>>, vector<16xi32>,
    %get3A_928 = vector.shape_cast %get3A_927 : vector<16xi32> to vector<16xi32>
    %get3A_929 = arith.constant 208 : index
    %get3A_930 = tpu.vector_load %arg8[%get3A_929] {strides = array<i32>} : memref<512xi32, #tpu.memory_space<vmem>>, vector<16xi32>,
    %get3A_931 = vector.shape_cast %get3A_930 : vector<16xi32> to vector<16xi32>
    %mul3A_932 = arith.constant 36313 : i32
    %mul3A_933 = vector.broadcast %mul3A_932 : i32 to vector<16xi32>
    %mul3A_934 = arith.muli %get3A_931, %mul3A_933 : vector<16xi32>
    %mul3A_935 = arith.constant 27191 : i32
    %mul3A_936 = vector.broadcast %mul3A_935 : i32 to vector<16xi32>
    %mul3A_937 = arith.muli %get3A_928, %mul3A_936 : vector<16xi32>
    %xor3A_938 = arith.xori %mul3A_934, %mul3A_937 : vector<16xi32>
    %convert_element_type3A_939 = arith.sitofp %xor3A_938 : vector<16xi32> to vector<16xf32>
    %mul3A_940 = arith.constant 1.00000102E-6 : f32
    %mul3A_941 = vector.broadcast %mul3A_940 : f32 to vector<16xf32>
    %mul3A_942 = arith.mulf %convert_element_type3A_939, %mul3A_941 : vector<16xf32>
    %convert_element_type3A_943 = arith.fptosi %mul3A_942 : vector<16xf32> to vector<16xi32>
    %mul3A_944 = arith.constant 999999 : i32
    %mul3A_945 = vector.broadcast %mul3A_944 : i32 to vector<16xi32>
    %mul3A_946 = arith.muli %convert_element_type3A_943, %mul3A_945 : vector<16xi32>
    %sub3A_947 = arith.subi %xor3A_938, %mul3A_946 : vector<16xi32>
    %lt3A_948 = arith.constant 0 : i32
    %lt3A_949 = vector.broadcast %lt3A_948 : i32 to vector<16xi32>
    %lt3A_950 = arith.cmpi slt, %sub3A_947, %lt3A_949 : vector<16xi32>
    %add3A_951 = arith.constant 999999 : i32
    %add3A_952 = vector.broadcast %add3A_951 : i32 to vector<16xi32>
    %add3A_953 = arith.addi %sub3A_947, %add3A_952 : vector<16xi32>
    %select_n3A_954 = arith.select %lt3A_950, %add3A_953, %sub3A_947 : vector<16xi1>, vector<16xi32>
    %lt3A_955 = arith.constant 0 : i32
    %lt3A_956 = vector.broadcast %lt3A_955 : i32 to vector<16xi32>
    %lt3A_957 = arith.cmpi slt, %select_n3A_954, %lt3A_956 : vector<16xi32>
    %add3A_958 = arith.constant 999999 : i32
    %add3A_959 = vector.broadcast %add3A_958 : i32 to vector<16xi32>
    %add3A_960 = arith.addi %select_n3A_954, %add3A_959 : vector<16xi32>
    %select_n3A_961 = arith.select %lt3A_957, %add3A_960, %select_n3A_954 : vector<16xi1>, vector<16xi32>
    %ge3A_962 = arith.constant 999999 : i32
    %ge3A_963 = vector.broadcast %ge3A_962 : i32 to vector<16xi32>
    %ge3A_964 = arith.cmpi sge, %select_n3A_961, %ge3A_963 : vector<16xi32>
    %sub3A_965 = arith.constant 999999 : i32
    %sub3A_966 = vector.broadcast %sub3A_965 : i32 to vector<16xi32>
    %sub3A_967 = arith.subi %select_n3A_961, %sub3A_966 : vector<16xi32>
    %select_n3A_968 = arith.select %ge3A_964, %sub3A_967, %select_n3A_961 : vector<16xi1>, vector<16xi32>
    %add3A_969 = arith.constant 208 : i32
    %add3A_970 = arith.addi %mul3A_2, %add3A_969 : i32
    %add3A_971 = vector.broadcast %add3A_970 : i32 to vector<16xi32>
    %add3A_972 = arith.addi %add3A_971, %iota3A : vector<16xi32>
    %and3A_973 = arith.constant 4095 : i32
    %and3A_974 = vector.broadcast %and3A_973 : i32 to vector<16xi32>
    %and3A_975 = arith.andi %add3A_972, %and3A_974 : vector<16xi32>
    %eq3A_976 = arith.constant 0 : i32
    %eq3A_977 = vector.broadcast %eq3A_976 : i32 to vector<16xi32>
    %eq3A_978 = arith.cmpi eq, %and3A_975, %eq3A_977 : vector<16xi32>
    %jit3A_979 = arith.constant 999999 : i32
    %broadcast_in_dim3A_980 = vector.broadcast %jit3A_979 : i32 to vector<16xi32>
    %select_n3A_981 = arith.select %eq3A_978, %broadcast_in_dim3A_980, %select_n3A_968 : vector<16xi1>, vector<16xi32>
    %shift_right_logical3A_982 = arith.constant 1 : i32
    %shift_right_logical3A_983 = vector.broadcast %shift_right_logical3A_982 : i32 to vector<16xi32>
    %shift_right_logical3A_984 = arith.shrui %select_n3A_981, %shift_right_logical3A_983 : vector<16xi32>
    %swap3A_985 = arith.constant 1 : i32
    %swap3A_986 = arith.index_cast %swap3A_985 : i32 to index
    %swap3A_987 = arith.constant 80 : index
    %swap3A_988 = tpu.vector_load %arg9[%swap3A_986, %swap3A_987] {strides = array<i32>} : memref<4x128xi32, #tpu.memory_space<vmem>>, vector<1x16xi32>,
    %swap3A_989 = vector.shape_cast %swap3A_988 : vector<1x16xi32> to vector<16xi32>
    %swap3A_990 = vector.shape_cast %shift_right_logical3A_984 : vector<16xi32> to vector<1x16xi32>
    tpu.vector_store %arg9[%swap3A_986, %swap3A_987], %swap3A_990 {strides = array<i32>} : memref<4x128xi32, #tpu.memory_space<vmem>>, vector<1x16xi32>,
    %and3A_991 = arith.constant 1 : i32
    %and3A_992 = vector.broadcast %and3A_991 : i32 to vector<16xi32>
    %and3A_993 = arith.andi %select_n3A_981, %and3A_992 : vector<16xi32>
    %swap3A_994 = arith.constant 208 : index
    %swap3A_995 = tpu.vector_load %arg10[%swap3A_994] {strides = array<i32>} : memref<512xi32, #tpu.memory_space<vmem>>, vector<16xi32>,
    %swap3A_996 = vector.shape_cast %swap3A_995 : vector<16xi32> to vector<16xi32>
    %swap3A_997 = vector.shape_cast %and3A_993 : vector<16xi32> to vector<16xi32>
    tpu.vector_store %arg10[%swap3A_994], %swap3A_997 {strides = array<i32>} : memref<512xi32, #tpu.memory_space<vmem>>, vector<16xi32>,
    %get3A_998 = arith.constant 224 : index
    %get3A_999 = tpu.vector_load %arg7[%get3A_998] {strides = array<i32>} : memref<512xi32, #tpu.memory_space<vmem>>, vector<16xi32>,
    %get3A_1000 = vector.shape_cast %get3A_999 : vector<16xi32> to vector<16xi32>
    %get3A_1001 = arith.constant 224 : index
    %get3A_1002 = tpu.vector_load %arg8[%get3A_1001] {strides = array<i32>} : memref<512xi32, #tpu.memory_space<vmem>>, vector<16xi32>,
    %get3A_1003 = vector.shape_cast %get3A_1002 : vector<16xi32> to vector<16xi32>
    %mul3A_1004 = arith.constant 36313 : i32
    %mul3A_1005 = vector.broadcast %mul3A_1004 : i32 to vector<16xi32>
    %mul3A_1006 = arith.muli %get3A_1003, %mul3A_1005 : vector<16xi32>
    %mul3A_1007 = arith.constant 27191 : i32
    %mul3A_1008 = vector.broadcast %mul3A_1007 : i32 to vector<16xi32>
    %mul3A_1009 = arith.muli %get3A_1000, %mul3A_1008 : vector<16xi32>
    %xor3A_1010 = arith.xori %mul3A_1006, %mul3A_1009 : vector<16xi32>
    %convert_element_type3A_1011 = arith.sitofp %xor3A_1010 : vector<16xi32> to vector<16xf32>
    %mul3A_1012 = arith.constant 1.00000102E-6 : f32
    %mul3A_1013 = vector.broadcast %mul3A_1012 : f32 to vector<16xf32>
    %mul3A_1014 = arith.mulf %convert_element_type3A_1011, %mul3A_1013 : vector<16xf32>
    %convert_element_type3A_1015 = arith.fptosi %mul3A_1014 : vector<16xf32> to vector<16xi32>
    %mul3A_1016 = arith.constant 999999 : i32
    %mul3A_1017 = vector.broadcast %mul3A_1016 : i32 to vector<16xi32>
    %mul3A_1018 = arith.muli %convert_element_type3A_1015, %mul3A_1017 : vector<16xi32>
    %sub3A_1019 = arith.subi %xor3A_1010, %mul3A_1018 : vector<16xi32>
    %lt3A_1020 = arith.constant 0 : i32
    %lt3A_1021 = vector.broadcast %lt3A_1020 : i32 to vector<16xi32>
    %lt3A_1022 = arith.cmpi slt, %sub3A_1019, %lt3A_1021 : vector<16xi32>
    %add3A_1023 = arith.constant 999999 : i32
    %add3A_1024 = vector.broadcast %add3A_1023 : i32 to vector<16xi32>
    %add3A_1025 = arith.addi %sub3A_1019, %add3A_1024 : vector<16xi32>
    %select_n3A_1026 = arith.select %lt3A_1022, %add3A_1025, %sub3A_1019 : vector<16xi1>, vector<16xi32>
    %lt3A_1027 = arith.constant 0 : i32
    %lt3A_1028 = vector.broadcast %lt3A_1027 : i32 to vector<16xi32>
    %lt3A_1029 = arith.cmpi slt, %select_n3A_1026, %lt3A_1028 : vector<16xi32>
    %add3A_1030 = arith.constant 999999 : i32
    %add3A_1031 = vector.broadcast %add3A_1030 : i32 to vector<16xi32>
    %add3A_1032 = arith.addi %select_n3A_1026, %add3A_1031 : vector<16xi32>
    %select_n3A_1033 = arith.select %lt3A_1029, %add3A_1032, %select_n3A_1026 : vector<16xi1>, vector<16xi32>
    %ge3A_1034 = arith.constant 999999 : i32
    %ge3A_1035 = vector.broadcast %ge3A_1034 : i32 to vector<16xi32>
    %ge3A_1036 = arith.cmpi sge, %select_n3A_1033, %ge3A_1035 : vector<16xi32>
    %sub3A_1037 = arith.constant 999999 : i32
    %sub3A_1038 = vector.broadcast %sub3A_1037 : i32 to vector<16xi32>
    %sub3A_1039 = arith.subi %select_n3A_1033, %sub3A_1038 : vector<16xi32>
    %select_n3A_1040 = arith.select %ge3A_1036, %sub3A_1039, %select_n3A_1033 : vector<16xi1>, vector<16xi32>
    %add3A_1041 = arith.constant 224 : i32
    %add3A_1042 = arith.addi %mul3A_2, %add3A_1041 : i32
    %add3A_1043 = vector.broadcast %add3A_1042 : i32 to vector<16xi32>
    %add3A_1044 = arith.addi %add3A_1043, %iota3A : vector<16xi32>
    %and3A_1045 = arith.constant 4095 : i32
    %and3A_1046 = vector.broadcast %and3A_1045 : i32 to vector<16xi32>
    %and3A_1047 = arith.andi %add3A_1044, %and3A_1046 : vector<16xi32>
    %eq3A_1048 = arith.constant 0 : i32
    %eq3A_1049 = vector.broadcast %eq3A_1048 : i32 to vector<16xi32>
    %eq3A_1050 = arith.cmpi eq, %and3A_1047, %eq3A_1049 : vector<16xi32>
    %jit3A_1051 = arith.constant 999999 : i32
    %broadcast_in_dim3A_1052 = vector.broadcast %jit3A_1051 : i32 to vector<16xi32>
    %select_n3A_1053 = arith.select %eq3A_1050, %broadcast_in_dim3A_1052, %select_n3A_1040 : vector<16xi1>, vector<16xi32>
    %shift_right_logical3A_1054 = arith.constant 1 : i32
    %shift_right_logical3A_1055 = vector.broadcast %shift_right_logical3A_1054 : i32 to vector<16xi32>
    %shift_right_logical3A_1056 = arith.shrui %select_n3A_1053, %shift_right_logical3A_1055 : vector<16xi32>
    %swap3A_1057 = arith.constant 1 : i32
    %swap3A_1058 = arith.index_cast %swap3A_1057 : i32 to index
    %swap3A_1059 = arith.constant 96 : index
    %swap3A_1060 = tpu.vector_load %arg9[%swap3A_1058, %swap3A_1059] {strides = array<i32>} : memref<4x128xi32, #tpu.memory_space<vmem>>, vector<1x16xi32>,
    %swap3A_1061 = vector.shape_cast %swap3A_1060 : vector<1x16xi32> to vector<16xi32>
    %swap3A_1062 = vector.shape_cast %shift_right_logical3A_1056 : vector<16xi32> to vector<1x16xi32>
    tpu.vector_store %arg9[%swap3A_1058, %swap3A_1059], %swap3A_1062 {strides = array<i32>} : memref<4x128xi32, #tpu.memory_space<vmem>>, vector<1x16xi32>,
    %and3A_1063 = arith.constant 1 : i32
    %and3A_1064 = vector.broadcast %and3A_1063 : i32 to vector<16xi32>
    %and3A_1065 = arith.andi %select_n3A_1053, %and3A_1064 : vector<16xi32>
    %swap3A_1066 = arith.constant 224 : index
    %swap3A_1067 = tpu.vector_load %arg10[%swap3A_1066] {strides = array<i32>} : memref<512xi32, #tpu.memory_space<vmem>>, vector<16xi32>,
    %swap3A_1068 = vector.shape_cast %swap3A_1067 : vector<16xi32> to vector<16xi32>
    %swap3A_1069 = vector.shape_cast %and3A_1065 : vector<16xi32> to vector<16xi32>
    tpu.vector_store %arg10[%swap3A_1066], %swap3A_1069 {strides = array<i32>} : memref<512xi32, #tpu.memory_space<vmem>>, vector<16xi32>,
    %get3A_1070 = arith.constant 240 : index
    %get3A_1071 = tpu.vector_load %arg7[%get3A_1070] {strides = array<i32>} : memref<512xi32, #tpu.memory_space<vmem>>, vector<16xi32>,
    %get3A_1072 = vector.shape_cast %get3A_1071 : vector<16xi32> to vector<16xi32>
    %get3A_1073 = arith.constant 240 : index
    %get3A_1074 = tpu.vector_load %arg8[%get3A_1073] {strides = array<i32>} : memref<512xi32, #tpu.memory_space<vmem>>, vector<16xi32>,
    %get3A_1075 = vector.shape_cast %get3A_1074 : vector<16xi32> to vector<16xi32>
    %mul3A_1076 = arith.constant 36313 : i32
    %mul3A_1077 = vector.broadcast %mul3A_1076 : i32 to vector<16xi32>
    %mul3A_1078 = arith.muli %get3A_1075, %mul3A_1077 : vector<16xi32>
    %mul3A_1079 = arith.constant 27191 : i32
    %mul3A_1080 = vector.broadcast %mul3A_1079 : i32 to vector<16xi32>
    %mul3A_1081 = arith.muli %get3A_1072, %mul3A_1080 : vector<16xi32>
    %xor3A_1082 = arith.xori %mul3A_1078, %mul3A_1081 : vector<16xi32>
    %convert_element_type3A_1083 = arith.sitofp %xor3A_1082 : vector<16xi32> to vector<16xf32>
    %mul3A_1084 = arith.constant 1.00000102E-6 : f32
    %mul3A_1085 = vector.broadcast %mul3A_1084 : f32 to vector<16xf32>
    %mul3A_1086 = arith.mulf %convert_element_type3A_1083, %mul3A_1085 : vector<16xf32>
    %convert_element_type3A_1087 = arith.fptosi %mul3A_1086 : vector<16xf32> to vector<16xi32>
    %mul3A_1088 = arith.constant 999999 : i32
    %mul3A_1089 = vector.broadcast %mul3A_1088 : i32 to vector<16xi32>
    %mul3A_1090 = arith.muli %convert_element_type3A_1087, %mul3A_1089 : vector<16xi32>
    %sub3A_1091 = arith.subi %xor3A_1082, %mul3A_1090 : vector<16xi32>
    %lt3A_1092 = arith.constant 0 : i32
    %lt3A_1093 = vector.broadcast %lt3A_1092 : i32 to vector<16xi32>
    %lt3A_1094 = arith.cmpi slt, %sub3A_1091, %lt3A_1093 : vector<16xi32>
    %add3A_1095 = arith.constant 999999 : i32
    %add3A_1096 = vector.broadcast %add3A_1095 : i32 to vector<16xi32>
    %add3A_1097 = arith.addi %sub3A_1091, %add3A_1096 : vector<16xi32>
    %select_n3A_1098 = arith.select %lt3A_1094, %add3A_1097, %sub3A_1091 : vector<16xi1>, vector<16xi32>
    %lt3A_1099 = arith.constant 0 : i32
    %lt3A_1100 = vector.broadcast %lt3A_1099 : i32 to vector<16xi32>
    %lt3A_1101 = arith.cmpi slt, %select_n3A_1098, %lt3A_1100 : vector<16xi32>
    %add3A_1102 = arith.constant 999999 : i32
    %add3A_1103 = vector.broadcast %add3A_1102 : i32 to vector<16xi32>
    %add3A_1104 = arith.addi %select_n3A_1098, %add3A_1103 : vector<16xi32>
    %select_n3A_1105 = arith.select %lt3A_1101, %add3A_1104, %select_n3A_1098 : vector<16xi1>, vector<16xi32>
    %ge3A_1106 = arith.constant 999999 : i32
    %ge3A_1107 = vector.broadcast %ge3A_1106 : i32 to vector<16xi32>
    %ge3A_1108 = arith.cmpi sge, %select_n3A_1105, %ge3A_1107 : vector<16xi32>
    %sub3A_1109 = arith.constant 999999 : i32
    %sub3A_1110 = vector.broadcast %sub3A_1109 : i32 to vector<16xi32>
    %sub3A_1111 = arith.subi %select_n3A_1105, %sub3A_1110 : vector<16xi32>
    %select_n3A_1112 = arith.select %ge3A_1108, %sub3A_1111, %select_n3A_1105 : vector<16xi1>, vector<16xi32>
    %add3A_1113 = arith.constant 240 : i32
    %add3A_1114 = arith.addi %mul3A_2, %add3A_1113 : i32
    %add3A_1115 = vector.broadcast %add3A_1114 : i32 to vector<16xi32>
    %add3A_1116 = arith.addi %add3A_1115, %iota3A : vector<16xi32>
    %and3A_1117 = arith.constant 4095 : i32
    %and3A_1118 = vector.broadcast %and3A_1117 : i32 to vector<16xi32>
    %and3A_1119 = arith.andi %add3A_1116, %and3A_1118 : vector<16xi32>
    %eq3A_1120 = arith.constant 0 : i32
    %eq3A_1121 = vector.broadcast %eq3A_1120 : i32 to vector<16xi32>
    %eq3A_1122 = arith.cmpi eq, %and3A_1119, %eq3A_1121 : vector<16xi32>
    %jit3A_1123 = arith.constant 999999 : i32
    %broadcast_in_dim3A_1124 = vector.broadcast %jit3A_1123 : i32 to vector<16xi32>
    %select_n3A_1125 = arith.select %eq3A_1122, %broadcast_in_dim3A_1124, %select_n3A_1112 : vector<16xi1>, vector<16xi32>
    %shift_right_logical3A_1126 = arith.constant 1 : i32
    %shift_right_logical3A_1127 = vector.broadcast %shift_right_logical3A_1126 : i32 to vector<16xi32>
    %shift_right_logical3A_1128 = arith.shrui %select_n3A_1125, %shift_right_logical3A_1127 : vector<16xi32>
    %swap3A_1129 = arith.constant 1 : i32
    %swap3A_1130 = arith.index_cast %swap3A_1129 : i32 to index
    %swap3A_1131 = arith.constant 112 : index
    %swap3A_1132 = tpu.vector_load %arg9[%swap3A_1130, %swap3A_1131] {strides = array<i32>} : memref<4x128xi32, #tpu.memory_space<vmem>>, vector<1x16xi32>,
    %swap3A_1133 = vector.shape_cast %swap3A_1132 : vector<1x16xi32> to vector<16xi32>
    %swap3A_1134 = vector.shape_cast %shift_right_logical3A_1128 : vector<16xi32> to vector<1x16xi32>
    tpu.vector_store %arg9[%swap3A_1130, %swap3A_1131], %swap3A_1134 {strides = array<i32>} : memref<4x128xi32, #tpu.memory_space<vmem>>, vector<1x16xi32>,
    %and3A_1135 = arith.constant 1 : i32
    %and3A_1136 = vector.broadcast %and3A_1135 : i32 to vector<16xi32>
    %and3A_1137 = arith.andi %select_n3A_1125, %and3A_1136 : vector<16xi32>
    %swap3A_1138 = arith.constant 240 : index
    %swap3A_1139 = tpu.vector_load %arg10[%swap3A_1138] {strides = array<i32>} : memref<512xi32, #tpu.memory_space<vmem>>, vector<16xi32>,
    %swap3A_1140 = vector.shape_cast %swap3A_1139 : vector<16xi32> to vector<16xi32>
    %swap3A_1141 = vector.shape_cast %and3A_1137 : vector<16xi32> to vector<16xi32>
    tpu.vector_store %arg10[%swap3A_1138], %swap3A_1141 {strides = array<i32>} : memref<512xi32, #tpu.memory_space<vmem>>, vector<16xi32>,
    %get3A_1142 = arith.constant 256 : index
    %get3A_1143 = tpu.vector_load %arg7[%get3A_1142] {strides = array<i32>} : memref<512xi32, #tpu.memory_space<vmem>>, vector<16xi32>,
    %get3A_1144 = vector.shape_cast %get3A_1143 : vector<16xi32> to vector<16xi32>
    %get3A_1145 = arith.constant 256 : index
    %get3A_1146 = tpu.vector_load %arg8[%get3A_1145] {strides = array<i32>} : memref<512xi32, #tpu.memory_space<vmem>>, vector<16xi32>,
    %get3A_1147 = vector.shape_cast %get3A_1146 : vector<16xi32> to vector<16xi32>
    %mul3A_1148 = arith.constant 36313 : i32
    %mul3A_1149 = vector.broadcast %mul3A_1148 : i32 to vector<16xi32>
    %mul3A_1150 = arith.muli %get3A_1147, %mul3A_1149 : vector<16xi32>
    %mul3A_1151 = arith.constant 27191 : i32
    %mul3A_1152 = vector.broadcast %mul3A_1151 : i32 to vector<16xi32>
    %mul3A_1153 = arith.muli %get3A_1144, %mul3A_1152 : vector<16xi32>
    %xor3A_1154 = arith.xori %mul3A_1150, %mul3A_1153 : vector<16xi32>
    %convert_element_type3A_1155 = arith.sitofp %xor3A_1154 : vector<16xi32> to vector<16xf32>
    %mul3A_1156 = arith.constant 1.00000102E-6 : f32
    %mul3A_1157 = vector.broadcast %mul3A_1156 : f32 to vector<16xf32>
    %mul3A_1158 = arith.mulf %convert_element_type3A_1155, %mul3A_1157 : vector<16xf32>
    %convert_element_type3A_1159 = arith.fptosi %mul3A_1158 : vector<16xf32> to vector<16xi32>
    %mul3A_1160 = arith.constant 999999 : i32
    %mul3A_1161 = vector.broadcast %mul3A_1160 : i32 to vector<16xi32>
    %mul3A_1162 = arith.muli %convert_element_type3A_1159, %mul3A_1161 : vector<16xi32>
    %sub3A_1163 = arith.subi %xor3A_1154, %mul3A_1162 : vector<16xi32>
    %lt3A_1164 = arith.constant 0 : i32
    %lt3A_1165 = vector.broadcast %lt3A_1164 : i32 to vector<16xi32>
    %lt3A_1166 = arith.cmpi slt, %sub3A_1163, %lt3A_1165 : vector<16xi32>
    %add3A_1167 = arith.constant 999999 : i32
    %add3A_1168 = vector.broadcast %add3A_1167 : i32 to vector<16xi32>
    %add3A_1169 = arith.addi %sub3A_1163, %add3A_1168 : vector<16xi32>
    %select_n3A_1170 = arith.select %lt3A_1166, %add3A_1169, %sub3A_1163 : vector<16xi1>, vector<16xi32>
    %lt3A_1171 = arith.constant 0 : i32
    %lt3A_1172 = vector.broadcast %lt3A_1171 : i32 to vector<16xi32>
    %lt3A_1173 = arith.cmpi slt, %select_n3A_1170, %lt3A_1172 : vector<16xi32>
    %add3A_1174 = arith.constant 999999 : i32
    %add3A_1175 = vector.broadcast %add3A_1174 : i32 to vector<16xi32>
    %add3A_1176 = arith.addi %select_n3A_1170, %add3A_1175 : vector<16xi32>
    %select_n3A_1177 = arith.select %lt3A_1173, %add3A_1176, %select_n3A_1170 : vector<16xi1>, vector<16xi32>
    %ge3A_1178 = arith.constant 999999 : i32
    %ge3A_1179 = vector.broadcast %ge3A_1178 : i32 to vector<16xi32>
    %ge3A_1180 = arith.cmpi sge, %select_n3A_1177, %ge3A_1179 : vector<16xi32>
    %sub3A_1181 = arith.constant 999999 : i32
    %sub3A_1182 = vector.broadcast %sub3A_1181 : i32 to vector<16xi32>
    %sub3A_1183 = arith.subi %select_n3A_1177, %sub3A_1182 : vector<16xi32>
    %select_n3A_1184 = arith.select %ge3A_1180, %sub3A_1183, %select_n3A_1177 : vector<16xi1>, vector<16xi32>
    %add3A_1185 = arith.constant 256 : i32
    %add3A_1186 = arith.addi %mul3A_2, %add3A_1185 : i32
    %add3A_1187 = vector.broadcast %add3A_1186 : i32 to vector<16xi32>
    %add3A_1188 = arith.addi %add3A_1187, %iota3A : vector<16xi32>
    %and3A_1189 = arith.constant 4095 : i32
    %and3A_1190 = vector.broadcast %and3A_1189 : i32 to vector<16xi32>
    %and3A_1191 = arith.andi %add3A_1188, %and3A_1190 : vector<16xi32>
    %eq3A_1192 = arith.constant 0 : i32
    %eq3A_1193 = vector.broadcast %eq3A_1192 : i32 to vector<16xi32>
    %eq3A_1194 = arith.cmpi eq, %and3A_1191, %eq3A_1193 : vector<16xi32>
    %jit3A_1195 = arith.constant 999999 : i32
    %broadcast_in_dim3A_1196 = vector.broadcast %jit3A_1195 : i32 to vector<16xi32>
    %select_n3A_1197 = arith.select %eq3A_1194, %broadcast_in_dim3A_1196, %select_n3A_1184 : vector<16xi1>, vector<16xi32>
    %shift_right_logical3A_1198 = arith.constant 1 : i32
    %shift_right_logical3A_1199 = vector.broadcast %shift_right_logical3A_1198 : i32 to vector<16xi32>
    %shift_right_logical3A_1200 = arith.shrui %select_n3A_1197, %shift_right_logical3A_1199 : vector<16xi32>
    %swap3A_1201 = arith.constant 2 : i32
    %swap3A_1202 = arith.index_cast %swap3A_1201 : i32 to index
    %swap3A_1203 = arith.constant 0 : index
    %swap3A_1204 = tpu.vector_load %arg9[%swap3A_1202, %swap3A_1203] {strides = array<i32>} : memref<4x128xi32, #tpu.memory_space<vmem>>, vector<1x16xi32>,
    %swap3A_1205 = vector.shape_cast %swap3A_1204 : vector<1x16xi32> to vector<16xi32>
    %swap3A_1206 = vector.shape_cast %shift_right_logical3A_1200 : vector<16xi32> to vector<1x16xi32>
    tpu.vector_store %arg9[%swap3A_1202, %swap3A_1203], %swap3A_1206 {strides = array<i32>} : memref<4x128xi32, #tpu.memory_space<vmem>>, vector<1x16xi32>,
    %and3A_1207 = arith.constant 1 : i32
    %and3A_1208 = vector.broadcast %and3A_1207 : i32 to vector<16xi32>
    %and3A_1209 = arith.andi %select_n3A_1197, %and3A_1208 : vector<16xi32>
    %swap3A_1210 = arith.constant 256 : index
    %swap3A_1211 = tpu.vector_load %arg10[%swap3A_1210] {strides = array<i32>} : memref<512xi32, #tpu.memory_space<vmem>>, vector<16xi32>,
    %swap3A_1212 = vector.shape_cast %swap3A_1211 : vector<16xi32> to vector<16xi32>
    %swap3A_1213 = vector.shape_cast %and3A_1209 : vector<16xi32> to vector<16xi32>
    tpu.vector_store %arg10[%swap3A_1210], %swap3A_1213 {strides = array<i32>} : memref<512xi32, #tpu.memory_space<vmem>>, vector<16xi32>,
    %get3A_1214 = arith.constant 272 : index
    %get3A_1215 = tpu.vector_load %arg7[%get3A_1214] {strides = array<i32>} : memref<512xi32, #tpu.memory_space<vmem>>, vector<16xi32>,
    %get3A_1216 = vector.shape_cast %get3A_1215 : vector<16xi32> to vector<16xi32>
    %get3A_1217 = arith.constant 272 : index
    %get3A_1218 = tpu.vector_load %arg8[%get3A_1217] {strides = array<i32>} : memref<512xi32, #tpu.memory_space<vmem>>, vector<16xi32>,
    %get3A_1219 = vector.shape_cast %get3A_1218 : vector<16xi32> to vector<16xi32>
    %mul3A_1220 = arith.constant 36313 : i32
    %mul3A_1221 = vector.broadcast %mul3A_1220 : i32 to vector<16xi32>
    %mul3A_1222 = arith.muli %get3A_1219, %mul3A_1221 : vector<16xi32>
    %mul3A_1223 = arith.constant 27191 : i32
    %mul3A_1224 = vector.broadcast %mul3A_1223 : i32 to vector<16xi32>
    %mul3A_1225 = arith.muli %get3A_1216, %mul3A_1224 : vector<16xi32>
    %xor3A_1226 = arith.xori %mul3A_1222, %mul3A_1225 : vector<16xi32>
    %convert_element_type3A_1227 = arith.sitofp %xor3A_1226 : vector<16xi32> to vector<16xf32>
    %mul3A_1228 = arith.constant 1.00000102E-6 : f32
    %mul3A_1229 = vector.broadcast %mul3A_1228 : f32 to vector<16xf32>
    %mul3A_1230 = arith.mulf %convert_element_type3A_1227, %mul3A_1229 : vector<16xf32>
    %convert_element_type3A_1231 = arith.fptosi %mul3A_1230 : vector<16xf32> to vector<16xi32>
    %mul3A_1232 = arith.constant 999999 : i32
    %mul3A_1233 = vector.broadcast %mul3A_1232 : i32 to vector<16xi32>
    %mul3A_1234 = arith.muli %convert_element_type3A_1231, %mul3A_1233 : vector<16xi32>
    %sub3A_1235 = arith.subi %xor3A_1226, %mul3A_1234 : vector<16xi32>
    %lt3A_1236 = arith.constant 0 : i32
    %lt3A_1237 = vector.broadcast %lt3A_1236 : i32 to vector<16xi32>
    %lt3A_1238 = arith.cmpi slt, %sub3A_1235, %lt3A_1237 : vector<16xi32>
    %add3A_1239 = arith.constant 999999 : i32
    %add3A_1240 = vector.broadcast %add3A_1239 : i32 to vector<16xi32>
    %add3A_1241 = arith.addi %sub3A_1235, %add3A_1240 : vector<16xi32>
    %select_n3A_1242 = arith.select %lt3A_1238, %add3A_1241, %sub3A_1235 : vector<16xi1>, vector<16xi32>
    %lt3A_1243 = arith.constant 0 : i32
    %lt3A_1244 = vector.broadcast %lt3A_1243 : i32 to vector<16xi32>
    %lt3A_1245 = arith.cmpi slt, %select_n3A_1242, %lt3A_1244 : vector<16xi32>
    %add3A_1246 = arith.constant 999999 : i32
    %add3A_1247 = vector.broadcast %add3A_1246 : i32 to vector<16xi32>
    %add3A_1248 = arith.addi %select_n3A_1242, %add3A_1247 : vector<16xi32>
    %select_n3A_1249 = arith.select %lt3A_1245, %add3A_1248, %select_n3A_1242 : vector<16xi1>, vector<16xi32>
    %ge3A_1250 = arith.constant 999999 : i32
    %ge3A_1251 = vector.broadcast %ge3A_1250 : i32 to vector<16xi32>
    %ge3A_1252 = arith.cmpi sge, %select_n3A_1249, %ge3A_1251 : vector<16xi32>
    %sub3A_1253 = arith.constant 999999 : i32
    %sub3A_1254 = vector.broadcast %sub3A_1253 : i32 to vector<16xi32>
    %sub3A_1255 = arith.subi %select_n3A_1249, %sub3A_1254 : vector<16xi32>
    %select_n3A_1256 = arith.select %ge3A_1252, %sub3A_1255, %select_n3A_1249 : vector<16xi1>, vector<16xi32>
    %add3A_1257 = arith.constant 272 : i32
    %add3A_1258 = arith.addi %mul3A_2, %add3A_1257 : i32
    %add3A_1259 = vector.broadcast %add3A_1258 : i32 to vector<16xi32>
    %add3A_1260 = arith.addi %add3A_1259, %iota3A : vector<16xi32>
    %and3A_1261 = arith.constant 4095 : i32
    %and3A_1262 = vector.broadcast %and3A_1261 : i32 to vector<16xi32>
    %and3A_1263 = arith.andi %add3A_1260, %and3A_1262 : vector<16xi32>
    %eq3A_1264 = arith.constant 0 : i32
    %eq3A_1265 = vector.broadcast %eq3A_1264 : i32 to vector<16xi32>
    %eq3A_1266 = arith.cmpi eq, %and3A_1263, %eq3A_1265 : vector<16xi32>
    %jit3A_1267 = arith.constant 999999 : i32
    %broadcast_in_dim3A_1268 = vector.broadcast %jit3A_1267 : i32 to vector<16xi32>
    %select_n3A_1269 = arith.select %eq3A_1266, %broadcast_in_dim3A_1268, %select_n3A_1256 : vector<16xi1>, vector<16xi32>
    %shift_right_logical3A_1270 = arith.constant 1 : i32
    %shift_right_logical3A_1271 = vector.broadcast %shift_right_logical3A_1270 : i32 to vector<16xi32>
    %shift_right_logical3A_1272 = arith.shrui %select_n3A_1269, %shift_right_logical3A_1271 : vector<16xi32>
    %swap3A_1273 = arith.constant 2 : i32
    %swap3A_1274 = arith.index_cast %swap3A_1273 : i32 to index
    %swap3A_1275 = arith.constant 16 : index
    %swap3A_1276 = tpu.vector_load %arg9[%swap3A_1274, %swap3A_1275] {strides = array<i32>} : memref<4x128xi32, #tpu.memory_space<vmem>>, vector<1x16xi32>,
    %swap3A_1277 = vector.shape_cast %swap3A_1276 : vector<1x16xi32> to vector<16xi32>
    %swap3A_1278 = vector.shape_cast %shift_right_logical3A_1272 : vector<16xi32> to vector<1x16xi32>
    tpu.vector_store %arg9[%swap3A_1274, %swap3A_1275], %swap3A_1278 {strides = array<i32>} : memref<4x128xi32, #tpu.memory_space<vmem>>, vector<1x16xi32>,
    %and3A_1279 = arith.constant 1 : i32
    %and3A_1280 = vector.broadcast %and3A_1279 : i32 to vector<16xi32>
    %and3A_1281 = arith.andi %select_n3A_1269, %and3A_1280 : vector<16xi32>
    %swap3A_1282 = arith.constant 272 : index
    %swap3A_1283 = tpu.vector_load %arg10[%swap3A_1282] {strides = array<i32>} : memref<512xi32, #tpu.memory_space<vmem>>, vector<16xi32>,
    %swap3A_1284 = vector.shape_cast %swap3A_1283 : vector<16xi32> to vector<16xi32>
    %swap3A_1285 = vector.shape_cast %and3A_1281 : vector<16xi32> to vector<16xi32>
    tpu.vector_store %arg10[%swap3A_1282], %swap3A_1285 {strides = array<i32>} : memref<512xi32, #tpu.memory_space<vmem>>, vector<16xi32>,
    %get3A_1286 = arith.constant 288 : index
    %get3A_1287 = tpu.vector_load %arg7[%get3A_1286] {strides = array<i32>} : memref<512xi32, #tpu.memory_space<vmem>>, vector<16xi32>,
    %get3A_1288 = vector.shape_cast %get3A_1287 : vector<16xi32> to vector<16xi32>
    %get3A_1289 = arith.constant 288 : index
    %get3A_1290 = tpu.vector_load %arg8[%get3A_1289] {strides = array<i32>} : memref<512xi32, #tpu.memory_space<vmem>>, vector<16xi32>,
    %get3A_1291 = vector.shape_cast %get3A_1290 : vector<16xi32> to vector<16xi32>
    %mul3A_1292 = arith.constant 36313 : i32
    %mul3A_1293 = vector.broadcast %mul3A_1292 : i32 to vector<16xi32>
    %mul3A_1294 = arith.muli %get3A_1291, %mul3A_1293 : vector<16xi32>
    %mul3A_1295 = arith.constant 27191 : i32
    %mul3A_1296 = vector.broadcast %mul3A_1295 : i32 to vector<16xi32>
    %mul3A_1297 = arith.muli %get3A_1288, %mul3A_1296 : vector<16xi32>
    %xor3A_1298 = arith.xori %mul3A_1294, %mul3A_1297 : vector<16xi32>
    %convert_element_type3A_1299 = arith.sitofp %xor3A_1298 : vector<16xi32> to vector<16xf32>
    %mul3A_1300 = arith.constant 1.00000102E-6 : f32
    %mul3A_1301 = vector.broadcast %mul3A_1300 : f32 to vector<16xf32>
    %mul3A_1302 = arith.mulf %convert_element_type3A_1299, %mul3A_1301 : vector<16xf32>
    %convert_element_type3A_1303 = arith.fptosi %mul3A_1302 : vector<16xf32> to vector<16xi32>
    %mul3A_1304 = arith.constant 999999 : i32
    %mul3A_1305 = vector.broadcast %mul3A_1304 : i32 to vector<16xi32>
    %mul3A_1306 = arith.muli %convert_element_type3A_1303, %mul3A_1305 : vector<16xi32>
    %sub3A_1307 = arith.subi %xor3A_1298, %mul3A_1306 : vector<16xi32>
    %lt3A_1308 = arith.constant 0 : i32
    %lt3A_1309 = vector.broadcast %lt3A_1308 : i32 to vector<16xi32>
    %lt3A_1310 = arith.cmpi slt, %sub3A_1307, %lt3A_1309 : vector<16xi32>
    %add3A_1311 = arith.constant 999999 : i32
    %add3A_1312 = vector.broadcast %add3A_1311 : i32 to vector<16xi32>
    %add3A_1313 = arith.addi %sub3A_1307, %add3A_1312 : vector<16xi32>
    %select_n3A_1314 = arith.select %lt3A_1310, %add3A_1313, %sub3A_1307 : vector<16xi1>, vector<16xi32>
    %lt3A_1315 = arith.constant 0 : i32
    %lt3A_1316 = vector.broadcast %lt3A_1315 : i32 to vector<16xi32>
    %lt3A_1317 = arith.cmpi slt, %select_n3A_1314, %lt3A_1316 : vector<16xi32>
    %add3A_1318 = arith.constant 999999 : i32
    %add3A_1319 = vector.broadcast %add3A_1318 : i32 to vector<16xi32>
    %add3A_1320 = arith.addi %select_n3A_1314, %add3A_1319 : vector<16xi32>
    %select_n3A_1321 = arith.select %lt3A_1317, %add3A_1320, %select_n3A_1314 : vector<16xi1>, vector<16xi32>
    %ge3A_1322 = arith.constant 999999 : i32
    %ge3A_1323 = vector.broadcast %ge3A_1322 : i32 to vector<16xi32>
    %ge3A_1324 = arith.cmpi sge, %select_n3A_1321, %ge3A_1323 : vector<16xi32>
    %sub3A_1325 = arith.constant 999999 : i32
    %sub3A_1326 = vector.broadcast %sub3A_1325 : i32 to vector<16xi32>
    %sub3A_1327 = arith.subi %select_n3A_1321, %sub3A_1326 : vector<16xi32>
    %select_n3A_1328 = arith.select %ge3A_1324, %sub3A_1327, %select_n3A_1321 : vector<16xi1>, vector<16xi32>
    %add3A_1329 = arith.constant 288 : i32
    %add3A_1330 = arith.addi %mul3A_2, %add3A_1329 : i32
    %add3A_1331 = vector.broadcast %add3A_1330 : i32 to vector<16xi32>
    %add3A_1332 = arith.addi %add3A_1331, %iota3A : vector<16xi32>
    %and3A_1333 = arith.constant 4095 : i32
    %and3A_1334 = vector.broadcast %and3A_1333 : i32 to vector<16xi32>
    %and3A_1335 = arith.andi %add3A_1332, %and3A_1334 : vector<16xi32>
    %eq3A_1336 = arith.constant 0 : i32
    %eq3A_1337 = vector.broadcast %eq3A_1336 : i32 to vector<16xi32>
    %eq3A_1338 = arith.cmpi eq, %and3A_1335, %eq3A_1337 : vector<16xi32>
    %jit3A_1339 = arith.constant 999999 : i32
    %broadcast_in_dim3A_1340 = vector.broadcast %jit3A_1339 : i32 to vector<16xi32>
    %select_n3A_1341 = arith.select %eq3A_1338, %broadcast_in_dim3A_1340, %select_n3A_1328 : vector<16xi1>, vector<16xi32>
    %shift_right_logical3A_1342 = arith.constant 1 : i32
    %shift_right_logical3A_1343 = vector.broadcast %shift_right_logical3A_1342 : i32 to vector<16xi32>
    %shift_right_logical3A_1344 = arith.shrui %select_n3A_1341, %shift_right_logical3A_1343 : vector<16xi32>
    %swap3A_1345 = arith.constant 2 : i32
    %swap3A_1346 = arith.index_cast %swap3A_1345 : i32 to index
    %swap3A_1347 = arith.constant 32 : index
    %swap3A_1348 = tpu.vector_load %arg9[%swap3A_1346, %swap3A_1347] {strides = array<i32>} : memref<4x128xi32, #tpu.memory_space<vmem>>, vector<1x16xi32>,
    %swap3A_1349 = vector.shape_cast %swap3A_1348 : vector<1x16xi32> to vector<16xi32>
    %swap3A_1350 = vector.shape_cast %shift_right_logical3A_1344 : vector<16xi32> to vector<1x16xi32>
    tpu.vector_store %arg9[%swap3A_1346, %swap3A_1347], %swap3A_1350 {strides = array<i32>} : memref<4x128xi32, #tpu.memory_space<vmem>>, vector<1x16xi32>,
    %and3A_1351 = arith.constant 1 : i32
    %and3A_1352 = vector.broadcast %and3A_1351 : i32 to vector<16xi32>
    %and3A_1353 = arith.andi %select_n3A_1341, %and3A_1352 : vector<16xi32>
    %swap3A_1354 = arith.constant 288 : index
    %swap3A_1355 = tpu.vector_load %arg10[%swap3A_1354] {strides = array<i32>} : memref<512xi32, #tpu.memory_space<vmem>>, vector<16xi32>,
    %swap3A_1356 = vector.shape_cast %swap3A_1355 : vector<16xi32> to vector<16xi32>
    %swap3A_1357 = vector.shape_cast %and3A_1353 : vector<16xi32> to vector<16xi32>
    tpu.vector_store %arg10[%swap3A_1354], %swap3A_1357 {strides = array<i32>} : memref<512xi32, #tpu.memory_space<vmem>>, vector<16xi32>,
    %get3A_1358 = arith.constant 304 : index
    %get3A_1359 = tpu.vector_load %arg7[%get3A_1358] {strides = array<i32>} : memref<512xi32, #tpu.memory_space<vmem>>, vector<16xi32>,
    %get3A_1360 = vector.shape_cast %get3A_1359 : vector<16xi32> to vector<16xi32>
    %get3A_1361 = arith.constant 304 : index
    %get3A_1362 = tpu.vector_load %arg8[%get3A_1361] {strides = array<i32>} : memref<512xi32, #tpu.memory_space<vmem>>, vector<16xi32>,
    %get3A_1363 = vector.shape_cast %get3A_1362 : vector<16xi32> to vector<16xi32>
    %mul3A_1364 = arith.constant 36313 : i32
    %mul3A_1365 = vector.broadcast %mul3A_1364 : i32 to vector<16xi32>
    %mul3A_1366 = arith.muli %get3A_1363, %mul3A_1365 : vector<16xi32>
    %mul3A_1367 = arith.constant 27191 : i32
    %mul3A_1368 = vector.broadcast %mul3A_1367 : i32 to vector<16xi32>
    %mul3A_1369 = arith.muli %get3A_1360, %mul3A_1368 : vector<16xi32>
    %xor3A_1370 = arith.xori %mul3A_1366, %mul3A_1369 : vector<16xi32>
    %convert_element_type3A_1371 = arith.sitofp %xor3A_1370 : vector<16xi32> to vector<16xf32>
    %mul3A_1372 = arith.constant 1.00000102E-6 : f32
    %mul3A_1373 = vector.broadcast %mul3A_1372 : f32 to vector<16xf32>
    %mul3A_1374 = arith.mulf %convert_element_type3A_1371, %mul3A_1373 : vector<16xf32>
    %convert_element_type3A_1375 = arith.fptosi %mul3A_1374 : vector<16xf32> to vector<16xi32>
    %mul3A_1376 = arith.constant 999999 : i32
    %mul3A_1377 = vector.broadcast %mul3A_1376 : i32 to vector<16xi32>
    %mul3A_1378 = arith.muli %convert_element_type3A_1375, %mul3A_1377 : vector<16xi32>
    %sub3A_1379 = arith.subi %xor3A_1370, %mul3A_1378 : vector<16xi32>
    %lt3A_1380 = arith.constant 0 : i32
    %lt3A_1381 = vector.broadcast %lt3A_1380 : i32 to vector<16xi32>
    %lt3A_1382 = arith.cmpi slt, %sub3A_1379, %lt3A_1381 : vector<16xi32>
    %add3A_1383 = arith.constant 999999 : i32
    %add3A_1384 = vector.broadcast %add3A_1383 : i32 to vector<16xi32>
    %add3A_1385 = arith.addi %sub3A_1379, %add3A_1384 : vector<16xi32>
    %select_n3A_1386 = arith.select %lt3A_1382, %add3A_1385, %sub3A_1379 : vector<16xi1>, vector<16xi32>
    %lt3A_1387 = arith.constant 0 : i32
    %lt3A_1388 = vector.broadcast %lt3A_1387 : i32 to vector<16xi32>
    %lt3A_1389 = arith.cmpi slt, %select_n3A_1386, %lt3A_1388 : vector<16xi32>
    %add3A_1390 = arith.constant 999999 : i32
    %add3A_1391 = vector.broadcast %add3A_1390 : i32 to vector<16xi32>
    %add3A_1392 = arith.addi %select_n3A_1386, %add3A_1391 : vector<16xi32>
    %select_n3A_1393 = arith.select %lt3A_1389, %add3A_1392, %select_n3A_1386 : vector<16xi1>, vector<16xi32>
    %ge3A_1394 = arith.constant 999999 : i32
    %ge3A_1395 = vector.broadcast %ge3A_1394 : i32 to vector<16xi32>
    %ge3A_1396 = arith.cmpi sge, %select_n3A_1393, %ge3A_1395 : vector<16xi32>
    %sub3A_1397 = arith.constant 999999 : i32
    %sub3A_1398 = vector.broadcast %sub3A_1397 : i32 to vector<16xi32>
    %sub3A_1399 = arith.subi %select_n3A_1393, %sub3A_1398 : vector<16xi32>
    %select_n3A_1400 = arith.select %ge3A_1396, %sub3A_1399, %select_n3A_1393 : vector<16xi1>, vector<16xi32>
    %add3A_1401 = arith.constant 304 : i32
    %add3A_1402 = arith.addi %mul3A_2, %add3A_1401 : i32
    %add3A_1403 = vector.broadcast %add3A_1402 : i32 to vector<16xi32>
    %add3A_1404 = arith.addi %add3A_1403, %iota3A : vector<16xi32>
    %and3A_1405 = arith.constant 4095 : i32
    %and3A_1406 = vector.broadcast %and3A_1405 : i32 to vector<16xi32>
    %and3A_1407 = arith.andi %add3A_1404, %and3A_1406 : vector<16xi32>
    %eq3A_1408 = arith.constant 0 : i32
    %eq3A_1409 = vector.broadcast %eq3A_1408 : i32 to vector<16xi32>
    %eq3A_1410 = arith.cmpi eq, %and3A_1407, %eq3A_1409 : vector<16xi32>
    %jit3A_1411 = arith.constant 999999 : i32
    %broadcast_in_dim3A_1412 = vector.broadcast %jit3A_1411 : i32 to vector<16xi32>
    %select_n3A_1413 = arith.select %eq3A_1410, %broadcast_in_dim3A_1412, %select_n3A_1400 : vector<16xi1>, vector<16xi32>
    %shift_right_logical3A_1414 = arith.constant 1 : i32
    %shift_right_logical3A_1415 = vector.broadcast %shift_right_logical3A_1414 : i32 to vector<16xi32>
    %shift_right_logical3A_1416 = arith.shrui %select_n3A_1413, %shift_right_logical3A_1415 : vector<16xi32>
    %swap3A_1417 = arith.constant 2 : i32
    %swap3A_1418 = arith.index_cast %swap3A_1417 : i32 to index
    %swap3A_1419 = arith.constant 48 : index
    %swap3A_1420 = tpu.vector_load %arg9[%swap3A_1418, %swap3A_1419] {strides = array<i32>} : memref<4x128xi32, #tpu.memory_space<vmem>>, vector<1x16xi32>,
    %swap3A_1421 = vector.shape_cast %swap3A_1420 : vector<1x16xi32> to vector<16xi32>
    %swap3A_1422 = vector.shape_cast %shift_right_logical3A_1416 : vector<16xi32> to vector<1x16xi32>
    tpu.vector_store %arg9[%swap3A_1418, %swap3A_1419], %swap3A_1422 {strides = array<i32>} : memref<4x128xi32, #tpu.memory_space<vmem>>, vector<1x16xi32>,
    %and3A_1423 = arith.constant 1 : i32
    %and3A_1424 = vector.broadcast %and3A_1423 : i32 to vector<16xi32>
    %and3A_1425 = arith.andi %select_n3A_1413, %and3A_1424 : vector<16xi32>
    %swap3A_1426 = arith.constant 304 : index
    %swap3A_1427 = tpu.vector_load %arg10[%swap3A_1426] {strides = array<i32>} : memref<512xi32, #tpu.memory_space<vmem>>, vector<16xi32>,
    %swap3A_1428 = vector.shape_cast %swap3A_1427 : vector<16xi32> to vector<16xi32>
    %swap3A_1429 = vector.shape_cast %and3A_1425 : vector<16xi32> to vector<16xi32>
    tpu.vector_store %arg10[%swap3A_1426], %swap3A_1429 {strides = array<i32>} : memref<512xi32, #tpu.memory_space<vmem>>, vector<16xi32>,
    %get3A_1430 = arith.constant 320 : index
    %get3A_1431 = tpu.vector_load %arg7[%get3A_1430] {strides = array<i32>} : memref<512xi32, #tpu.memory_space<vmem>>, vector<16xi32>,
    %get3A_1432 = vector.shape_cast %get3A_1431 : vector<16xi32> to vector<16xi32>
    %get3A_1433 = arith.constant 320 : index
    %get3A_1434 = tpu.vector_load %arg8[%get3A_1433] {strides = array<i32>} : memref<512xi32, #tpu.memory_space<vmem>>, vector<16xi32>,
    %get3A_1435 = vector.shape_cast %get3A_1434 : vector<16xi32> to vector<16xi32>
    %mul3A_1436 = arith.constant 36313 : i32
    %mul3A_1437 = vector.broadcast %mul3A_1436 : i32 to vector<16xi32>
    %mul3A_1438 = arith.muli %get3A_1435, %mul3A_1437 : vector<16xi32>
    %mul3A_1439 = arith.constant 27191 : i32
    %mul3A_1440 = vector.broadcast %mul3A_1439 : i32 to vector<16xi32>
    %mul3A_1441 = arith.muli %get3A_1432, %mul3A_1440 : vector<16xi32>
    %xor3A_1442 = arith.xori %mul3A_1438, %mul3A_1441 : vector<16xi32>
    %convert_element_type3A_1443 = arith.sitofp %xor3A_1442 : vector<16xi32> to vector<16xf32>
    %mul3A_1444 = arith.constant 1.00000102E-6 : f32
    %mul3A_1445 = vector.broadcast %mul3A_1444 : f32 to vector<16xf32>
    %mul3A_1446 = arith.mulf %convert_element_type3A_1443, %mul3A_1445 : vector<16xf32>
    %convert_element_type3A_1447 = arith.fptosi %mul3A_1446 : vector<16xf32> to vector<16xi32>
    %mul3A_1448 = arith.constant 999999 : i32
    %mul3A_1449 = vector.broadcast %mul3A_1448 : i32 to vector<16xi32>
    %mul3A_1450 = arith.muli %convert_element_type3A_1447, %mul3A_1449 : vector<16xi32>
    %sub3A_1451 = arith.subi %xor3A_1442, %mul3A_1450 : vector<16xi32>
    %lt3A_1452 = arith.constant 0 : i32
    %lt3A_1453 = vector.broadcast %lt3A_1452 : i32 to vector<16xi32>
    %lt3A_1454 = arith.cmpi slt, %sub3A_1451, %lt3A_1453 : vector<16xi32>
    %add3A_1455 = arith.constant 999999 : i32
    %add3A_1456 = vector.broadcast %add3A_1455 : i32 to vector<16xi32>
    %add3A_1457 = arith.addi %sub3A_1451, %add3A_1456 : vector<16xi32>
    %select_n3A_1458 = arith.select %lt3A_1454, %add3A_1457, %sub3A_1451 : vector<16xi1>, vector<16xi32>
    %lt3A_1459 = arith.constant 0 : i32
    %lt3A_1460 = vector.broadcast %lt3A_1459 : i32 to vector<16xi32>
    %lt3A_1461 = arith.cmpi slt, %select_n3A_1458, %lt3A_1460 : vector<16xi32>
    %add3A_1462 = arith.constant 999999 : i32
    %add3A_1463 = vector.broadcast %add3A_1462 : i32 to vector<16xi32>
    %add3A_1464 = arith.addi %select_n3A_1458, %add3A_1463 : vector<16xi32>
    %select_n3A_1465 = arith.select %lt3A_1461, %add3A_1464, %select_n3A_1458 : vector<16xi1>, vector<16xi32>
    %ge3A_1466 = arith.constant 999999 : i32
    %ge3A_1467 = vector.broadcast %ge3A_1466 : i32 to vector<16xi32>
    %ge3A_1468 = arith.cmpi sge, %select_n3A_1465, %ge3A_1467 : vector<16xi32>
    %sub3A_1469 = arith.constant 999999 : i32
    %sub3A_1470 = vector.broadcast %sub3A_1469 : i32 to vector<16xi32>
    %sub3A_1471 = arith.subi %select_n3A_1465, %sub3A_1470 : vector<16xi32>
    %select_n3A_1472 = arith.select %ge3A_1468, %sub3A_1471, %select_n3A_1465 : vector<16xi1>, vector<16xi32>
    %add3A_1473 = arith.constant 320 : i32
    %add3A_1474 = arith.addi %mul3A_2, %add3A_1473 : i32
    %add3A_1475 = vector.broadcast %add3A_1474 : i32 to vector<16xi32>
    %add3A_1476 = arith.addi %add3A_1475, %iota3A : vector<16xi32>
    %and3A_1477 = arith.constant 4095 : i32
    %and3A_1478 = vector.broadcast %and3A_1477 : i32 to vector<16xi32>
    %and3A_1479 = arith.andi %add3A_1476, %and3A_1478 : vector<16xi32>
    %eq3A_1480 = arith.constant 0 : i32
    %eq3A_1481 = vector.broadcast %eq3A_1480 : i32 to vector<16xi32>
    %eq3A_1482 = arith.cmpi eq, %and3A_1479, %eq3A_1481 : vector<16xi32>
    %jit3A_1483 = arith.constant 999999 : i32
    %broadcast_in_dim3A_1484 = vector.broadcast %jit3A_1483 : i32 to vector<16xi32>
    %select_n3A_1485 = arith.select %eq3A_1482, %broadcast_in_dim3A_1484, %select_n3A_1472 : vector<16xi1>, vector<16xi32>
    %shift_right_logical3A_1486 = arith.constant 1 : i32
    %shift_right_logical3A_1487 = vector.broadcast %shift_right_logical3A_1486 : i32 to vector<16xi32>
    %shift_right_logical3A_1488 = arith.shrui %select_n3A_1485, %shift_right_logical3A_1487 : vector<16xi32>
    %swap3A_1489 = arith.constant 2 : i32
    %swap3A_1490 = arith.index_cast %swap3A_1489 : i32 to index
    %swap3A_1491 = arith.constant 64 : index
    %swap3A_1492 = tpu.vector_load %arg9[%swap3A_1490, %swap3A_1491] {strides = array<i32>} : memref<4x128xi32, #tpu.memory_space<vmem>>, vector<1x16xi32>,
    %swap3A_1493 = vector.shape_cast %swap3A_1492 : vector<1x16xi32> to vector<16xi32>
    %swap3A_1494 = vector.shape_cast %shift_right_logical3A_1488 : vector<16xi32> to vector<1x16xi32>
    tpu.vector_store %arg9[%swap3A_1490, %swap3A_1491], %swap3A_1494 {strides = array<i32>} : memref<4x128xi32, #tpu.memory_space<vmem>>, vector<1x16xi32>,
    %and3A_1495 = arith.constant 1 : i32
    %and3A_1496 = vector.broadcast %and3A_1495 : i32 to vector<16xi32>
    %and3A_1497 = arith.andi %select_n3A_1485, %and3A_1496 : vector<16xi32>
    %swap3A_1498 = arith.constant 320 : index
    %swap3A_1499 = tpu.vector_load %arg10[%swap3A_1498] {strides = array<i32>} : memref<512xi32, #tpu.memory_space<vmem>>, vector<16xi32>,
    %swap3A_1500 = vector.shape_cast %swap3A_1499 : vector<16xi32> to vector<16xi32>
    %swap3A_1501 = vector.shape_cast %and3A_1497 : vector<16xi32> to vector<16xi32>
    tpu.vector_store %arg10[%swap3A_1498], %swap3A_1501 {strides = array<i32>} : memref<512xi32, #tpu.memory_space<vmem>>, vector<16xi32>,
    %get3A_1502 = arith.constant 336 : index
    %get3A_1503 = tpu.vector_load %arg7[%get3A_1502] {strides = array<i32>} : memref<512xi32, #tpu.memory_space<vmem>>, vector<16xi32>,
    %get3A_1504 = vector.shape_cast %get3A_1503 : vector<16xi32> to vector<16xi32>
    %get3A_1505 = arith.constant 336 : index
    %get3A_1506 = tpu.vector_load %arg8[%get3A_1505] {strides = array<i32>} : memref<512xi32, #tpu.memory_space<vmem>>, vector<16xi32>,
    %get3A_1507 = vector.shape_cast %get3A_1506 : vector<16xi32> to vector<16xi32>
    %mul3A_1508 = arith.constant 36313 : i32
    %mul3A_1509 = vector.broadcast %mul3A_1508 : i32 to vector<16xi32>
    %mul3A_1510 = arith.muli %get3A_1507, %mul3A_1509 : vector<16xi32>
    %mul3A_1511 = arith.constant 27191 : i32
    %mul3A_1512 = vector.broadcast %mul3A_1511 : i32 to vector<16xi32>
    %mul3A_1513 = arith.muli %get3A_1504, %mul3A_1512 : vector<16xi32>
    %xor3A_1514 = arith.xori %mul3A_1510, %mul3A_1513 : vector<16xi32>
    %convert_element_type3A_1515 = arith.sitofp %xor3A_1514 : vector<16xi32> to vector<16xf32>
    %mul3A_1516 = arith.constant 1.00000102E-6 : f32
    %mul3A_1517 = vector.broadcast %mul3A_1516 : f32 to vector<16xf32>
    %mul3A_1518 = arith.mulf %convert_element_type3A_1515, %mul3A_1517 : vector<16xf32>
    %convert_element_type3A_1519 = arith.fptosi %mul3A_1518 : vector<16xf32> to vector<16xi32>
    %mul3A_1520 = arith.constant 999999 : i32
    %mul3A_1521 = vector.broadcast %mul3A_1520 : i32 to vector<16xi32>
    %mul3A_1522 = arith.muli %convert_element_type3A_1519, %mul3A_1521 : vector<16xi32>
    %sub3A_1523 = arith.subi %xor3A_1514, %mul3A_1522 : vector<16xi32>
    %lt3A_1524 = arith.constant 0 : i32
    %lt3A_1525 = vector.broadcast %lt3A_1524 : i32 to vector<16xi32>
    %lt3A_1526 = arith.cmpi slt, %sub3A_1523, %lt3A_1525 : vector<16xi32>
    %add3A_1527 = arith.constant 999999 : i32
    %add3A_1528 = vector.broadcast %add3A_1527 : i32 to vector<16xi32>
    %add3A_1529 = arith.addi %sub3A_1523, %add3A_1528 : vector<16xi32>
    %select_n3A_1530 = arith.select %lt3A_1526, %add3A_1529, %sub3A_1523 : vector<16xi1>, vector<16xi32>
    %lt3A_1531 = arith.constant 0 : i32
    %lt3A_1532 = vector.broadcast %lt3A_1531 : i32 to vector<16xi32>
    %lt3A_1533 = arith.cmpi slt, %select_n3A_1530, %lt3A_1532 : vector<16xi32>
    %add3A_1534 = arith.constant 999999 : i32
    %add3A_1535 = vector.broadcast %add3A_1534 : i32 to vector<16xi32>
    %add3A_1536 = arith.addi %select_n3A_1530, %add3A_1535 : vector<16xi32>
    %select_n3A_1537 = arith.select %lt3A_1533, %add3A_1536, %select_n3A_1530 : vector<16xi1>, vector<16xi32>
    %ge3A_1538 = arith.constant 999999 : i32
    %ge3A_1539 = vector.broadcast %ge3A_1538 : i32 to vector<16xi32>
    %ge3A_1540 = arith.cmpi sge, %select_n3A_1537, %ge3A_1539 : vector<16xi32>
    %sub3A_1541 = arith.constant 999999 : i32
    %sub3A_1542 = vector.broadcast %sub3A_1541 : i32 to vector<16xi32>
    %sub3A_1543 = arith.subi %select_n3A_1537, %sub3A_1542 : vector<16xi32>
    %select_n3A_1544 = arith.select %ge3A_1540, %sub3A_1543, %select_n3A_1537 : vector<16xi1>, vector<16xi32>
    %add3A_1545 = arith.constant 336 : i32
    %add3A_1546 = arith.addi %mul3A_2, %add3A_1545 : i32
    %add3A_1547 = vector.broadcast %add3A_1546 : i32 to vector<16xi32>
    %add3A_1548 = arith.addi %add3A_1547, %iota3A : vector<16xi32>
    %and3A_1549 = arith.constant 4095 : i32
    %and3A_1550 = vector.broadcast %and3A_1549 : i32 to vector<16xi32>
    %and3A_1551 = arith.andi %add3A_1548, %and3A_1550 : vector<16xi32>
    %eq3A_1552 = arith.constant 0 : i32
    %eq3A_1553 = vector.broadcast %eq3A_1552 : i32 to vector<16xi32>
    %eq3A_1554 = arith.cmpi eq, %and3A_1551, %eq3A_1553 : vector<16xi32>
    %jit3A_1555 = arith.constant 999999 : i32
    %broadcast_in_dim3A_1556 = vector.broadcast %jit3A_1555 : i32 to vector<16xi32>
    %select_n3A_1557 = arith.select %eq3A_1554, %broadcast_in_dim3A_1556, %select_n3A_1544 : vector<16xi1>, vector<16xi32>
    %shift_right_logical3A_1558 = arith.constant 1 : i32
    %shift_right_logical3A_1559 = vector.broadcast %shift_right_logical3A_1558 : i32 to vector<16xi32>
    %shift_right_logical3A_1560 = arith.shrui %select_n3A_1557, %shift_right_logical3A_1559 : vector<16xi32>
    %swap3A_1561 = arith.constant 2 : i32
    %swap3A_1562 = arith.index_cast %swap3A_1561 : i32 to index
    %swap3A_1563 = arith.constant 80 : index
    %swap3A_1564 = tpu.vector_load %arg9[%swap3A_1562, %swap3A_1563] {strides = array<i32>} : memref<4x128xi32, #tpu.memory_space<vmem>>, vector<1x16xi32>,
    %swap3A_1565 = vector.shape_cast %swap3A_1564 : vector<1x16xi32> to vector<16xi32>
    %swap3A_1566 = vector.shape_cast %shift_right_logical3A_1560 : vector<16xi32> to vector<1x16xi32>
    tpu.vector_store %arg9[%swap3A_1562, %swap3A_1563], %swap3A_1566 {strides = array<i32>} : memref<4x128xi32, #tpu.memory_space<vmem>>, vector<1x16xi32>,
    %and3A_1567 = arith.constant 1 : i32
    %and3A_1568 = vector.broadcast %and3A_1567 : i32 to vector<16xi32>
    %and3A_1569 = arith.andi %select_n3A_1557, %and3A_1568 : vector<16xi32>
    %swap3A_1570 = arith.constant 336 : index
    %swap3A_1571 = tpu.vector_load %arg10[%swap3A_1570] {strides = array<i32>} : memref<512xi32, #tpu.memory_space<vmem>>, vector<16xi32>,
    %swap3A_1572 = vector.shape_cast %swap3A_1571 : vector<16xi32> to vector<16xi32>
    %swap3A_1573 = vector.shape_cast %and3A_1569 : vector<16xi32> to vector<16xi32>
    tpu.vector_store %arg10[%swap3A_1570], %swap3A_1573 {strides = array<i32>} : memref<512xi32, #tpu.memory_space<vmem>>, vector<16xi32>,
    %get3A_1574 = arith.constant 352 : index
    %get3A_1575 = tpu.vector_load %arg7[%get3A_1574] {strides = array<i32>} : memref<512xi32, #tpu.memory_space<vmem>>, vector<16xi32>,
    %get3A_1576 = vector.shape_cast %get3A_1575 : vector<16xi32> to vector<16xi32>
    %get3A_1577 = arith.constant 352 : index
    %get3A_1578 = tpu.vector_load %arg8[%get3A_1577] {strides = array<i32>} : memref<512xi32, #tpu.memory_space<vmem>>, vector<16xi32>,
    %get3A_1579 = vector.shape_cast %get3A_1578 : vector<16xi32> to vector<16xi32>
    %mul3A_1580 = arith.constant 36313 : i32
    %mul3A_1581 = vector.broadcast %mul3A_1580 : i32 to vector<16xi32>
    %mul3A_1582 = arith.muli %get3A_1579, %mul3A_1581 : vector<16xi32>
    %mul3A_1583 = arith.constant 27191 : i32
    %mul3A_1584 = vector.broadcast %mul3A_1583 : i32 to vector<16xi32>
    %mul3A_1585 = arith.muli %get3A_1576, %mul3A_1584 : vector<16xi32>
    %xor3A_1586 = arith.xori %mul3A_1582, %mul3A_1585 : vector<16xi32>
    %convert_element_type3A_1587 = arith.sitofp %xor3A_1586 : vector<16xi32> to vector<16xf32>
    %mul3A_1588 = arith.constant 1.00000102E-6 : f32
    %mul3A_1589 = vector.broadcast %mul3A_1588 : f32 to vector<16xf32>
    %mul3A_1590 = arith.mulf %convert_element_type3A_1587, %mul3A_1589 : vector<16xf32>
    %convert_element_type3A_1591 = arith.fptosi %mul3A_1590 : vector<16xf32> to vector<16xi32>
    %mul3A_1592 = arith.constant 999999 : i32
    %mul3A_1593 = vector.broadcast %mul3A_1592 : i32 to vector<16xi32>
    %mul3A_1594 = arith.muli %convert_element_type3A_1591, %mul3A_1593 : vector<16xi32>
    %sub3A_1595 = arith.subi %xor3A_1586, %mul3A_1594 : vector<16xi32>
    %lt3A_1596 = arith.constant 0 : i32
    %lt3A_1597 = vector.broadcast %lt3A_1596 : i32 to vector<16xi32>
    %lt3A_1598 = arith.cmpi slt, %sub3A_1595, %lt3A_1597 : vector<16xi32>
    %add3A_1599 = arith.constant 999999 : i32
    %add3A_1600 = vector.broadcast %add3A_1599 : i32 to vector<16xi32>
    %add3A_1601 = arith.addi %sub3A_1595, %add3A_1600 : vector<16xi32>
    %select_n3A_1602 = arith.select %lt3A_1598, %add3A_1601, %sub3A_1595 : vector<16xi1>, vector<16xi32>
    %lt3A_1603 = arith.constant 0 : i32
    %lt3A_1604 = vector.broadcast %lt3A_1603 : i32 to vector<16xi32>
    %lt3A_1605 = arith.cmpi slt, %select_n3A_1602, %lt3A_1604 : vector<16xi32>
    %add3A_1606 = arith.constant 999999 : i32
    %add3A_1607 = vector.broadcast %add3A_1606 : i32 to vector<16xi32>
    %add3A_1608 = arith.addi %select_n3A_1602, %add3A_1607 : vector<16xi32>
    %select_n3A_1609 = arith.select %lt3A_1605, %add3A_1608, %select_n3A_1602 : vector<16xi1>, vector<16xi32>
    %ge3A_1610 = arith.constant 999999 : i32
    %ge3A_1611 = vector.broadcast %ge3A_1610 : i32 to vector<16xi32>
    %ge3A_1612 = arith.cmpi sge, %select_n3A_1609, %ge3A_1611 : vector<16xi32>
    %sub3A_1613 = arith.constant 999999 : i32
    %sub3A_1614 = vector.broadcast %sub3A_1613 : i32 to vector<16xi32>
    %sub3A_1615 = arith.subi %select_n3A_1609, %sub3A_1614 : vector<16xi32>
    %select_n3A_1616 = arith.select %ge3A_1612, %sub3A_1615, %select_n3A_1609 : vector<16xi1>, vector<16xi32>
    %add3A_1617 = arith.constant 352 : i32
    %add3A_1618 = arith.addi %mul3A_2, %add3A_1617 : i32
    %add3A_1619 = vector.broadcast %add3A_1618 : i32 to vector<16xi32>
    %add3A_1620 = arith.addi %add3A_1619, %iota3A : vector<16xi32>
    %and3A_1621 = arith.constant 4095 : i32
    %and3A_1622 = vector.broadcast %and3A_1621 : i32 to vector<16xi32>
    %and3A_1623 = arith.andi %add3A_1620, %and3A_1622 : vector<16xi32>
    %eq3A_1624 = arith.constant 0 : i32
    %eq3A_1625 = vector.broadcast %eq3A_1624 : i32 to vector<16xi32>
    %eq3A_1626 = arith.cmpi eq, %and3A_1623, %eq3A_1625 : vector<16xi32>
    %jit3A_1627 = arith.constant 999999 : i32
    %broadcast_in_dim3A_1628 = vector.broadcast %jit3A_1627 : i32 to vector<16xi32>
    %select_n3A_1629 = arith.select %eq3A_1626, %broadcast_in_dim3A_1628, %select_n3A_1616 : vector<16xi1>, vector<16xi32>
    %shift_right_logical3A_1630 = arith.constant 1 : i32
    %shift_right_logical3A_1631 = vector.broadcast %shift_right_logical3A_1630 : i32 to vector<16xi32>
    %shift_right_logical3A_1632 = arith.shrui %select_n3A_1629, %shift_right_logical3A_1631 : vector<16xi32>
    %swap3A_1633 = arith.constant 2 : i32
    %swap3A_1634 = arith.index_cast %swap3A_1633 : i32 to index
    %swap3A_1635 = arith.constant 96 : index
    %swap3A_1636 = tpu.vector_load %arg9[%swap3A_1634, %swap3A_1635] {strides = array<i32>} : memref<4x128xi32, #tpu.memory_space<vmem>>, vector<1x16xi32>,
    %swap3A_1637 = vector.shape_cast %swap3A_1636 : vector<1x16xi32> to vector<16xi32>
    %swap3A_1638 = vector.shape_cast %shift_right_logical3A_1632 : vector<16xi32> to vector<1x16xi32>
    tpu.vector_store %arg9[%swap3A_1634, %swap3A_1635], %swap3A_1638 {strides = array<i32>} : memref<4x128xi32, #tpu.memory_space<vmem>>, vector<1x16xi32>,
    %and3A_1639 = arith.constant 1 : i32
    %and3A_1640 = vector.broadcast %and3A_1639 : i32 to vector<16xi32>
    %and3A_1641 = arith.andi %select_n3A_1629, %and3A_1640 : vector<16xi32>
    %swap3A_1642 = arith.constant 352 : index
    %swap3A_1643 = tpu.vector_load %arg10[%swap3A_1642] {strides = array<i32>} : memref<512xi32, #tpu.memory_space<vmem>>, vector<16xi32>,
    %swap3A_1644 = vector.shape_cast %swap3A_1643 : vector<16xi32> to vector<16xi32>
    %swap3A_1645 = vector.shape_cast %and3A_1641 : vector<16xi32> to vector<16xi32>
    tpu.vector_store %arg10[%swap3A_1642], %swap3A_1645 {strides = array<i32>} : memref<512xi32, #tpu.memory_space<vmem>>, vector<16xi32>,
    %get3A_1646 = arith.constant 368 : index
    %get3A_1647 = tpu.vector_load %arg7[%get3A_1646] {strides = array<i32>} : memref<512xi32, #tpu.memory_space<vmem>>, vector<16xi32>,
    %get3A_1648 = vector.shape_cast %get3A_1647 : vector<16xi32> to vector<16xi32>
    %get3A_1649 = arith.constant 368 : index
    %get3A_1650 = tpu.vector_load %arg8[%get3A_1649] {strides = array<i32>} : memref<512xi32, #tpu.memory_space<vmem>>, vector<16xi32>,
    %get3A_1651 = vector.shape_cast %get3A_1650 : vector<16xi32> to vector<16xi32>
    %mul3A_1652 = arith.constant 36313 : i32
    %mul3A_1653 = vector.broadcast %mul3A_1652 : i32 to vector<16xi32>
    %mul3A_1654 = arith.muli %get3A_1651, %mul3A_1653 : vector<16xi32>
    %mul3A_1655 = arith.constant 27191 : i32
    %mul3A_1656 = vector.broadcast %mul3A_1655 : i32 to vector<16xi32>
    %mul3A_1657 = arith.muli %get3A_1648, %mul3A_1656 : vector<16xi32>
    %xor3A_1658 = arith.xori %mul3A_1654, %mul3A_1657 : vector<16xi32>
    %convert_element_type3A_1659 = arith.sitofp %xor3A_1658 : vector<16xi32> to vector<16xf32>
    %mul3A_1660 = arith.constant 1.00000102E-6 : f32
    %mul3A_1661 = vector.broadcast %mul3A_1660 : f32 to vector<16xf32>
    %mul3A_1662 = arith.mulf %convert_element_type3A_1659, %mul3A_1661 : vector<16xf32>
    %convert_element_type3A_1663 = arith.fptosi %mul3A_1662 : vector<16xf32> to vector<16xi32>
    %mul3A_1664 = arith.constant 999999 : i32
    %mul3A_1665 = vector.broadcast %mul3A_1664 : i32 to vector<16xi32>
    %mul3A_1666 = arith.muli %convert_element_type3A_1663, %mul3A_1665 : vector<16xi32>
    %sub3A_1667 = arith.subi %xor3A_1658, %mul3A_1666 : vector<16xi32>
    %lt3A_1668 = arith.constant 0 : i32
    %lt3A_1669 = vector.broadcast %lt3A_1668 : i32 to vector<16xi32>
    %lt3A_1670 = arith.cmpi slt, %sub3A_1667, %lt3A_1669 : vector<16xi32>
    %add3A_1671 = arith.constant 999999 : i32
    %add3A_1672 = vector.broadcast %add3A_1671 : i32 to vector<16xi32>
    %add3A_1673 = arith.addi %sub3A_1667, %add3A_1672 : vector<16xi32>
    %select_n3A_1674 = arith.select %lt3A_1670, %add3A_1673, %sub3A_1667 : vector<16xi1>, vector<16xi32>
    %lt3A_1675 = arith.constant 0 : i32
    %lt3A_1676 = vector.broadcast %lt3A_1675 : i32 to vector<16xi32>
    %lt3A_1677 = arith.cmpi slt, %select_n3A_1674, %lt3A_1676 : vector<16xi32>
    %add3A_1678 = arith.constant 999999 : i32
    %add3A_1679 = vector.broadcast %add3A_1678 : i32 to vector<16xi32>
    %add3A_1680 = arith.addi %select_n3A_1674, %add3A_1679 : vector<16xi32>
    %select_n3A_1681 = arith.select %lt3A_1677, %add3A_1680, %select_n3A_1674 : vector<16xi1>, vector<16xi32>
    %ge3A_1682 = arith.constant 999999 : i32
    %ge3A_1683 = vector.broadcast %ge3A_1682 : i32 to vector<16xi32>
    %ge3A_1684 = arith.cmpi sge, %select_n3A_1681, %ge3A_1683 : vector<16xi32>
    %sub3A_1685 = arith.constant 999999 : i32
    %sub3A_1686 = vector.broadcast %sub3A_1685 : i32 to vector<16xi32>
    %sub3A_1687 = arith.subi %select_n3A_1681, %sub3A_1686 : vector<16xi32>
    %select_n3A_1688 = arith.select %ge3A_1684, %sub3A_1687, %select_n3A_1681 : vector<16xi1>, vector<16xi32>
    %add3A_1689 = arith.constant 368 : i32
    %add3A_1690 = arith.addi %mul3A_2, %add3A_1689 : i32
    %add3A_1691 = vector.broadcast %add3A_1690 : i32 to vector<16xi32>
    %add3A_1692 = arith.addi %add3A_1691, %iota3A : vector<16xi32>
    %and3A_1693 = arith.constant 4095 : i32
    %and3A_1694 = vector.broadcast %and3A_1693 : i32 to vector<16xi32>
    %and3A_1695 = arith.andi %add3A_1692, %and3A_1694 : vector<16xi32>
    %eq3A_1696 = arith.constant 0 : i32
    %eq3A_1697 = vector.broadcast %eq3A_1696 : i32 to vector<16xi32>
    %eq3A_1698 = arith.cmpi eq, %and3A_1695, %eq3A_1697 : vector<16xi32>
    %jit3A_1699 = arith.constant 999999 : i32
    %broadcast_in_dim3A_1700 = vector.broadcast %jit3A_1699 : i32 to vector<16xi32>
    %select_n3A_1701 = arith.select %eq3A_1698, %broadcast_in_dim3A_1700, %select_n3A_1688 : vector<16xi1>, vector<16xi32>
    %shift_right_logical3A_1702 = arith.constant 1 : i32
    %shift_right_logical3A_1703 = vector.broadcast %shift_right_logical3A_1702 : i32 to vector<16xi32>
    %shift_right_logical3A_1704 = arith.shrui %select_n3A_1701, %shift_right_logical3A_1703 : vector<16xi32>
    %swap3A_1705 = arith.constant 2 : i32
    %swap3A_1706 = arith.index_cast %swap3A_1705 : i32 to index
    %swap3A_1707 = arith.constant 112 : index
    %swap3A_1708 = tpu.vector_load %arg9[%swap3A_1706, %swap3A_1707] {strides = array<i32>} : memref<4x128xi32, #tpu.memory_space<vmem>>, vector<1x16xi32>,
    %swap3A_1709 = vector.shape_cast %swap3A_1708 : vector<1x16xi32> to vector<16xi32>
    %swap3A_1710 = vector.shape_cast %shift_right_logical3A_1704 : vector<16xi32> to vector<1x16xi32>
    tpu.vector_store %arg9[%swap3A_1706, %swap3A_1707], %swap3A_1710 {strides = array<i32>} : memref<4x128xi32, #tpu.memory_space<vmem>>, vector<1x16xi32>,
    %and3A_1711 = arith.constant 1 : i32
    %and3A_1712 = vector.broadcast %and3A_1711 : i32 to vector<16xi32>
    %and3A_1713 = arith.andi %select_n3A_1701, %and3A_1712 : vector<16xi32>
    %swap3A_1714 = arith.constant 368 : index
    %swap3A_1715 = tpu.vector_load %arg10[%swap3A_1714] {strides = array<i32>} : memref<512xi32, #tpu.memory_space<vmem>>, vector<16xi32>,
    %swap3A_1716 = vector.shape_cast %swap3A_1715 : vector<16xi32> to vector<16xi32>
    %swap3A_1717 = vector.shape_cast %and3A_1713 : vector<16xi32> to vector<16xi32>
    tpu.vector_store %arg10[%swap3A_1714], %swap3A_1717 {strides = array<i32>} : memref<512xi32, #tpu.memory_space<vmem>>, vector<16xi32>,
    %get3A_1718 = arith.constant 384 : index
    %get3A_1719 = tpu.vector_load %arg7[%get3A_1718] {strides = array<i32>} : memref<512xi32, #tpu.memory_space<vmem>>, vector<16xi32>,
    %get3A_1720 = vector.shape_cast %get3A_1719 : vector<16xi32> to vector<16xi32>
    %get3A_1721 = arith.constant 384 : index
    %get3A_1722 = tpu.vector_load %arg8[%get3A_1721] {strides = array<i32>} : memref<512xi32, #tpu.memory_space<vmem>>, vector<16xi32>,
    %get3A_1723 = vector.shape_cast %get3A_1722 : vector<16xi32> to vector<16xi32>
    %mul3A_1724 = arith.constant 36313 : i32
    %mul3A_1725 = vector.broadcast %mul3A_1724 : i32 to vector<16xi32>
    %mul3A_1726 = arith.muli %get3A_1723, %mul3A_1725 : vector<16xi32>
    %mul3A_1727 = arith.constant 27191 : i32
    %mul3A_1728 = vector.broadcast %mul3A_1727 : i32 to vector<16xi32>
    %mul3A_1729 = arith.muli %get3A_1720, %mul3A_1728 : vector<16xi32>
    %xor3A_1730 = arith.xori %mul3A_1726, %mul3A_1729 : vector<16xi32>
    %convert_element_type3A_1731 = arith.sitofp %xor3A_1730 : vector<16xi32> to vector<16xf32>
    %mul3A_1732 = arith.constant 1.00000102E-6 : f32
    %mul3A_1733 = vector.broadcast %mul3A_1732 : f32 to vector<16xf32>
    %mul3A_1734 = arith.mulf %convert_element_type3A_1731, %mul3A_1733 : vector<16xf32>
    %convert_element_type3A_1735 = arith.fptosi %mul3A_1734 : vector<16xf32> to vector<16xi32>
    %mul3A_1736 = arith.constant 999999 : i32
    %mul3A_1737 = vector.broadcast %mul3A_1736 : i32 to vector<16xi32>
    %mul3A_1738 = arith.muli %convert_element_type3A_1735, %mul3A_1737 : vector<16xi32>
    %sub3A_1739 = arith.subi %xor3A_1730, %mul3A_1738 : vector<16xi32>
    %lt3A_1740 = arith.constant 0 : i32
    %lt3A_1741 = vector.broadcast %lt3A_1740 : i32 to vector<16xi32>
    %lt3A_1742 = arith.cmpi slt, %sub3A_1739, %lt3A_1741 : vector<16xi32>
    %add3A_1743 = arith.constant 999999 : i32
    %add3A_1744 = vector.broadcast %add3A_1743 : i32 to vector<16xi32>
    %add3A_1745 = arith.addi %sub3A_1739, %add3A_1744 : vector<16xi32>
    %select_n3A_1746 = arith.select %lt3A_1742, %add3A_1745, %sub3A_1739 : vector<16xi1>, vector<16xi32>
    %lt3A_1747 = arith.constant 0 : i32
    %lt3A_1748 = vector.broadcast %lt3A_1747 : i32 to vector<16xi32>
    %lt3A_1749 = arith.cmpi slt, %select_n3A_1746, %lt3A_1748 : vector<16xi32>
    %add3A_1750 = arith.constant 999999 : i32
    %add3A_1751 = vector.broadcast %add3A_1750 : i32 to vector<16xi32>
    %add3A_1752 = arith.addi %select_n3A_1746, %add3A_1751 : vector<16xi32>
    %select_n3A_1753 = arith.select %lt3A_1749, %add3A_1752, %select_n3A_1746 : vector<16xi1>, vector<16xi32>
    %ge3A_1754 = arith.constant 999999 : i32
    %ge3A_1755 = vector.broadcast %ge3A_1754 : i32 to vector<16xi32>
    %ge3A_1756 = arith.cmpi sge, %select_n3A_1753, %ge3A_1755 : vector<16xi32>
    %sub3A_1757 = arith.constant 999999 : i32
    %sub3A_1758 = vector.broadcast %sub3A_1757 : i32 to vector<16xi32>
    %sub3A_1759 = arith.subi %select_n3A_1753, %sub3A_1758 : vector<16xi32>
    %select_n3A_1760 = arith.select %ge3A_1756, %sub3A_1759, %select_n3A_1753 : vector<16xi1>, vector<16xi32>
    %add3A_1761 = arith.constant 384 : i32
    %add3A_1762 = arith.addi %mul3A_2, %add3A_1761 : i32
    %add3A_1763 = vector.broadcast %add3A_1762 : i32 to vector<16xi32>
    %add3A_1764 = arith.addi %add3A_1763, %iota3A : vector<16xi32>
    %and3A_1765 = arith.constant 4095 : i32
    %and3A_1766 = vector.broadcast %and3A_1765 : i32 to vector<16xi32>
    %and3A_1767 = arith.andi %add3A_1764, %and3A_1766 : vector<16xi32>
    %eq3A_1768 = arith.constant 0 : i32
    %eq3A_1769 = vector.broadcast %eq3A_1768 : i32 to vector<16xi32>
    %eq3A_1770 = arith.cmpi eq, %and3A_1767, %eq3A_1769 : vector<16xi32>
    %jit3A_1771 = arith.constant 999999 : i32
    %broadcast_in_dim3A_1772 = vector.broadcast %jit3A_1771 : i32 to vector<16xi32>
    %select_n3A_1773 = arith.select %eq3A_1770, %broadcast_in_dim3A_1772, %select_n3A_1760 : vector<16xi1>, vector<16xi32>
    %shift_right_logical3A_1774 = arith.constant 1 : i32
    %shift_right_logical3A_1775 = vector.broadcast %shift_right_logical3A_1774 : i32 to vector<16xi32>
    %shift_right_logical3A_1776 = arith.shrui %select_n3A_1773, %shift_right_logical3A_1775 : vector<16xi32>
    %swap3A_1777 = arith.constant 3 : i32
    %swap3A_1778 = arith.index_cast %swap3A_1777 : i32 to index
    %swap3A_1779 = arith.constant 0 : index
    %swap3A_1780 = tpu.vector_load %arg9[%swap3A_1778, %swap3A_1779] {strides = array<i32>} : memref<4x128xi32, #tpu.memory_space<vmem>>, vector<1x16xi32>,
    %swap3A_1781 = vector.shape_cast %swap3A_1780 : vector<1x16xi32> to vector<16xi32>
    %swap3A_1782 = vector.shape_cast %shift_right_logical3A_1776 : vector<16xi32> to vector<1x16xi32>
    tpu.vector_store %arg9[%swap3A_1778, %swap3A_1779], %swap3A_1782 {strides = array<i32>} : memref<4x128xi32, #tpu.memory_space<vmem>>, vector<1x16xi32>,
    %and3A_1783 = arith.constant 1 : i32
    %and3A_1784 = vector.broadcast %and3A_1783 : i32 to vector<16xi32>
    %and3A_1785 = arith.andi %select_n3A_1773, %and3A_1784 : vector<16xi32>
    %swap3A_1786 = arith.constant 384 : index
    %swap3A_1787 = tpu.vector_load %arg10[%swap3A_1786] {strides = array<i32>} : memref<512xi32, #tpu.memory_space<vmem>>, vector<16xi32>,
    %swap3A_1788 = vector.shape_cast %swap3A_1787 : vector<16xi32> to vector<16xi32>
    %swap3A_1789 = vector.shape_cast %and3A_1785 : vector<16xi32> to vector<16xi32>
    tpu.vector_store %arg10[%swap3A_1786], %swap3A_1789 {strides = array<i32>} : memref<512xi32, #tpu.memory_space<vmem>>, vector<16xi32>,
    %get3A_1790 = arith.constant 400 : index
    %get3A_1791 = tpu.vector_load %arg7[%get3A_1790] {strides = array<i32>} : memref<512xi32, #tpu.memory_space<vmem>>, vector<16xi32>,
    %get3A_1792 = vector.shape_cast %get3A_1791 : vector<16xi32> to vector<16xi32>
    %get3A_1793 = arith.constant 400 : index
    %get3A_1794 = tpu.vector_load %arg8[%get3A_1793] {strides = array<i32>} : memref<512xi32, #tpu.memory_space<vmem>>, vector<16xi32>,
    %get3A_1795 = vector.shape_cast %get3A_1794 : vector<16xi32> to vector<16xi32>
    %mul3A_1796 = arith.constant 36313 : i32
    %mul3A_1797 = vector.broadcast %mul3A_1796 : i32 to vector<16xi32>
    %mul3A_1798 = arith.muli %get3A_1795, %mul3A_1797 : vector<16xi32>
    %mul3A_1799 = arith.constant 27191 : i32
    %mul3A_1800 = vector.broadcast %mul3A_1799 : i32 to vector<16xi32>
    %mul3A_1801 = arith.muli %get3A_1792, %mul3A_1800 : vector<16xi32>
    %xor3A_1802 = arith.xori %mul3A_1798, %mul3A_1801 : vector<16xi32>
    %convert_element_type3A_1803 = arith.sitofp %xor3A_1802 : vector<16xi32> to vector<16xf32>
    %mul3A_1804 = arith.constant 1.00000102E-6 : f32
    %mul3A_1805 = vector.broadcast %mul3A_1804 : f32 to vector<16xf32>
    %mul3A_1806 = arith.mulf %convert_element_type3A_1803, %mul3A_1805 : vector<16xf32>
    %convert_element_type3A_1807 = arith.fptosi %mul3A_1806 : vector<16xf32> to vector<16xi32>
    %mul3A_1808 = arith.constant 999999 : i32
    %mul3A_1809 = vector.broadcast %mul3A_1808 : i32 to vector<16xi32>
    %mul3A_1810 = arith.muli %convert_element_type3A_1807, %mul3A_1809 : vector<16xi32>
    %sub3A_1811 = arith.subi %xor3A_1802, %mul3A_1810 : vector<16xi32>
    %lt3A_1812 = arith.constant 0 : i32
    %lt3A_1813 = vector.broadcast %lt3A_1812 : i32 to vector<16xi32>
    %lt3A_1814 = arith.cmpi slt, %sub3A_1811, %lt3A_1813 : vector<16xi32>
    %add3A_1815 = arith.constant 999999 : i32
    %add3A_1816 = vector.broadcast %add3A_1815 : i32 to vector<16xi32>
    %add3A_1817 = arith.addi %sub3A_1811, %add3A_1816 : vector<16xi32>
    %select_n3A_1818 = arith.select %lt3A_1814, %add3A_1817, %sub3A_1811 : vector<16xi1>, vector<16xi32>
    %lt3A_1819 = arith.constant 0 : i32
    %lt3A_1820 = vector.broadcast %lt3A_1819 : i32 to vector<16xi32>
    %lt3A_1821 = arith.cmpi slt, %select_n3A_1818, %lt3A_1820 : vector<16xi32>
    %add3A_1822 = arith.constant 999999 : i32
    %add3A_1823 = vector.broadcast %add3A_1822 : i32 to vector<16xi32>
    %add3A_1824 = arith.addi %select_n3A_1818, %add3A_1823 : vector<16xi32>
    %select_n3A_1825 = arith.select %lt3A_1821, %add3A_1824, %select_n3A_1818 : vector<16xi1>, vector<16xi32>
    %ge3A_1826 = arith.constant 999999 : i32
    %ge3A_1827 = vector.broadcast %ge3A_1826 : i32 to vector<16xi32>
    %ge3A_1828 = arith.cmpi sge, %select_n3A_1825, %ge3A_1827 : vector<16xi32>
    %sub3A_1829 = arith.constant 999999 : i32
    %sub3A_1830 = vector.broadcast %sub3A_1829 : i32 to vector<16xi32>
    %sub3A_1831 = arith.subi %select_n3A_1825, %sub3A_1830 : vector<16xi32>
    %select_n3A_1832 = arith.select %ge3A_1828, %sub3A_1831, %select_n3A_1825 : vector<16xi1>, vector<16xi32>
    %add3A_1833 = arith.constant 400 : i32
    %add3A_1834 = arith.addi %mul3A_2, %add3A_1833 : i32
    %add3A_1835 = vector.broadcast %add3A_1834 : i32 to vector<16xi32>
    %add3A_1836 = arith.addi %add3A_1835, %iota3A : vector<16xi32>
    %and3A_1837 = arith.constant 4095 : i32
    %and3A_1838 = vector.broadcast %and3A_1837 : i32 to vector<16xi32>
    %and3A_1839 = arith.andi %add3A_1836, %and3A_1838 : vector<16xi32>
    %eq3A_1840 = arith.constant 0 : i32
    %eq3A_1841 = vector.broadcast %eq3A_1840 : i32 to vector<16xi32>
    %eq3A_1842 = arith.cmpi eq, %and3A_1839, %eq3A_1841 : vector<16xi32>
    %jit3A_1843 = arith.constant 999999 : i32
    %broadcast_in_dim3A_1844 = vector.broadcast %jit3A_1843 : i32 to vector<16xi32>
    %select_n3A_1845 = arith.select %eq3A_1842, %broadcast_in_dim3A_1844, %select_n3A_1832 : vector<16xi1>, vector<16xi32>
    %shift_right_logical3A_1846 = arith.constant 1 : i32
    %shift_right_logical3A_1847 = vector.broadcast %shift_right_logical3A_1846 : i32 to vector<16xi32>
    %shift_right_logical3A_1848 = arith.shrui %select_n3A_1845, %shift_right_logical3A_1847 : vector<16xi32>
    %swap3A_1849 = arith.constant 3 : i32
    %swap3A_1850 = arith.index_cast %swap3A_1849 : i32 to index
    %swap3A_1851 = arith.constant 16 : index
    %swap3A_1852 = tpu.vector_load %arg9[%swap3A_1850, %swap3A_1851] {strides = array<i32>} : memref<4x128xi32, #tpu.memory_space<vmem>>, vector<1x16xi32>,
    %swap3A_1853 = vector.shape_cast %swap3A_1852 : vector<1x16xi32> to vector<16xi32>
    %swap3A_1854 = vector.shape_cast %shift_right_logical3A_1848 : vector<16xi32> to vector<1x16xi32>
    tpu.vector_store %arg9[%swap3A_1850, %swap3A_1851], %swap3A_1854 {strides = array<i32>} : memref<4x128xi32, #tpu.memory_space<vmem>>, vector<1x16xi32>,
    %and3A_1855 = arith.constant 1 : i32
    %and3A_1856 = vector.broadcast %and3A_1855 : i32 to vector<16xi32>
    %and3A_1857 = arith.andi %select_n3A_1845, %and3A_1856 : vector<16xi32>
    %swap3A_1858 = arith.constant 400 : index
    %swap3A_1859 = tpu.vector_load %arg10[%swap3A_1858] {strides = array<i32>} : memref<512xi32, #tpu.memory_space<vmem>>, vector<16xi32>,
    %swap3A_1860 = vector.shape_cast %swap3A_1859 : vector<16xi32> to vector<16xi32>
    %swap3A_1861 = vector.shape_cast %and3A_1857 : vector<16xi32> to vector<16xi32>
    tpu.vector_store %arg10[%swap3A_1858], %swap3A_1861 {strides = array<i32>} : memref<512xi32, #tpu.memory_space<vmem>>, vector<16xi32>,
    %get3A_1862 = arith.constant 416 : index
    %get3A_1863 = tpu.vector_load %arg7[%get3A_1862] {strides = array<i32>} : memref<512xi32, #tpu.memory_space<vmem>>, vector<16xi32>,
    %get3A_1864 = vector.shape_cast %get3A_1863 : vector<16xi32> to vector<16xi32>
    %get3A_1865 = arith.constant 416 : index
    %get3A_1866 = tpu.vector_load %arg8[%get3A_1865] {strides = array<i32>} : memref<512xi32, #tpu.memory_space<vmem>>, vector<16xi32>,
    %get3A_1867 = vector.shape_cast %get3A_1866 : vector<16xi32> to vector<16xi32>
    %mul3A_1868 = arith.constant 36313 : i32
    %mul3A_1869 = vector.broadcast %mul3A_1868 : i32 to vector<16xi32>
    %mul3A_1870 = arith.muli %get3A_1867, %mul3A_1869 : vector<16xi32>
    %mul3A_1871 = arith.constant 27191 : i32
    %mul3A_1872 = vector.broadcast %mul3A_1871 : i32 to vector<16xi32>
    %mul3A_1873 = arith.muli %get3A_1864, %mul3A_1872 : vector<16xi32>
    %xor3A_1874 = arith.xori %mul3A_1870, %mul3A_1873 : vector<16xi32>
    %convert_element_type3A_1875 = arith.sitofp %xor3A_1874 : vector<16xi32> to vector<16xf32>
    %mul3A_1876 = arith.constant 1.00000102E-6 : f32
    %mul3A_1877 = vector.broadcast %mul3A_1876 : f32 to vector<16xf32>
    %mul3A_1878 = arith.mulf %convert_element_type3A_1875, %mul3A_1877 : vector<16xf32>
    %convert_element_type3A_1879 = arith.fptosi %mul3A_1878 : vector<16xf32> to vector<16xi32>
    %mul3A_1880 = arith.constant 999999 : i32
    %mul3A_1881 = vector.broadcast %mul3A_1880 : i32 to vector<16xi32>
    %mul3A_1882 = arith.muli %convert_element_type3A_1879, %mul3A_1881 : vector<16xi32>
    %sub3A_1883 = arith.subi %xor3A_1874, %mul3A_1882 : vector<16xi32>
    %lt3A_1884 = arith.constant 0 : i32
    %lt3A_1885 = vector.broadcast %lt3A_1884 : i32 to vector<16xi32>
    %lt3A_1886 = arith.cmpi slt, %sub3A_1883, %lt3A_1885 : vector<16xi32>
    %add3A_1887 = arith.constant 999999 : i32
    %add3A_1888 = vector.broadcast %add3A_1887 : i32 to vector<16xi32>
    %add3A_1889 = arith.addi %sub3A_1883, %add3A_1888 : vector<16xi32>
    %select_n3A_1890 = arith.select %lt3A_1886, %add3A_1889, %sub3A_1883 : vector<16xi1>, vector<16xi32>
    %lt3A_1891 = arith.constant 0 : i32
    %lt3A_1892 = vector.broadcast %lt3A_1891 : i32 to vector<16xi32>
    %lt3A_1893 = arith.cmpi slt, %select_n3A_1890, %lt3A_1892 : vector<16xi32>
    %add3A_1894 = arith.constant 999999 : i32
    %add3A_1895 = vector.broadcast %add3A_1894 : i32 to vector<16xi32>
    %add3A_1896 = arith.addi %select_n3A_1890, %add3A_1895 : vector<16xi32>
    %select_n3A_1897 = arith.select %lt3A_1893, %add3A_1896, %select_n3A_1890 : vector<16xi1>, vector<16xi32>
    %ge3A_1898 = arith.constant 999999 : i32
    %ge3A_1899 = vector.broadcast %ge3A_1898 : i32 to vector<16xi32>
    %ge3A_1900 = arith.cmpi sge, %select_n3A_1897, %ge3A_1899 : vector<16xi32>
    %sub3A_1901 = arith.constant 999999 : i32
    %sub3A_1902 = vector.broadcast %sub3A_1901 : i32 to vector<16xi32>
    %sub3A_1903 = arith.subi %select_n3A_1897, %sub3A_1902 : vector<16xi32>
    %select_n3A_1904 = arith.select %ge3A_1900, %sub3A_1903, %select_n3A_1897 : vector<16xi1>, vector<16xi32>
    %add3A_1905 = arith.constant 416 : i32
    %add3A_1906 = arith.addi %mul3A_2, %add3A_1905 : i32
    %add3A_1907 = vector.broadcast %add3A_1906 : i32 to vector<16xi32>
    %add3A_1908 = arith.addi %add3A_1907, %iota3A : vector<16xi32>
    %and3A_1909 = arith.constant 4095 : i32
    %and3A_1910 = vector.broadcast %and3A_1909 : i32 to vector<16xi32>
    %and3A_1911 = arith.andi %add3A_1908, %and3A_1910 : vector<16xi32>
    %eq3A_1912 = arith.constant 0 : i32
    %eq3A_1913 = vector.broadcast %eq3A_1912 : i32 to vector<16xi32>
    %eq3A_1914 = arith.cmpi eq, %and3A_1911, %eq3A_1913 : vector<16xi32>
    %jit3A_1915 = arith.constant 999999 : i32
    %broadcast_in_dim3A_1916 = vector.broadcast %jit3A_1915 : i32 to vector<16xi32>
    %select_n3A_1917 = arith.select %eq3A_1914, %broadcast_in_dim3A_1916, %select_n3A_1904 : vector<16xi1>, vector<16xi32>
    %shift_right_logical3A_1918 = arith.constant 1 : i32
    %shift_right_logical3A_1919 = vector.broadcast %shift_right_logical3A_1918 : i32 to vector<16xi32>
    %shift_right_logical3A_1920 = arith.shrui %select_n3A_1917, %shift_right_logical3A_1919 : vector<16xi32>
    %swap3A_1921 = arith.constant 3 : i32
    %swap3A_1922 = arith.index_cast %swap3A_1921 : i32 to index
    %swap3A_1923 = arith.constant 32 : index
    %swap3A_1924 = tpu.vector_load %arg9[%swap3A_1922, %swap3A_1923] {strides = array<i32>} : memref<4x128xi32, #tpu.memory_space<vmem>>, vector<1x16xi32>,
    %swap3A_1925 = vector.shape_cast %swap3A_1924 : vector<1x16xi32> to vector<16xi32>
    %swap3A_1926 = vector.shape_cast %shift_right_logical3A_1920 : vector<16xi32> to vector<1x16xi32>
    tpu.vector_store %arg9[%swap3A_1922, %swap3A_1923], %swap3A_1926 {strides = array<i32>} : memref<4x128xi32, #tpu.memory_space<vmem>>, vector<1x16xi32>,
    %and3A_1927 = arith.constant 1 : i32
    %and3A_1928 = vector.broadcast %and3A_1927 : i32 to vector<16xi32>
    %and3A_1929 = arith.andi %select_n3A_1917, %and3A_1928 : vector<16xi32>
    %swap3A_1930 = arith.constant 416 : index
    %swap3A_1931 = tpu.vector_load %arg10[%swap3A_1930] {strides = array<i32>} : memref<512xi32, #tpu.memory_space<vmem>>, vector<16xi32>,
    %swap3A_1932 = vector.shape_cast %swap3A_1931 : vector<16xi32> to vector<16xi32>
    %swap3A_1933 = vector.shape_cast %and3A_1929 : vector<16xi32> to vector<16xi32>
    tpu.vector_store %arg10[%swap3A_1930], %swap3A_1933 {strides = array<i32>} : memref<512xi32, #tpu.memory_space<vmem>>, vector<16xi32>,
    %get3A_1934 = arith.constant 432 : index
    %get3A_1935 = tpu.vector_load %arg7[%get3A_1934] {strides = array<i32>} : memref<512xi32, #tpu.memory_space<vmem>>, vector<16xi32>,
    %get3A_1936 = vector.shape_cast %get3A_1935 : vector<16xi32> to vector<16xi32>
    %get3A_1937 = arith.constant 432 : index
    %get3A_1938 = tpu.vector_load %arg8[%get3A_1937] {strides = array<i32>} : memref<512xi32, #tpu.memory_space<vmem>>, vector<16xi32>,
    %get3A_1939 = vector.shape_cast %get3A_1938 : vector<16xi32> to vector<16xi32>
    %mul3A_1940 = arith.constant 36313 : i32
    %mul3A_1941 = vector.broadcast %mul3A_1940 : i32 to vector<16xi32>
    %mul3A_1942 = arith.muli %get3A_1939, %mul3A_1941 : vector<16xi32>
    %mul3A_1943 = arith.constant 27191 : i32
    %mul3A_1944 = vector.broadcast %mul3A_1943 : i32 to vector<16xi32>
    %mul3A_1945 = arith.muli %get3A_1936, %mul3A_1944 : vector<16xi32>
    %xor3A_1946 = arith.xori %mul3A_1942, %mul3A_1945 : vector<16xi32>
    %convert_element_type3A_1947 = arith.sitofp %xor3A_1946 : vector<16xi32> to vector<16xf32>
    %mul3A_1948 = arith.constant 1.00000102E-6 : f32
    %mul3A_1949 = vector.broadcast %mul3A_1948 : f32 to vector<16xf32>
    %mul3A_1950 = arith.mulf %convert_element_type3A_1947, %mul3A_1949 : vector<16xf32>
    %convert_element_type3A_1951 = arith.fptosi %mul3A_1950 : vector<16xf32> to vector<16xi32>
    %mul3A_1952 = arith.constant 999999 : i32
    %mul3A_1953 = vector.broadcast %mul3A_1952 : i32 to vector<16xi32>
    %mul3A_1954 = arith.muli %convert_element_type3A_1951, %mul3A_1953 : vector<16xi32>
    %sub3A_1955 = arith.subi %xor3A_1946, %mul3A_1954 : vector<16xi32>
    %lt3A_1956 = arith.constant 0 : i32
    %lt3A_1957 = vector.broadcast %lt3A_1956 : i32 to vector<16xi32>
    %lt3A_1958 = arith.cmpi slt, %sub3A_1955, %lt3A_1957 : vector<16xi32>
    %add3A_1959 = arith.constant 999999 : i32
    %add3A_1960 = vector.broadcast %add3A_1959 : i32 to vector<16xi32>
    %add3A_1961 = arith.addi %sub3A_1955, %add3A_1960 : vector<16xi32>
    %select_n3A_1962 = arith.select %lt3A_1958, %add3A_1961, %sub3A_1955 : vector<16xi1>, vector<16xi32>
    %lt3A_1963 = arith.constant 0 : i32
    %lt3A_1964 = vector.broadcast %lt3A_1963 : i32 to vector<16xi32>
    %lt3A_1965 = arith.cmpi slt, %select_n3A_1962, %lt3A_1964 : vector<16xi32>
    %add3A_1966 = arith.constant 999999 : i32
    %add3A_1967 = vector.broadcast %add3A_1966 : i32 to vector<16xi32>
    %add3A_1968 = arith.addi %select_n3A_1962, %add3A_1967 : vector<16xi32>
    %select_n3A_1969 = arith.select %lt3A_1965, %add3A_1968, %select_n3A_1962 : vector<16xi1>, vector<16xi32>
    %ge3A_1970 = arith.constant 999999 : i32
    %ge3A_1971 = vector.broadcast %ge3A_1970 : i32 to vector<16xi32>
    %ge3A_1972 = arith.cmpi sge, %select_n3A_1969, %ge3A_1971 : vector<16xi32>
    %sub3A_1973 = arith.constant 999999 : i32
    %sub3A_1974 = vector.broadcast %sub3A_1973 : i32 to vector<16xi32>
    %sub3A_1975 = arith.subi %select_n3A_1969, %sub3A_1974 : vector<16xi32>
    %select_n3A_1976 = arith.select %ge3A_1972, %sub3A_1975, %select_n3A_1969 : vector<16xi1>, vector<16xi32>
    %add3A_1977 = arith.constant 432 : i32
    %add3A_1978 = arith.addi %mul3A_2, %add3A_1977 : i32
    %add3A_1979 = vector.broadcast %add3A_1978 : i32 to vector<16xi32>
    %add3A_1980 = arith.addi %add3A_1979, %iota3A : vector<16xi32>
    %and3A_1981 = arith.constant 4095 : i32
    %and3A_1982 = vector.broadcast %and3A_1981 : i32 to vector<16xi32>
    %and3A_1983 = arith.andi %add3A_1980, %and3A_1982 : vector<16xi32>
    %eq3A_1984 = arith.constant 0 : i32
    %eq3A_1985 = vector.broadcast %eq3A_1984 : i32 to vector<16xi32>
    %eq3A_1986 = arith.cmpi eq, %and3A_1983, %eq3A_1985 : vector<16xi32>
    %jit3A_1987 = arith.constant 999999 : i32
    %broadcast_in_dim3A_1988 = vector.broadcast %jit3A_1987 : i32 to vector<16xi32>
    %select_n3A_1989 = arith.select %eq3A_1986, %broadcast_in_dim3A_1988, %select_n3A_1976 : vector<16xi1>, vector<16xi32>
    %shift_right_logical3A_1990 = arith.constant 1 : i32
    %shift_right_logical3A_1991 = vector.broadcast %shift_right_logical3A_1990 : i32 to vector<16xi32>
    %shift_right_logical3A_1992 = arith.shrui %select_n3A_1989, %shift_right_logical3A_1991 : vector<16xi32>
    %swap3A_1993 = arith.constant 3 : i32
    %swap3A_1994 = arith.index_cast %swap3A_1993 : i32 to index
    %swap3A_1995 = arith.constant 48 : index
    %swap3A_1996 = tpu.vector_load %arg9[%swap3A_1994, %swap3A_1995] {strides = array<i32>} : memref<4x128xi32, #tpu.memory_space<vmem>>, vector<1x16xi32>,
    %swap3A_1997 = vector.shape_cast %swap3A_1996 : vector<1x16xi32> to vector<16xi32>
    %swap3A_1998 = vector.shape_cast %shift_right_logical3A_1992 : vector<16xi32> to vector<1x16xi32>
    tpu.vector_store %arg9[%swap3A_1994, %swap3A_1995], %swap3A_1998 {strides = array<i32>} : memref<4x128xi32, #tpu.memory_space<vmem>>, vector<1x16xi32>,
    %and3A_1999 = arith.constant 1 : i32
    %and3A_2000 = vector.broadcast %and3A_1999 : i32 to vector<16xi32>
    %and3A_2001 = arith.andi %select_n3A_1989, %and3A_2000 : vector<16xi32>
    %swap3A_2002 = arith.constant 432 : index
    %swap3A_2003 = tpu.vector_load %arg10[%swap3A_2002] {strides = array<i32>} : memref<512xi32, #tpu.memory_space<vmem>>, vector<16xi32>,
    %swap3A_2004 = vector.shape_cast %swap3A_2003 : vector<16xi32> to vector<16xi32>
    %swap3A_2005 = vector.shape_cast %and3A_2001 : vector<16xi32> to vector<16xi32>
    tpu.vector_store %arg10[%swap3A_2002], %swap3A_2005 {strides = array<i32>} : memref<512xi32, #tpu.memory_space<vmem>>, vector<16xi32>,
    %get3A_2006 = arith.constant 448 : index
    %get3A_2007 = tpu.vector_load %arg7[%get3A_2006] {strides = array<i32>} : memref<512xi32, #tpu.memory_space<vmem>>, vector<16xi32>,
    %get3A_2008 = vector.shape_cast %get3A_2007 : vector<16xi32> to vector<16xi32>
    %get3A_2009 = arith.constant 448 : index
    %get3A_2010 = tpu.vector_load %arg8[%get3A_2009] {strides = array<i32>} : memref<512xi32, #tpu.memory_space<vmem>>, vector<16xi32>,
    %get3A_2011 = vector.shape_cast %get3A_2010 : vector<16xi32> to vector<16xi32>
    %mul3A_2012 = arith.constant 36313 : i32
    %mul3A_2013 = vector.broadcast %mul3A_2012 : i32 to vector<16xi32>
    %mul3A_2014 = arith.muli %get3A_2011, %mul3A_2013 : vector<16xi32>
    %mul3A_2015 = arith.constant 27191 : i32
    %mul3A_2016 = vector.broadcast %mul3A_2015 : i32 to vector<16xi32>
    %mul3A_2017 = arith.muli %get3A_2008, %mul3A_2016 : vector<16xi32>
    %xor3A_2018 = arith.xori %mul3A_2014, %mul3A_2017 : vector<16xi32>
    %convert_element_type3A_2019 = arith.sitofp %xor3A_2018 : vector<16xi32> to vector<16xf32>
    %mul3A_2020 = arith.constant 1.00000102E-6 : f32
    %mul3A_2021 = vector.broadcast %mul3A_2020 : f32 to vector<16xf32>
    %mul3A_2022 = arith.mulf %convert_element_type3A_2019, %mul3A_2021 : vector<16xf32>
    %convert_element_type3A_2023 = arith.fptosi %mul3A_2022 : vector<16xf32> to vector<16xi32>
    %mul3A_2024 = arith.constant 999999 : i32
    %mul3A_2025 = vector.broadcast %mul3A_2024 : i32 to vector<16xi32>
    %mul3A_2026 = arith.muli %convert_element_type3A_2023, %mul3A_2025 : vector<16xi32>
    %sub3A_2027 = arith.subi %xor3A_2018, %mul3A_2026 : vector<16xi32>
    %lt3A_2028 = arith.constant 0 : i32
    %lt3A_2029 = vector.broadcast %lt3A_2028 : i32 to vector<16xi32>
    %lt3A_2030 = arith.cmpi slt, %sub3A_2027, %lt3A_2029 : vector<16xi32>
    %add3A_2031 = arith.constant 999999 : i32
    %add3A_2032 = vector.broadcast %add3A_2031 : i32 to vector<16xi32>
    %add3A_2033 = arith.addi %sub3A_2027, %add3A_2032 : vector<16xi32>
    %select_n3A_2034 = arith.select %lt3A_2030, %add3A_2033, %sub3A_2027 : vector<16xi1>, vector<16xi32>
    %lt3A_2035 = arith.constant 0 : i32
    %lt3A_2036 = vector.broadcast %lt3A_2035 : i32 to vector<16xi32>
    %lt3A_2037 = arith.cmpi slt, %select_n3A_2034, %lt3A_2036 : vector<16xi32>
    %add3A_2038 = arith.constant 999999 : i32
    %add3A_2039 = vector.broadcast %add3A_2038 : i32 to vector<16xi32>
    %add3A_2040 = arith.addi %select_n3A_2034, %add3A_2039 : vector<16xi32>
    %select_n3A_2041 = arith.select %lt3A_2037, %add3A_2040, %select_n3A_2034 : vector<16xi1>, vector<16xi32>
    %ge3A_2042 = arith.constant 999999 : i32
    %ge3A_2043 = vector.broadcast %ge3A_2042 : i32 to vector<16xi32>
    %ge3A_2044 = arith.cmpi sge, %select_n3A_2041, %ge3A_2043 : vector<16xi32>
    %sub3A_2045 = arith.constant 999999 : i32
    %sub3A_2046 = vector.broadcast %sub3A_2045 : i32 to vector<16xi32>
    %sub3A_2047 = arith.subi %select_n3A_2041, %sub3A_2046 : vector<16xi32>
    %select_n3A_2048 = arith.select %ge3A_2044, %sub3A_2047, %select_n3A_2041 : vector<16xi1>, vector<16xi32>
    %add3A_2049 = arith.constant 448 : i32
    %add3A_2050 = arith.addi %mul3A_2, %add3A_2049 : i32
    %add3A_2051 = vector.broadcast %add3A_2050 : i32 to vector<16xi32>
    %add3A_2052 = arith.addi %add3A_2051, %iota3A : vector<16xi32>
    %and3A_2053 = arith.constant 4095 : i32
    %and3A_2054 = vector.broadcast %and3A_2053 : i32 to vector<16xi32>
    %and3A_2055 = arith.andi %add3A_2052, %and3A_2054 : vector<16xi32>
    %eq3A_2056 = arith.constant 0 : i32
    %eq3A_2057 = vector.broadcast %eq3A_2056 : i32 to vector<16xi32>
    %eq3A_2058 = arith.cmpi eq, %and3A_2055, %eq3A_2057 : vector<16xi32>
    %jit3A_2059 = arith.constant 999999 : i32
    %broadcast_in_dim3A_2060 = vector.broadcast %jit3A_2059 : i32 to vector<16xi32>
    %select_n3A_2061 = arith.select %eq3A_2058, %broadcast_in_dim3A_2060, %select_n3A_2048 : vector<16xi1>, vector<16xi32>
    %shift_right_logical3A_2062 = arith.constant 1 : i32
    %shift_right_logical3A_2063 = vector.broadcast %shift_right_logical3A_2062 : i32 to vector<16xi32>
    %shift_right_logical3A_2064 = arith.shrui %select_n3A_2061, %shift_right_logical3A_2063 : vector<16xi32>
    %swap3A_2065 = arith.constant 3 : i32
    %swap3A_2066 = arith.index_cast %swap3A_2065 : i32 to index
    %swap3A_2067 = arith.constant 64 : index
    %swap3A_2068 = tpu.vector_load %arg9[%swap3A_2066, %swap3A_2067] {strides = array<i32>} : memref<4x128xi32, #tpu.memory_space<vmem>>, vector<1x16xi32>,
    %swap3A_2069 = vector.shape_cast %swap3A_2068 : vector<1x16xi32> to vector<16xi32>
    %swap3A_2070 = vector.shape_cast %shift_right_logical3A_2064 : vector<16xi32> to vector<1x16xi32>
    tpu.vector_store %arg9[%swap3A_2066, %swap3A_2067], %swap3A_2070 {strides = array<i32>} : memref<4x128xi32, #tpu.memory_space<vmem>>, vector<1x16xi32>,
    %and3A_2071 = arith.constant 1 : i32
    %and3A_2072 = vector.broadcast %and3A_2071 : i32 to vector<16xi32>
    %and3A_2073 = arith.andi %select_n3A_2061, %and3A_2072 : vector<16xi32>
    %swap3A_2074 = arith.constant 448 : index
    %swap3A_2075 = tpu.vector_load %arg10[%swap3A_2074] {strides = array<i32>} : memref<512xi32, #tpu.memory_space<vmem>>, vector<16xi32>,
    %swap3A_2076 = vector.shape_cast %swap3A_2075 : vector<16xi32> to vector<16xi32>
    %swap3A_2077 = vector.shape_cast %and3A_2073 : vector<16xi32> to vector<16xi32>
    tpu.vector_store %arg10[%swap3A_2074], %swap3A_2077 {strides = array<i32>} : memref<512xi32, #tpu.memory_space<vmem>>, vector<16xi32>,
    %get3A_2078 = arith.constant 464 : index
    %get3A_2079 = tpu.vector_load %arg7[%get3A_2078] {strides = array<i32>} : memref<512xi32, #tpu.memory_space<vmem>>, vector<16xi32>,
    %get3A_2080 = vector.shape_cast %get3A_2079 : vector<16xi32> to vector<16xi32>
    %get3A_2081 = arith.constant 464 : index
    %get3A_2082 = tpu.vector_load %arg8[%get3A_2081] {strides = array<i32>} : memref<512xi32, #tpu.memory_space<vmem>>, vector<16xi32>,
    %get3A_2083 = vector.shape_cast %get3A_2082 : vector<16xi32> to vector<16xi32>
    %mul3A_2084 = arith.constant 36313 : i32
    %mul3A_2085 = vector.broadcast %mul3A_2084 : i32 to vector<16xi32>
    %mul3A_2086 = arith.muli %get3A_2083, %mul3A_2085 : vector<16xi32>
    %mul3A_2087 = arith.constant 27191 : i32
    %mul3A_2088 = vector.broadcast %mul3A_2087 : i32 to vector<16xi32>
    %mul3A_2089 = arith.muli %get3A_2080, %mul3A_2088 : vector<16xi32>
    %xor3A_2090 = arith.xori %mul3A_2086, %mul3A_2089 : vector<16xi32>
    %convert_element_type3A_2091 = arith.sitofp %xor3A_2090 : vector<16xi32> to vector<16xf32>
    %mul3A_2092 = arith.constant 1.00000102E-6 : f32
    %mul3A_2093 = vector.broadcast %mul3A_2092 : f32 to vector<16xf32>
    %mul3A_2094 = arith.mulf %convert_element_type3A_2091, %mul3A_2093 : vector<16xf32>
    %convert_element_type3A_2095 = arith.fptosi %mul3A_2094 : vector<16xf32> to vector<16xi32>
    %mul3A_2096 = arith.constant 999999 : i32
    %mul3A_2097 = vector.broadcast %mul3A_2096 : i32 to vector<16xi32>
    %mul3A_2098 = arith.muli %convert_element_type3A_2095, %mul3A_2097 : vector<16xi32>
    %sub3A_2099 = arith.subi %xor3A_2090, %mul3A_2098 : vector<16xi32>
    %lt3A_2100 = arith.constant 0 : i32
    %lt3A_2101 = vector.broadcast %lt3A_2100 : i32 to vector<16xi32>
    %lt3A_2102 = arith.cmpi slt, %sub3A_2099, %lt3A_2101 : vector<16xi32>
    %add3A_2103 = arith.constant 999999 : i32
    %add3A_2104 = vector.broadcast %add3A_2103 : i32 to vector<16xi32>
    %add3A_2105 = arith.addi %sub3A_2099, %add3A_2104 : vector<16xi32>
    %select_n3A_2106 = arith.select %lt3A_2102, %add3A_2105, %sub3A_2099 : vector<16xi1>, vector<16xi32>
    %lt3A_2107 = arith.constant 0 : i32
    %lt3A_2108 = vector.broadcast %lt3A_2107 : i32 to vector<16xi32>
    %lt3A_2109 = arith.cmpi slt, %select_n3A_2106, %lt3A_2108 : vector<16xi32>
    %add3A_2110 = arith.constant 999999 : i32
    %add3A_2111 = vector.broadcast %add3A_2110 : i32 to vector<16xi32>
    %add3A_2112 = arith.addi %select_n3A_2106, %add3A_2111 : vector<16xi32>
    %select_n3A_2113 = arith.select %lt3A_2109, %add3A_2112, %select_n3A_2106 : vector<16xi1>, vector<16xi32>
    %ge3A_2114 = arith.constant 999999 : i32
    %ge3A_2115 = vector.broadcast %ge3A_2114 : i32 to vector<16xi32>
    %ge3A_2116 = arith.cmpi sge, %select_n3A_2113, %ge3A_2115 : vector<16xi32>
    %sub3A_2117 = arith.constant 999999 : i32
    %sub3A_2118 = vector.broadcast %sub3A_2117 : i32 to vector<16xi32>
    %sub3A_2119 = arith.subi %select_n3A_2113, %sub3A_2118 : vector<16xi32>
    %select_n3A_2120 = arith.select %ge3A_2116, %sub3A_2119, %select_n3A_2113 : vector<16xi1>, vector<16xi32>
    %add3A_2121 = arith.constant 464 : i32
    %add3A_2122 = arith.addi %mul3A_2, %add3A_2121 : i32
    %add3A_2123 = vector.broadcast %add3A_2122 : i32 to vector<16xi32>
    %add3A_2124 = arith.addi %add3A_2123, %iota3A : vector<16xi32>
    %and3A_2125 = arith.constant 4095 : i32
    %and3A_2126 = vector.broadcast %and3A_2125 : i32 to vector<16xi32>
    %and3A_2127 = arith.andi %add3A_2124, %and3A_2126 : vector<16xi32>
    %eq3A_2128 = arith.constant 0 : i32
    %eq3A_2129 = vector.broadcast %eq3A_2128 : i32 to vector<16xi32>
    %eq3A_2130 = arith.cmpi eq, %and3A_2127, %eq3A_2129 : vector<16xi32>
    %jit3A_2131 = arith.constant 999999 : i32
    %broadcast_in_dim3A_2132 = vector.broadcast %jit3A_2131 : i32 to vector<16xi32>
    %select_n3A_2133 = arith.select %eq3A_2130, %broadcast_in_dim3A_2132, %select_n3A_2120 : vector<16xi1>, vector<16xi32>
    %shift_right_logical3A_2134 = arith.constant 1 : i32
    %shift_right_logical3A_2135 = vector.broadcast %shift_right_logical3A_2134 : i32 to vector<16xi32>
    %shift_right_logical3A_2136 = arith.shrui %select_n3A_2133, %shift_right_logical3A_2135 : vector<16xi32>
    %swap3A_2137 = arith.constant 3 : i32
    %swap3A_2138 = arith.index_cast %swap3A_2137 : i32 to index
    %swap3A_2139 = arith.constant 80 : index
    %swap3A_2140 = tpu.vector_load %arg9[%swap3A_2138, %swap3A_2139] {strides = array<i32>} : memref<4x128xi32, #tpu.memory_space<vmem>>, vector<1x16xi32>,
    %swap3A_2141 = vector.shape_cast %swap3A_2140 : vector<1x16xi32> to vector<16xi32>
    %swap3A_2142 = vector.shape_cast %shift_right_logical3A_2136 : vector<16xi32> to vector<1x16xi32>
    tpu.vector_store %arg9[%swap3A_2138, %swap3A_2139], %swap3A_2142 {strides = array<i32>} : memref<4x128xi32, #tpu.memory_space<vmem>>, vector<1x16xi32>,
    %and3A_2143 = arith.constant 1 : i32
    %and3A_2144 = vector.broadcast %and3A_2143 : i32 to vector<16xi32>
    %and3A_2145 = arith.andi %select_n3A_2133, %and3A_2144 : vector<16xi32>
    %swap3A_2146 = arith.constant 464 : index
    %swap3A_2147 = tpu.vector_load %arg10[%swap3A_2146] {strides = array<i32>} : memref<512xi32, #tpu.memory_space<vmem>>, vector<16xi32>,
    %swap3A_2148 = vector.shape_cast %swap3A_2147 : vector<16xi32> to vector<16xi32>
    %swap3A_2149 = vector.shape_cast %and3A_2145 : vector<16xi32> to vector<16xi32>
    tpu.vector_store %arg10[%swap3A_2146], %swap3A_2149 {strides = array<i32>} : memref<512xi32, #tpu.memory_space<vmem>>, vector<16xi32>,
    %get3A_2150 = arith.constant 480 : index
    %get3A_2151 = tpu.vector_load %arg7[%get3A_2150] {strides = array<i32>} : memref<512xi32, #tpu.memory_space<vmem>>, vector<16xi32>,
    %get3A_2152 = vector.shape_cast %get3A_2151 : vector<16xi32> to vector<16xi32>
    %get3A_2153 = arith.constant 480 : index
    %get3A_2154 = tpu.vector_load %arg8[%get3A_2153] {strides = array<i32>} : memref<512xi32, #tpu.memory_space<vmem>>, vector<16xi32>,
    %get3A_2155 = vector.shape_cast %get3A_2154 : vector<16xi32> to vector<16xi32>
    %mul3A_2156 = arith.constant 36313 : i32
    %mul3A_2157 = vector.broadcast %mul3A_2156 : i32 to vector<16xi32>
    %mul3A_2158 = arith.muli %get3A_2155, %mul3A_2157 : vector<16xi32>
    %mul3A_2159 = arith.constant 27191 : i32
    %mul3A_2160 = vector.broadcast %mul3A_2159 : i32 to vector<16xi32>
    %mul3A_2161 = arith.muli %get3A_2152, %mul3A_2160 : vector<16xi32>
    %xor3A_2162 = arith.xori %mul3A_2158, %mul3A_2161 : vector<16xi32>
    %convert_element_type3A_2163 = arith.sitofp %xor3A_2162 : vector<16xi32> to vector<16xf32>
    %mul3A_2164 = arith.constant 1.00000102E-6 : f32
    %mul3A_2165 = vector.broadcast %mul3A_2164 : f32 to vector<16xf32>
    %mul3A_2166 = arith.mulf %convert_element_type3A_2163, %mul3A_2165 : vector<16xf32>
    %convert_element_type3A_2167 = arith.fptosi %mul3A_2166 : vector<16xf32> to vector<16xi32>
    %mul3A_2168 = arith.constant 999999 : i32
    %mul3A_2169 = vector.broadcast %mul3A_2168 : i32 to vector<16xi32>
    %mul3A_2170 = arith.muli %convert_element_type3A_2167, %mul3A_2169 : vector<16xi32>
    %sub3A_2171 = arith.subi %xor3A_2162, %mul3A_2170 : vector<16xi32>
    %lt3A_2172 = arith.constant 0 : i32
    %lt3A_2173 = vector.broadcast %lt3A_2172 : i32 to vector<16xi32>
    %lt3A_2174 = arith.cmpi slt, %sub3A_2171, %lt3A_2173 : vector<16xi32>
    %add3A_2175 = arith.constant 999999 : i32
    %add3A_2176 = vector.broadcast %add3A_2175 : i32 to vector<16xi32>
    %add3A_2177 = arith.addi %sub3A_2171, %add3A_2176 : vector<16xi32>
    %select_n3A_2178 = arith.select %lt3A_2174, %add3A_2177, %sub3A_2171 : vector<16xi1>, vector<16xi32>
    %lt3A_2179 = arith.constant 0 : i32
    %lt3A_2180 = vector.broadcast %lt3A_2179 : i32 to vector<16xi32>
    %lt3A_2181 = arith.cmpi slt, %select_n3A_2178, %lt3A_2180 : vector<16xi32>
    %add3A_2182 = arith.constant 999999 : i32
    %add3A_2183 = vector.broadcast %add3A_2182 : i32 to vector<16xi32>
    %add3A_2184 = arith.addi %select_n3A_2178, %add3A_2183 : vector<16xi32>
    %select_n3A_2185 = arith.select %lt3A_2181, %add3A_2184, %select_n3A_2178 : vector<16xi1>, vector<16xi32>
    %ge3A_2186 = arith.constant 999999 : i32
    %ge3A_2187 = vector.broadcast %ge3A_2186 : i32 to vector<16xi32>
    %ge3A_2188 = arith.cmpi sge, %select_n3A_2185, %ge3A_2187 : vector<16xi32>
    %sub3A_2189 = arith.constant 999999 : i32
    %sub3A_2190 = vector.broadcast %sub3A_2189 : i32 to vector<16xi32>
    %sub3A_2191 = arith.subi %select_n3A_2185, %sub3A_2190 : vector<16xi32>
    %select_n3A_2192 = arith.select %ge3A_2188, %sub3A_2191, %select_n3A_2185 : vector<16xi1>, vector<16xi32>
    %add3A_2193 = arith.constant 480 : i32
    %add3A_2194 = arith.addi %mul3A_2, %add3A_2193 : i32
    %add3A_2195 = vector.broadcast %add3A_2194 : i32 to vector<16xi32>
    %add3A_2196 = arith.addi %add3A_2195, %iota3A : vector<16xi32>
    %and3A_2197 = arith.constant 4095 : i32
    %and3A_2198 = vector.broadcast %and3A_2197 : i32 to vector<16xi32>
    %and3A_2199 = arith.andi %add3A_2196, %and3A_2198 : vector<16xi32>
    %eq3A_2200 = arith.constant 0 : i32
    %eq3A_2201 = vector.broadcast %eq3A_2200 : i32 to vector<16xi32>
    %eq3A_2202 = arith.cmpi eq, %and3A_2199, %eq3A_2201 : vector<16xi32>
    %jit3A_2203 = arith.constant 999999 : i32
    %broadcast_in_dim3A_2204 = vector.broadcast %jit3A_2203 : i32 to vector<16xi32>
    %select_n3A_2205 = arith.select %eq3A_2202, %broadcast_in_dim3A_2204, %select_n3A_2192 : vector<16xi1>, vector<16xi32>
    %shift_right_logical3A_2206 = arith.constant 1 : i32
    %shift_right_logical3A_2207 = vector.broadcast %shift_right_logical3A_2206 : i32 to vector<16xi32>
    %shift_right_logical3A_2208 = arith.shrui %select_n3A_2205, %shift_right_logical3A_2207 : vector<16xi32>
    %swap3A_2209 = arith.constant 3 : i32
    %swap3A_2210 = arith.index_cast %swap3A_2209 : i32 to index
    %swap3A_2211 = arith.constant 96 : index
    %swap3A_2212 = tpu.vector_load %arg9[%swap3A_2210, %swap3A_2211] {strides = array<i32>} : memref<4x128xi32, #tpu.memory_space<vmem>>, vector<1x16xi32>,
    %swap3A_2213 = vector.shape_cast %swap3A_2212 : vector<1x16xi32> to vector<16xi32>
    %swap3A_2214 = vector.shape_cast %shift_right_logical3A_2208 : vector<16xi32> to vector<1x16xi32>
    tpu.vector_store %arg9[%swap3A_2210, %swap3A_2211], %swap3A_2214 {strides = array<i32>} : memref<4x128xi32, #tpu.memory_space<vmem>>, vector<1x16xi32>,
    %and3A_2215 = arith.constant 1 : i32
    %and3A_2216 = vector.broadcast %and3A_2215 : i32 to vector<16xi32>
    %and3A_2217 = arith.andi %select_n3A_2205, %and3A_2216 : vector<16xi32>
    %swap3A_2218 = arith.constant 480 : index
    %swap3A_2219 = tpu.vector_load %arg10[%swap3A_2218] {strides = array<i32>} : memref<512xi32, #tpu.memory_space<vmem>>, vector<16xi32>,
    %swap3A_2220 = vector.shape_cast %swap3A_2219 : vector<16xi32> to vector<16xi32>
    %swap3A_2221 = vector.shape_cast %and3A_2217 : vector<16xi32> to vector<16xi32>
    tpu.vector_store %arg10[%swap3A_2218], %swap3A_2221 {strides = array<i32>} : memref<512xi32, #tpu.memory_space<vmem>>, vector<16xi32>,
    %get3A_2222 = arith.constant 496 : index
    %get3A_2223 = tpu.vector_load %arg7[%get3A_2222] {strides = array<i32>} : memref<512xi32, #tpu.memory_space<vmem>>, vector<16xi32>,
    %get3A_2224 = vector.shape_cast %get3A_2223 : vector<16xi32> to vector<16xi32>
    %get3A_2225 = arith.constant 496 : index
    %get3A_2226 = tpu.vector_load %arg8[%get3A_2225] {strides = array<i32>} : memref<512xi32, #tpu.memory_space<vmem>>, vector<16xi32>,
    %get3A_2227 = vector.shape_cast %get3A_2226 : vector<16xi32> to vector<16xi32>
    %mul3A_2228 = arith.constant 36313 : i32
    %mul3A_2229 = vector.broadcast %mul3A_2228 : i32 to vector<16xi32>
    %mul3A_2230 = arith.muli %get3A_2227, %mul3A_2229 : vector<16xi32>
    %mul3A_2231 = arith.constant 27191 : i32
    %mul3A_2232 = vector.broadcast %mul3A_2231 : i32 to vector<16xi32>
    %mul3A_2233 = arith.muli %get3A_2224, %mul3A_2232 : vector<16xi32>
    %xor3A_2234 = arith.xori %mul3A_2230, %mul3A_2233 : vector<16xi32>
    %convert_element_type3A_2235 = arith.sitofp %xor3A_2234 : vector<16xi32> to vector<16xf32>
    %mul3A_2236 = arith.constant 1.00000102E-6 : f32
    %mul3A_2237 = vector.broadcast %mul3A_2236 : f32 to vector<16xf32>
    %mul3A_2238 = arith.mulf %convert_element_type3A_2235, %mul3A_2237 : vector<16xf32>
    %convert_element_type3A_2239 = arith.fptosi %mul3A_2238 : vector<16xf32> to vector<16xi32>
    %mul3A_2240 = arith.constant 999999 : i32
    %mul3A_2241 = vector.broadcast %mul3A_2240 : i32 to vector<16xi32>
    %mul3A_2242 = arith.muli %convert_element_type3A_2239, %mul3A_2241 : vector<16xi32>
    %sub3A_2243 = arith.subi %xor3A_2234, %mul3A_2242 : vector<16xi32>
    %lt3A_2244 = arith.constant 0 : i32
    %lt3A_2245 = vector.broadcast %lt3A_2244 : i32 to vector<16xi32>
    %lt3A_2246 = arith.cmpi slt, %sub3A_2243, %lt3A_2245 : vector<16xi32>
    %add3A_2247 = arith.constant 999999 : i32
    %add3A_2248 = vector.broadcast %add3A_2247 : i32 to vector<16xi32>
    %add3A_2249 = arith.addi %sub3A_2243, %add3A_2248 : vector<16xi32>
    %select_n3A_2250 = arith.select %lt3A_2246, %add3A_2249, %sub3A_2243 : vector<16xi1>, vector<16xi32>
    %lt3A_2251 = arith.constant 0 : i32
    %lt3A_2252 = vector.broadcast %lt3A_2251 : i32 to vector<16xi32>
    %lt3A_2253 = arith.cmpi slt, %select_n3A_2250, %lt3A_2252 : vector<16xi32>
    %add3A_2254 = arith.constant 999999 : i32
    %add3A_2255 = vector.broadcast %add3A_2254 : i32 to vector<16xi32>
    %add3A_2256 = arith.addi %select_n3A_2250, %add3A_2255 : vector<16xi32>
    %select_n3A_2257 = arith.select %lt3A_2253, %add3A_2256, %select_n3A_2250 : vector<16xi1>, vector<16xi32>
    %ge3A_2258 = arith.constant 999999 : i32
    %ge3A_2259 = vector.broadcast %ge3A_2258 : i32 to vector<16xi32>
    %ge3A_2260 = arith.cmpi sge, %select_n3A_2257, %ge3A_2259 : vector<16xi32>
    %sub3A_2261 = arith.constant 999999 : i32
    %sub3A_2262 = vector.broadcast %sub3A_2261 : i32 to vector<16xi32>
    %sub3A_2263 = arith.subi %select_n3A_2257, %sub3A_2262 : vector<16xi32>
    %select_n3A_2264 = arith.select %ge3A_2260, %sub3A_2263, %select_n3A_2257 : vector<16xi1>, vector<16xi32>
    %add3A_2265 = arith.constant 496 : i32
    %add3A_2266 = arith.addi %mul3A_2, %add3A_2265 : i32
    %add3A_2267 = vector.broadcast %add3A_2266 : i32 to vector<16xi32>
    %add3A_2268 = arith.addi %add3A_2267, %iota3A : vector<16xi32>
    %and3A_2269 = arith.constant 4095 : i32
    %and3A_2270 = vector.broadcast %and3A_2269 : i32 to vector<16xi32>
    %and3A_2271 = arith.andi %add3A_2268, %and3A_2270 : vector<16xi32>
    %eq3A_2272 = arith.constant 0 : i32
    %eq3A_2273 = vector.broadcast %eq3A_2272 : i32 to vector<16xi32>
    %eq3A_2274 = arith.cmpi eq, %and3A_2271, %eq3A_2273 : vector<16xi32>
    %jit3A_2275 = arith.constant 999999 : i32
    %broadcast_in_dim3A_2276 = vector.broadcast %jit3A_2275 : i32 to vector<16xi32>
    %select_n3A_2277 = arith.select %eq3A_2274, %broadcast_in_dim3A_2276, %select_n3A_2264 : vector<16xi1>, vector<16xi32>
    %shift_right_logical3A_2278 = arith.constant 1 : i32
    %shift_right_logical3A_2279 = vector.broadcast %shift_right_logical3A_2278 : i32 to vector<16xi32>
    %shift_right_logical3A_2280 = arith.shrui %select_n3A_2277, %shift_right_logical3A_2279 : vector<16xi32>
    %swap3A_2281 = arith.constant 3 : i32
    %swap3A_2282 = arith.index_cast %swap3A_2281 : i32 to index
    %swap3A_2283 = arith.constant 112 : index
    %swap3A_2284 = tpu.vector_load %arg9[%swap3A_2282, %swap3A_2283] {strides = array<i32>} : memref<4x128xi32, #tpu.memory_space<vmem>>, vector<1x16xi32>,
    %swap3A_2285 = vector.shape_cast %swap3A_2284 : vector<1x16xi32> to vector<16xi32>
    %swap3A_2286 = vector.shape_cast %shift_right_logical3A_2280 : vector<16xi32> to vector<1x16xi32>
    tpu.vector_store %arg9[%swap3A_2282, %swap3A_2283], %swap3A_2286 {strides = array<i32>} : memref<4x128xi32, #tpu.memory_space<vmem>>, vector<1x16xi32>,
    %and3A_2287 = arith.constant 1 : i32
    %and3A_2288 = vector.broadcast %and3A_2287 : i32 to vector<16xi32>
    %and3A_2289 = arith.andi %select_n3A_2277, %and3A_2288 : vector<16xi32>
    %swap3A_2290 = arith.constant 496 : index
    %swap3A_2291 = tpu.vector_load %arg10[%swap3A_2290] {strides = array<i32>} : memref<512xi32, #tpu.memory_space<vmem>>, vector<16xi32>,
    %swap3A_2292 = vector.shape_cast %swap3A_2291 : vector<16xi32> to vector<16xi32>
    %swap3A_2293 = vector.shape_cast %and3A_2289 : vector<16xi32> to vector<16xi32>
    tpu.vector_store %arg10[%swap3A_2290], %swap3A_2293 {strides = array<i32>} : memref<512xi32, #tpu.memory_space<vmem>>, vector<16xi32>,
    %dma_start3A = arith.constant 0 : i32
    %dma_start3A_2294 = arith.constant 0 : i32
    %dma_start3A_2295 = arith.constant 0 : i32
    %dma_start3A_2296 = tpu.memref_slice %arg11[%dma_start3A_2294, %dma_start3A_2295] : memref<512x128xf32, #tpu.memory_space<vmem>> -> memref<128x128xf32, #tpu.memory_space<vmem>>
    %dma_start3A_2297 = arith.constant 0 : i32
    %dma_start3A_2298 = tpu.memref_slice %arg9[%dma_start3A, %dma_start3A_2297] : memref<4x128xi32, #tpu.memory_space<vmem>> -> memref<1x128xi32, #tpu.memory_space<vmem>>
    %dma_start3A_2299 = tpu.memref_squeeze %dma_start3A_2298 : memref<1x128xi32, #tpu.memory_space<vmem>> -> memref<128xi32, #tpu.memory_space<vmem>>
    %dma_start3A_2300 = arith.constant 0 : i32
    %dma_start3A_2301 = arith.constant 0 : i32
    %dma_start3A_2302 = tpu.memref_slice %arg4[%dma_start3A_2300, %dma_start3A_2301] : memref<500000x128xf32, #tpu.memory_space<hbm>> -> memref<500000x128xf32, #tpu.memory_space<hbm>>
    tpu.enqueue_indirect_dma source(%dma_start3A_2302 : memref<500000x128xf32, #tpu.memory_space<hbm>>) target(%dma_start3A_2296 : memref<128x128xf32, #tpu.memory_space<vmem>>) offsets(%dma_start3A_2299 : memref<128xi32, #tpu.memory_space<vmem>>) semaphore(%arg12 : memref<!tpu.dma_semaphore, #tpu.memory_space<semaphore_mem>>)
    %dma_start3A_2303 = arith.constant 1 : i32
    %dma_start3A_2304 = arith.constant 128 : i32
    %dma_start3A_2305 = arith.constant 0 : i32
    %dma_start3A_2306 = tpu.memref_slice %arg11[%dma_start3A_2304, %dma_start3A_2305] : memref<512x128xf32, #tpu.memory_space<vmem>> -> memref<128x128xf32, #tpu.memory_space<vmem>>
    %dma_start3A_2307 = arith.constant 0 : i32
    %dma_start3A_2308 = tpu.memref_slice %arg9[%dma_start3A_2303, %dma_start3A_2307] : memref<4x128xi32, #tpu.memory_space<vmem>> -> memref<1x128xi32, #tpu.memory_space<vmem>>
    %dma_start3A_2309 = tpu.memref_squeeze %dma_start3A_2308 : memref<1x128xi32, #tpu.memory_space<vmem>> -> memref<128xi32, #tpu.memory_space<vmem>>
    %dma_start3A_2310 = arith.constant 0 : i32
    %dma_start3A_2311 = arith.constant 0 : i32
    %dma_start3A_2312 = tpu.memref_slice %arg4[%dma_start3A_2310, %dma_start3A_2311] : memref<500000x128xf32, #tpu.memory_space<hbm>> -> memref<500000x128xf32, #tpu.memory_space<hbm>>
    tpu.enqueue_indirect_dma source(%dma_start3A_2312 : memref<500000x128xf32, #tpu.memory_space<hbm>>) target(%dma_start3A_2306 : memref<128x128xf32, #tpu.memory_space<vmem>>) offsets(%dma_start3A_2309 : memref<128xi32, #tpu.memory_space<vmem>>) semaphore(%arg12 : memref<!tpu.dma_semaphore, #tpu.memory_space<semaphore_mem>>)
    %dma_start3A_2313 = arith.constant 2 : i32
    %dma_start3A_2314 = arith.constant 256 : i32
    %dma_start3A_2315 = arith.constant 0 : i32
    %dma_start3A_2316 = tpu.memref_slice %arg11[%dma_start3A_2314, %dma_start3A_2315] : memref<512x128xf32, #tpu.memory_space<vmem>> -> memref<128x128xf32, #tpu.memory_space<vmem>>
    %dma_start3A_2317 = arith.constant 0 : i32
    %dma_start3A_2318 = tpu.memref_slice %arg9[%dma_start3A_2313, %dma_start3A_2317] : memref<4x128xi32, #tpu.memory_space<vmem>> -> memref<1x128xi32, #tpu.memory_space<vmem>>
    %dma_start3A_2319 = tpu.memref_squeeze %dma_start3A_2318 : memref<1x128xi32, #tpu.memory_space<vmem>> -> memref<128xi32, #tpu.memory_space<vmem>>
    %dma_start3A_2320 = arith.constant 0 : i32
    %dma_start3A_2321 = arith.constant 0 : i32
    %dma_start3A_2322 = tpu.memref_slice %arg4[%dma_start3A_2320, %dma_start3A_2321] : memref<500000x128xf32, #tpu.memory_space<hbm>> -> memref<500000x128xf32, #tpu.memory_space<hbm>>
    tpu.enqueue_indirect_dma source(%dma_start3A_2322 : memref<500000x128xf32, #tpu.memory_space<hbm>>) target(%dma_start3A_2316 : memref<128x128xf32, #tpu.memory_space<vmem>>) offsets(%dma_start3A_2319 : memref<128xi32, #tpu.memory_space<vmem>>) semaphore(%arg12 : memref<!tpu.dma_semaphore, #tpu.memory_space<semaphore_mem>>)
    %dma_start3A_2323 = arith.constant 3 : i32
    %dma_start3A_2324 = arith.constant 384 : i32
    %dma_start3A_2325 = arith.constant 0 : i32
    %dma_start3A_2326 = tpu.memref_slice %arg11[%dma_start3A_2324, %dma_start3A_2325] : memref<512x128xf32, #tpu.memory_space<vmem>> -> memref<128x128xf32, #tpu.memory_space<vmem>>
    %dma_start3A_2327 = arith.constant 0 : i32
    %dma_start3A_2328 = tpu.memref_slice %arg9[%dma_start3A_2323, %dma_start3A_2327] : memref<4x128xi32, #tpu.memory_space<vmem>> -> memref<1x128xi32, #tpu.memory_space<vmem>>
    %dma_start3A_2329 = tpu.memref_squeeze %dma_start3A_2328 : memref<1x128xi32, #tpu.memory_space<vmem>> -> memref<128xi32, #tpu.memory_space<vmem>>
    %dma_start3A_2330 = arith.constant 0 : i32
    %dma_start3A_2331 = arith.constant 0 : i32
    %dma_start3A_2332 = tpu.memref_slice %arg4[%dma_start3A_2330, %dma_start3A_2331] : memref<500000x128xf32, #tpu.memory_space<hbm>> -> memref<500000x128xf32, #tpu.memory_space<hbm>>
    tpu.enqueue_indirect_dma source(%dma_start3A_2332 : memref<500000x128xf32, #tpu.memory_space<hbm>>) target(%dma_start3A_2326 : memref<128x128xf32, #tpu.memory_space<vmem>>) offsets(%dma_start3A_2329 : memref<128xi32, #tpu.memory_space<vmem>>) semaphore(%arg12 : memref<!tpu.dma_semaphore, #tpu.memory_space<semaphore_mem>>)
    %dma_wait3A = arith.constant 0 : i32
    %dma_wait3A_2333 = arith.constant 0 : i32
    %dma_wait3A_2334 = arith.constant 0 : i32
    %dma_wait3A_2335 = tpu.memref_slice %arg11[%dma_wait3A_2333, %dma_wait3A_2334] : memref<512x128xf32, #tpu.memory_space<vmem>> -> memref<128x128xf32, #tpu.memory_space<vmem>>
    %dma_wait3A_2336 = arith.constant 0 : i32
    %dma_wait3A_2337 = tpu.memref_slice %arg9[%dma_wait3A, %dma_wait3A_2336] : memref<4x128xi32, #tpu.memory_space<vmem>> -> memref<1x128xi32, #tpu.memory_space<vmem>>
    %dma_wait3A_2338 = tpu.memref_squeeze %dma_wait3A_2337 : memref<1x128xi32, #tpu.memory_space<vmem>> -> memref<128xi32, #tpu.memory_space<vmem>>
    %dma_wait3A_2339 = arith.constant 0 : i32
    %dma_wait3A_2340 = arith.constant 0 : i32
    %dma_wait3A_2341 = tpu.memref_slice %arg4[%dma_wait3A_2339, %dma_wait3A_2340] : memref<500000x128xf32, #tpu.memory_space<hbm>> -> memref<500000x128xf32, #tpu.memory_space<hbm>>
    tpu.wait_indirect_dma semaphore(%arg12 : memref<!tpu.dma_semaphore, #tpu.memory_space<semaphore_mem>>) src(%dma_wait3A_2341 : memref<500000x128xf32, #tpu.memory_space<hbm>>) dst(%dma_wait3A_2335 : memref<128x128xf32, #tpu.memory_space<vmem>>)
    %dma_wait3A_2342 = arith.constant 1 : i32
    %dma_wait3A_2343 = arith.constant 128 : i32
    %dma_wait3A_2344 = arith.constant 0 : i32
    %dma_wait3A_2345 = tpu.memref_slice %arg11[%dma_wait3A_2343, %dma_wait3A_2344] : memref<512x128xf32, #tpu.memory_space<vmem>> -> memref<128x128xf32, #tpu.memory_space<vmem>>
    %dma_wait3A_2346 = arith.constant 0 : i32
    %dma_wait3A_2347 = tpu.memref_slice %arg9[%dma_wait3A_2342, %dma_wait3A_2346] : memref<4x128xi32, #tpu.memory_space<vmem>> -> memref<1x128xi32, #tpu.memory_space<vmem>>
    %dma_wait3A_2348 = tpu.memref_squeeze %dma_wait3A_2347 : memref<1x128xi32, #tpu.memory_space<vmem>> -> memref<128xi32, #tpu.memory_space<vmem>>
    %dma_wait3A_2349 = arith.constant 0 : i32
    %dma_wait3A_2350 = arith.constant 0 : i32
    %dma_wait3A_2351 = tpu.memref_slice %arg4[%dma_wait3A_2349, %dma_wait3A_2350] : memref<500000x128xf32, #tpu.memory_space<hbm>> -> memref<500000x128xf32, #tpu.memory_space<hbm>>
    tpu.wait_indirect_dma semaphore(%arg12 : memref<!tpu.dma_semaphore, #tpu.memory_space<semaphore_mem>>) src(%dma_wait3A_2351 : memref<500000x128xf32, #tpu.memory_space<hbm>>) dst(%dma_wait3A_2345 : memref<128x128xf32, #tpu.memory_space<vmem>>)
    %dma_wait3A_2352 = arith.constant 2 : i32
    %dma_wait3A_2353 = arith.constant 256 : i32
    %dma_wait3A_2354 = arith.constant 0 : i32
    %dma_wait3A_2355 = tpu.memref_slice %arg11[%dma_wait3A_2353, %dma_wait3A_2354] : memref<512x128xf32, #tpu.memory_space<vmem>> -> memref<128x128xf32, #tpu.memory_space<vmem>>
    %dma_wait3A_2356 = arith.constant 0 : i32
    %dma_wait3A_2357 = tpu.memref_slice %arg9[%dma_wait3A_2352, %dma_wait3A_2356] : memref<4x128xi32, #tpu.memory_space<vmem>> -> memref<1x128xi32, #tpu.memory_space<vmem>>
    %dma_wait3A_2358 = tpu.memref_squeeze %dma_wait3A_2357 : memref<1x128xi32, #tpu.memory_space<vmem>> -> memref<128xi32, #tpu.memory_space<vmem>>
    %dma_wait3A_2359 = arith.constant 0 : i32
    %dma_wait3A_2360 = arith.constant 0 : i32
    %dma_wait3A_2361 = tpu.memref_slice %arg4[%dma_wait3A_2359, %dma_wait3A_2360] : memref<500000x128xf32, #tpu.memory_space<hbm>> -> memref<500000x128xf32, #tpu.memory_space<hbm>>
    tpu.wait_indirect_dma semaphore(%arg12 : memref<!tpu.dma_semaphore, #tpu.memory_space<semaphore_mem>>) src(%dma_wait3A_2361 : memref<500000x128xf32, #tpu.memory_space<hbm>>) dst(%dma_wait3A_2355 : memref<128x128xf32, #tpu.memory_space<vmem>>)
    %dma_wait3A_2362 = arith.constant 3 : i32
    %dma_wait3A_2363 = arith.constant 384 : i32
    %dma_wait3A_2364 = arith.constant 0 : i32
    %dma_wait3A_2365 = tpu.memref_slice %arg11[%dma_wait3A_2363, %dma_wait3A_2364] : memref<512x128xf32, #tpu.memory_space<vmem>> -> memref<128x128xf32, #tpu.memory_space<vmem>>
    %dma_wait3A_2366 = arith.constant 0 : i32
    %dma_wait3A_2367 = tpu.memref_slice %arg9[%dma_wait3A_2362, %dma_wait3A_2366] : memref<4x128xi32, #tpu.memory_space<vmem>> -> memref<1x128xi32, #tpu.memory_space<vmem>>
    %dma_wait3A_2368 = tpu.memref_squeeze %dma_wait3A_2367 : memref<1x128xi32, #tpu.memory_space<vmem>> -> memref<128xi32, #tpu.memory_space<vmem>>
    %dma_wait3A_2369 = arith.constant 0 : i32
    %dma_wait3A_2370 = arith.constant 0 : i32
    %dma_wait3A_2371 = tpu.memref_slice %arg4[%dma_wait3A_2369, %dma_wait3A_2370] : memref<500000x128xf32, #tpu.memory_space<hbm>> -> memref<500000x128xf32, #tpu.memory_space<hbm>>
    tpu.wait_indirect_dma semaphore(%arg12 : memref<!tpu.dma_semaphore, #tpu.memory_space<semaphore_mem>>) src(%dma_wait3A_2371 : memref<500000x128xf32, #tpu.memory_space<hbm>>) dst(%dma_wait3A_2365 : memref<128x128xf32, #tpu.memory_space<vmem>>)
    "tpu.region"() ({
      %run_scoped3A = tpu.sem_alloc : memref<!tpu.dma_semaphore, #tpu.memory_space<semaphore_mem>>
      %dma_start3A_2372 = arith.constant 0 : i32
      %dma_start3A_2373 = tpu.memref_slice %arg5[%mul3A_2, %dma_start3A_2372] : memref<16384x128xf32, #tpu.memory_space<hbm>> -> memref<512x128xf32, #tpu.memory_space<hbm>>
      %dma_start3A_2374 = arith.constant 0 : i32
      %dma_start3A_2375 = tpu.memref_slice %arg5[%mul3A_2, %dma_start3A_2374] : memref<16384x128xf32, #tpu.memory_space<hbm>> -> memref<512x128xf32, #tpu.memory_space<hbm>>
      tpu.enqueue_dma source(%arg11 : memref<512x128xf32, #tpu.memory_space<vmem>>) target(%dma_start3A_2375 : memref<512x128xf32, #tpu.memory_space<hbm>>) target_semaphore(%run_scoped3A : memref<!tpu.dma_semaphore, #tpu.memory_space<semaphore_mem>>)
      %dma_wait3A_2376 = arith.constant 0 : i32
      %dma_wait3A_2377 = tpu.memref_slice %arg5[%mul3A_2, %dma_wait3A_2376] : memref<16384x128xf32, #tpu.memory_space<hbm>> -> memref<512x128xf32, #tpu.memory_space<hbm>>
      %dma_wait3A_2378 = arith.constant 0 : i32
      %dma_wait3A_2379 = tpu.memref_slice %arg5[%mul3A_2, %dma_wait3A_2378] : memref<16384x128xf32, #tpu.memory_space<hbm>> -> memref<512x128xf32, #tpu.memory_space<hbm>>
      tpu.wait_dma2 semaphore(%run_scoped3A : memref<!tpu.dma_semaphore, #tpu.memory_space<semaphore_mem>>) src(%arg11 : memref<512x128xf32, #tpu.memory_space<vmem>>) dst(%dma_wait3A_2379 : memref<512x128xf32, #tpu.memory_space<hbm>>)
      tpu.yield
    }) : () -> ()
    "tpu.region"() ({
      %run_scoped3A = tpu.sem_alloc : memref<!tpu.dma_semaphore, #tpu.memory_space<semaphore_mem>>
      %dma_start3A_2372 = tpu.memref_slice %arg6[%mul3A_2] : memref<16384xi32, #tpu.memory_space<hbm>> -> memref<512xi32, #tpu.memory_space<hbm>>
      %dma_start3A_2373 = tpu.memref_slice %arg6[%mul3A_2] : memref<16384xi32, #tpu.memory_space<hbm>> -> memref<512xi32, #tpu.memory_space<hbm>>
      tpu.enqueue_dma source(%arg10 : memref<512xi32, #tpu.memory_space<vmem>>) target(%dma_start3A_2373 : memref<512xi32, #tpu.memory_space<hbm>>) target_semaphore(%run_scoped3A : memref<!tpu.dma_semaphore, #tpu.memory_space<semaphore_mem>>)
      %dma_wait3A_2374 = tpu.memref_slice %arg6[%mul3A_2] : memref<16384xi32, #tpu.memory_space<hbm>> -> memref<512xi32, #tpu.memory_space<hbm>>
      %dma_wait3A_2375 = tpu.memref_slice %arg6[%mul3A_2] : memref<16384xi32, #tpu.memory_space<hbm>> -> memref<512xi32, #tpu.memory_space<hbm>>
      tpu.wait_dma2 semaphore(%run_scoped3A : memref<!tpu.dma_semaphore, #tpu.memory_space<semaphore_mem>>) src(%arg10 : memref<512xi32, #tpu.memory_space<vmem>>) dst(%dma_wait3A_2375 : memref<512xi32, #tpu.memory_space<hbm>>)
      tpu.yield
    }) : () -> ()
    return
  }
}

module attributes {stable_mosaic.version = 14 : i64} {
  func.func @tc_body(%arg0: i32, %arg1: memref<1xf32, #tpu.memory_space<smem>>, %arg2: memref<1024x128xf32, #tpu.memory_space<vmem>>, %arg3: memref<1024x1xi32, #tpu.memory_space<vmem>>, %arg4: memref<1024x64xf32, #tpu.memory_space<vmem>>, %arg5: memref<1024x1024xf32, #tpu.memory_space<vmem>>) attributes {dimension_semantics = [#tpu.dimension_semantics<arbitrary>], iteration_bounds = array<i64: 16>, scalar_prefetch = 0 : i64, scratch_operands = 0 : i64, tpu.core_type = #tpu.core_type<tc>, window_params = [{transform_indices = @transform_0, window_bounds = array<i64: 1>}, {transform_indices = @transform_1, window_bounds = array<i64: 1024, 128>}, {transform_indices = @transform_2, window_bounds = array<i64: 1024, 1>}, {pipeline_mode = #tpu.pipeline_mode<synchronous>, transform_indices = @transform_3, window_bounds = array<i64: 1024, 64>}, {transform_indices = @transform_4, window_bounds = array<i64: 1024, 1024>}]} {
    %get3A = arith.constant 0 : index
    %get3A_0 = arith.constant 0 : index
    %get3A_1 = vector.load %arg2[%get3A, %get3A_0] : memref<1024x128xf32, #tpu.memory_space<vmem>>, vector<1024x128xf32>
    %get3A_2 = arith.constant 0 : index
    %get3A_3 = arith.constant 0 : index
    %get3A_4 = vector.load %arg3[%get3A_2, %get3A_3] : memref<1024x1xi32, #tpu.memory_space<vmem>>, vector<1024x1xi32>
    %gt3A = arith.constant 0 : i32
    %gt3A_5 = vector.broadcast %gt3A : i32 to vector<1024x1xi32>
    %gt3A_6 = arith.cmpi sgt, %get3A_4, %gt3A_5 : vector<1024x1xi32>
    %slice3A = vector.extract_strided_slice %get3A_1 {offsets = [0, 64], sizes = [1024, 64], strides = [1, 1]} : vector<1024x128xf32> to vector<1024x64xf32>
    %slice3A_7 = vector.extract_strided_slice %get3A_1 {offsets = [0, 0], sizes = [1024, 64], strides = [1, 1]} : vector<1024x128xf32> to vector<1024x64xf32>
    %broadcast_in_dim3A = vector.shape_cast %gt3A_6 : vector<1024x1xi1> to vector<1024x1xi1>
    %broadcast_in_dim3A_8 = vector.broadcast %broadcast_in_dim3A : vector<1024x1xi1> to vector<1024x64xi1>
    %select_n3A = arith.select %broadcast_in_dim3A_8, %slice3A, %slice3A_7 : vector<1024x64xi1>, vector<1024x64xf32>
    %get3A_9 = arith.constant 0 : index
    %get3A_10 = arith.constant 0 : index
    %get3A_11 = vector.load %arg4[%get3A_9, %get3A_10] : memref<1024x64xf32, #tpu.memory_space<vmem>>, vector<1024x64xf32>
    %get3A_12 = arith.constant 0 : index
    %get3A_13 = memref.load %arg1[%get3A_12] : memref<1xf32, #tpu.memory_space<smem>>
    %mul3A = vector.broadcast %get3A_13 : f32 to vector<1024x64xf32>
    %mul3A_14 = arith.mulf %get3A_11, %mul3A : vector<1024x64xf32>
    %dot_general3A = arith.constant dense<0.000000e+00> : vector<1024x1024xf32>
    %dot_general3A_15 = tpu.matmul %select_n3A, %mul3A_14, %dot_general3A {dimension_numbers = #tpu.dot_dimension_numbers<[1], [1], [0], [0], [0, 0, 1, 0], [], []>, transpose_lhs_hint = false} : vector<1024x64xf32>, vector<1024x64xf32>, vector<1024x1024xf32> -> vector<1024x1024xf32>
    %swap3A = arith.constant 0 : index
    %swap3A_16 = arith.constant 0 : index
    %swap3A_17 = vector.load %arg5[%swap3A, %swap3A_16] : memref<1024x1024xf32, #tpu.memory_space<vmem>>, vector<1024x1024xf32>
    tpu.vector_store %arg5[%swap3A, %swap3A_16], %dot_general3A_15 {strides = array<i32>} : memref<1024x1024xf32, #tpu.memory_space<vmem>>, vector<1024x1024xf32>,
    return
  }
  func.func @transform_0(%arg0: i32) -> i32 {
    %c0_i32 = arith.constant 0 : i32
    %c0_i32_0 = arith.constant 0 : i32
    return %c0_i32 : i32
  }
  func.func @transform_1(%arg0: i32) -> (i32, i32) {
    %c0_i32 = arith.constant 0 : i32
    %c0_i32_0 = arith.constant 0 : i32
    return %arg0, %c0_i32 : i32, i32
  }
  func.func @transform_2(%arg0: i32) -> (i32, i32) {
    %c0_i32 = arith.constant 0 : i32
    %c0_i32_0 = arith.constant 0 : i32
    return %arg0, %c0_i32 : i32, i32
  }
  func.func @transform_3(%arg0: i32) -> (i32, i32) {
    %c0_i32 = arith.constant 0 : i32
    %c0_i32_0 = arith.constant 0 : i32
    %c0_i32_1 = arith.constant 0 : i32
    return %c0_i32, %c0_i32_0 : i32, i32
  }
  func.func @transform_4(%arg0: i32) -> (i32, i32) {
    %c0_i32 = arith.constant 0 : i32
    %c0_i32_0 = arith.constant 0 : i32
    return %arg0, %c0_i32 : i32, i32
  }
}

</mosaic_0001>

<sc_bundles>
// kernel: kernel.4.cloned.1.call-start
scs
__scs_entry_jumppad:
0x0: {  	(pc) =	sbr.rel $0x88, $3  }
0x1: {  	(tag) =	ssettag $0x0;
	lr =	simm.s32 $0x1  }
0x2: {  	[smem:$0x3F9D] =	sst lr;
	_ =	strace $0xD0000000  }
0x3: {  	_ = 	snop  }
0x4: {  	_ = 	snop  }
0x5: {  	_ = 	snop  }
0x6: {  	_ = 	snop  }
0x7: {  	_ = 	snop  }
__scs_overlays_trampoline_lowered:
0x8: {  	[smem:$0x3FAC] =	sst s0  }
0x9: {  	[smem:$0x3FAD] =	sst s1  }
0xa: {  	[smem:$0x3FAE] =	sst s2  }
0xb: {  	[smem:$0x3FAF] =	sst s3  }
0xc: {  	[smem:$0x3FB0] =	sst s4  }
0xd: {  	[smem:$0x3FB1] =	sst s5  }
0xe: {  	[smem:$0x3FB2] =	sst s6  }
0xf: {  	[smem:$0x3FB3] =	sst s7  }
0x10: {  	[smem:$0x3FB4] =	sst s8  }
0x11: {  	[smem:$0x3FB5] =	sst s9;
	s0 =	simm.s32 @!p0 $0x0  }
0x12: {  	s1 =	sld [smem:$0x3F9B];
	s0 =	simm.s32 @p0 $0x1  }
0x13: {  	[smem:$0x3FB6] =	sst s0;
	s0 =	simm.s32 @!p1 $0x0  }
0x14: {  	s2 =	sld [smem:$0x3F9A];
	s0 =	simm.s32 @p1 $0x1  }
0x15: {  	[smem:$0x3FB7] =	sst s0;
	s0 =	simm.s32 @!p2 $0x0  }
0x16: {  	s3 =	sld [smem:$0x3FDB];
	s0 =	simm.s32 @p2 $0x1  }
0x17: {  	s4 =	simm.s32 $0x1BF5;
	[smem:$0x3FB9] =	sst s0  }
0x18: {  	s0 =	sld [smem:$0x3F9C];
	_ =	swait.ge [sflag:s4], $0x0  }
0x19: {  	s7 =	sld [smem:$0x3F9D]  }
0x1a: {  	s8 =	sadd.s32 $0xFFFFE003, lr  }
0x1b: {  	s9 =	sadd.s32 $0xFFFFFEF7, lr;
	s5 =	simm.s32 $0xFFFFFFFF;
	p2 =	slt.u32 s8, $0xFFFFF086  }
0x1c: {  	p1 =	slt.u32 s9, $0xF7A;
	s5 =	simm.s32 @!p2 $0x0  }
0x1d: {  	s5 =	simm.s32 @p1 $0x1;
	p0 =	seq.s32 s7, s2  }
0x1e: {  	s7 =	smul.u32 @!p0 $0xF7A, s2;
	p2 =	seq.s32 @!p0 s5, $0x0  }
0x1f: {  	s9 =	smul.u32 $0xF7A, s1;
	s8 =	simm.s32 @!p0 $0x1BF5;
	p2 =	por !p2, p0  }
0x20: {  	[sflag:s8] =	ssyncset.s32 @!p0 $0xFFFFF086;
	s6 =	sadd.s32 @!p0 s3, s7;
	s7 =	simm.s32 @!p0 $0x108  }
0x21: {  	s3 =	sadd.s32 s3, s9;
	s6 =	sadd.s32 @!p0 $0x88, s6;
	s7 =	simm.s32 @p2 $0x1082  }
0x22: {  	[simem:s7], [sflag:s8] =	dma.local @!p0 [hbm:s6], $0xF7A  }
0x23: {  	s9 =	sor.u32 $0xD0000000, s2;
	s6 =	simm.s32 $0x108;
	_ =	swait.ge @!p0 [sflag:s8], $0x0  }
0x24: {  	s3 =	sadd.s32 $0x88, s3;
	s6 =	simm.s32 @!p1 $0x1082;
	[sflag:s4] =	ssyncset.s32 $0xFFFFF086  }
0x25: {  	[simem:s6], [sflag:s4] =	dma.local [hbm:s3], $0xF7A  }
0x26: {  	[smem:$0x3F9D] =	sst s1;
	(tag) =	ssettag s2;
	_ =	strace s9  }
0x27: {  	s1 =	sld [smem:$0x3FAD]  }
0x28: {  	s2 =	sld [smem:$0x3FAE]  }
0x29: {  	s4 =	sld [smem:$0x3FB0]  }
0x2a: {  	p0 =	seq.s32 s5, $0x0;
	s5 =	sld [smem:$0x3FB1]  }
0x2b: {  	s6 =	sld [smem:$0x3FB2]  }
0x2c: {  	s7 =	sld [smem:$0x3FB3]  }
0x2d: {  	s3 =	simm.s32 $0x108;
	s8 =	sld [smem:$0x3FB4]  }
0x2e: {  	s3 =	simm.s32 @!p0 $0x1082;
	s9 =	sld [smem:$0x3FB5]  }
0x2f: {  	lr =	sadd.s32 s0, s3;
	s0 =	sld [smem:$0x3FAC]  }
0x30: {  	s3 =	sld [smem:$0x3FAF]  }
0x31: {  	[smem:$0x3FB8] =	sst s10  }
0x32: {  	s10 =	sld [smem:$0x3FB6];
	_ =	sdelay $0x3  }
0x33: {  	p0 =	seq.s32 s10, $0x1;
	s10 =	sld [smem:$0x3FB8];
	_ =	sdelay $0x3  }
0x34: {  	[smem:$0x3FB8] =	sst s10  }
0x35: {  	s10 =	sld [smem:$0x3FB7];
	_ =	sdelay $0x3  }
0x36: {  	p1 =	seq.s32 s10, $0x1;
	s10 =	sld [smem:$0x3FB8];
	_ =	sdelay $0x3  }
0x37: {  	[smem:$0x3FB8] =	sst s10  }
0x38: {  	s10 =	sld [smem:$0x3FB9]  }
0x39: {  	_ = 	snop;
	(pc) =	sbr.ind lr, $3  }
0x3a: {  	_ = 	snop  }
0x3b: {  	_ = 	snop  }
0x3c: {  	p2 =	seq.s32 s10, $0x1;
	s10 =	sld [smem:$0x3FB8]  }
0x3d: {  	_ =	shalt  }
0x3e: {  	_ =	shalt  }
0x3f: {  	_ =	shalt  }
0x40: {  	_ =	shalt  }
0x41: {  	_ =	shalt  }
0x42: {  	_ =	shalt  }
0x43: {  	_ =	shalt  }
0x44: {  	_ =	shalt  }
0x45: {  	_ =	shalt  }
0x46: {  	_ =	shalt  }
0x47: {  	_ =	shalt  }
0x48: {  	_ =	shalt  }
0x49: {  	_ =	shalt  }
0x4a: {  	_ =	shalt  }
0x4b: {  	_ =	shalt  }
0x4c: {  	_ =	shalt  }
0x4d: {  	_ =	shalt  }
0x4e: {  	_ =	shalt  }
0x4f: {  	_ =	shalt  }
0x50: {  	_ =	shalt  }
0x51: {  	_ =	shalt  }
0x52: {  	_ =	shalt  }
0x53: {  	_ =	shalt  }
0x54: {  	_ =	shalt  }
0x55: {  	_ =	shalt  }
0x56: {  	_ =	shalt  }
0x57: {  	_ =	shalt  }
0x58: {  	_ =	shalt  }
0x59: {  	_ =	shalt  }
0x5a: {  	_ =	shalt  }
0x5b: {  	_ =	shalt  }
0x5c: {  	_ =	shalt  }
0x5d: {  	_ =	shalt  }
0x5e: {  	_ =	shalt  }
0x5f: {  	_ =	shalt  }
0x60: {  	_ =	shalt  }
0x61: {  	_ =	shalt  }
0x62: {  	_ =	shalt  }
0x63: {  	_ =	shalt  }
0x64: {  	_ =	shalt  }
0x65: {  	_ =	shalt  }
0x66: {  	_ =	shalt  }
0x67: {  	_ =	shalt  }
0x68: {  	_ =	shalt  }
0x69: {  	_ =	shalt  }
0x6a: {  	_ =	shalt  }
0x6b: {  	_ =	shalt  }
0x6c: {  	_ =	shalt  }
0x6d: {  	_ =	shalt  }
0x6e: {  	_ =	shalt  }
0x6f: {  	_ =	shalt  }
0x70: {  	_ =	shalt  }
0x71: {  	_ =	shalt  }
0x72: {  	_ =	shalt  }
0x73: {  	_ =	shalt  }
0x74: {  	_ =	shalt  }
0x75: {  	_ =	shalt  }
0x76: {  	_ =	shalt  }
0x77: {  	_ =	shalt  }
0x78: {  	_ =	shalt  }
0x79: {  	_ =	shalt  }
0x7a: {  	_ =	shalt  }
0x7b: {  	_ =	shalt  }
0x7c: {  	_ =	shalt  }
0x7d: {  	_ =	shalt  }
0x7e: {  	_ =	shalt  }
0x7f: {  	_ =	shalt  }
0x80: {  	_ =	shalt  }
0x81: {  	_ =	shalt  }
0x82: {  	_ =	shalt  }
0x83: {  	_ =	shalt  }
0x84: {  	_ =	shalt  }
0x85: {  	_ =	shalt  }
0x86: {  	_ =	shalt  }
0x87: {  	_ =	shalt  }
.Lfunc_end0:
.L_simem_size_0:
called_computation_lowered:
.L_overlay_start_0:
0x88: {  	s2 =	sld [smem:$0x3FD9]  }
0x89: {  	s3 =	sld [smem:$0x3FFE];
	_ =	sdelay $0x1  }
0x8a: {  	s1 =	srdreg.scid  }
0x8b: {  	s0 =	sand.u32 $0x1, s1  }
0x8c: {  	s17 =	sshll.u32 s0, $0xA;
	s2 =	sadd.s32 s3, s2  }
0x8d: {  	s2 =	sadd.s32 s2, s17  }
0x8e: {  	[smem:$0x3FC4] =	sst s2  }
0x8f: {  	_ = 	snop  }
0x90: {  	s2 =	sld [smem:$0x3FD0];
	(tm) =	ssettm $0x1  }
0x91: {  	s18 =	sld [smem:$0x3FFB];
	_ =	sdelay $0x3  }
0x92: {  	_ =	strace s18  }
0x93: {  	s3 =	sld [smem:$0x3FFC];
	_ =	sdelay $0x3  }
0x94: {  	_ =	strace s3  }
0x95: {  	s3 =	sld [smem:$0x3FFD];
	_ =	sdelay $0x3  }
0x96: {  	_ =	strace s3  }
0x97: {  	_ =	strace $0x8FFFFFFF  }
0x98: {  	s19 =	sld [smem:$0x3FDB];
	_ =	sdelay $0x1  }
0x99: {  	s4 =	simm.s32 $_scs_section_size  }
0x9a: {  	s5 =	simm.s32 $_size__tile_overlayer_lowered;
	s6 =	simm.s32 $_tile_overlayer_lowered  }
0x9b: {  	s22 =	simm.s32 $0x1BFF;
	s21 =	sshll.u32 s6, $0x1;
	s3 =	sadd.s32 s4, s19  }
0x9c: {  	s7 =	simm.s32 $0x0;
	s20 =	sshll.u32 s5, $0x1;
	s5 =	sadd.s32 s21, s3  }
0x9d: {  	[timem:s7], [sflag:s22] =	dma.local [hbm:s5], s20  }
0x9e: {  	_ =	swait.ge [sflag:s22], s20  }
0x9f: {  	s4 =	ssub.s32 $0x0, s20;
	[sflag:s22] =	ssyncset.done $0x0  }
0xa0: {  	[sflag:s22] =	ssyncadd.s32 s4;
	_ =	sdelay $0x1  }
0xa1: {  	s23 =	simm.s32 $0x1B8B  }
0xa2: {  	_ =	swait.ge [sflag:s23], $0x1  }
0xa3: {  	[sflag:s23] =	ssyncset.done $0x0  }
0xa4: {  	s25 =	simm.s32 $0x1B8E;
	s24 =	sld [smem:$0x3FFE];
	[sflag:s23] =	ssyncadd.s32 $0xFFFFFFFF  }
0xa5: {  	s26 =	simm.s32 $execute0_lowered;
	[smem:$0x3FD2] =	sst s25  }
0xa6: {  	s5 =	sshll.u32 s26, $0x1;
	_ =	strace $0x80000046;
	[dreg:$0x1] =	wrdreg $0xFFFFFFFF  }
0xa7: {  	s28 =	simm.s32 $_size_execute0_lowered;
	s3 =	sadd.s32 s3, s5;
	[dreg:$0x0] =	wrdreg $0x0  }
0xa8: {  	s5 =	sshll.u32 s28, $0x1;
	[dreg:$0x2] =	wrdreg s3  }
0xa9: {  	[dreg:$0x3] =	wrdreg s5  }
0xaa: {  	[dreg:$0x4] =	wrdreg $0xC0  }
0xab: {  	_ =	task [dreg:s7], $0x5FFFF  }
0xac: {  	[dreg:$0x1] =	wrdreg $0xFFFFFFFF  }
0xad: {  	[dreg:$0x0] =	wrdreg $0x60  }
0xae: {  	[dreg:$0x2] =	wrdreg s24  }
0xaf: {  	[dreg:$0x3] =	wrdreg s2  }
0xb0: {  	[dreg:$0x4] =	wrdreg $0x9  }
0xb1: {  	_ =	task.clear_ibuf [dreg:s7], $0x5FFFF;
	_ =	strace $0x90000046  }
0xb2: {  	s29 =	simm.s32 $0x9;
	_ =	strace $0x80000048  }
0xb3: {  	_ =	swait.ge [sflag:s29], $0x1  }
0xb4: {  	[sflag:s29] =	ssyncadd.s32 $0xFFFFFFFF  }
0xb5: {  	_ =	strace $0x90000048  }
0xb6: {  	_ =	sfence  }
0xb7: {  	s30 =	sld [smem:$0x0];
	_ =	sdelay $0x2  }
0xb8: {  	s31 =	sshll.u32 s1, $0xD;
	s1 =	sshrl.u32 s1, $0x2  }
0xb9: {  	s3 =	sand.u32 $0x4000, s31;
	s1 =	sadd.s32 s1, s30  }
0xba: {  	s0 =	sor.u32 s3, s0;
	s1 =	sshll.u32 s1, $0x11  }
0xbb: {  	s0 =	sor.u32 s1, s0  }
0xbc: {  	s0 =	sadd.s32 $0x8F2B, s0  }
0xbd: {  	[sflag:s0] =	ssyncadd.remote.s32 $0x1  }
0xbe: {  	_ =	sfence.sel $0xFFFF  }
0xbf: {  	[dreg:$0x0] =	wrdreg $0xFFFFFFFF;
	(pc) =	sbr.abs _section_cstart, $3  }
0xc0: {  	[dreg:$0x1] =	wrdreg $0xFFFFFFFF  }
0xc1: {  	_ =	task.clear_ibuf [dreg:s7], $0x2FFFF;
	_ =	strace $0x9FFFFFFF  }
0xc2: {  	(tm) =	ssettm $0x7FFFFFFF  }
0xc3: {  	_ =	shalt  }
tec
execute0_lowered:
.L_overlay_start_1:
0x0: {  	(tag) =	ssettag $0x1  }
0x1: {  	s4 =	rddreg [dreg:$0x0]  }
0x2: {  	s6 =	rddreg [dreg:$0x1]  }
0x3: {  	s0 =	rddreg [dreg:$0x2];
	s3 =	srdreg.scid  }
0x4: {  	s2 =	simm.s32 $0x0;
	s1 =	stileid.u32;
	s10 =	simm.s32 $0x200  }
0x5: {  	s11 =	simm.s32 $0x80;
	s12 =	simm.s32 $0x400;
	s14 =	simm.s32 $0x480  }
0x6: {  	s15 =	simm.s32 $0x4800;
	s16 =	simm.s32 $0x500;
	s17 =	simm.s32 $0x8800  }
0x7: {  	s18 =	simm.s32 $0x580;
	s19 =	simm.s32 $0xC800;
	s20 =	simm.s32 $0x1  }
0x8: {  	s21 =	simm.s32 $0x600;
	s3 =	sand.u32 $0x1, s3;
	[smem:$0x7FF] =	sst s2  }
0x9: {  	s5 =	sshll.u32 s1, $0xA;
	s7 =	sshll.u32 s3, $0x9;
	s31 =	ssub.s32 $0x2, s3  }
0xa: {  	_ =	strace $0x80000047;
	s13 =	sor.u32 s7, s5;
	s8 =	sshrl.u32 s31, $0x1  }
0xb: {  	v0 =	vlaneseq.u32;
	s3 =	sadd.s32 $0xF43A00, s4;
	s7 =	sshrl.u32 s13, $0x3;
	s8 =	ssub.s32 s31, s8  }
0xc: {  	s9 =	sshll.u32 s13, $0x4;
	v0 =	vor.u32 s13, v0;
	s13 =	simm.s32 $0x800;
	s7 =	sadd.s32 s7, s4  }
0xd: {  	s6 =	sadd.s32 s6, s9;
	s8 =	smax.u32 s8, $0x1;
	s9 =	simm.s32 $0x2;
	v0 =	vand.u32 $0xE0F, v0  }
0xe: {  	s4 =	sadd.s32 $0x1600, s7;
	s5 =	sadd.s32 $0xE00, s7;
	s7 =	sadd.s32 $0x1E00, s7;
	vm0 =	veq.s32 v0, $0x0  }
.LBB2_1:
0xf: {  	[tilespmem:s2], [sflag:$0x2] =	stream.linear.gather [hbm4b:s4+s2], $0x200, $0x38;
	[tilespmem:$0x10800] =	vst v63  }
0x10: {  	_ =	swait.ge [sflag:s9], $0x200  }
0x11: {  	[sflag:s9] =	ssyncset.done $0x0  }
0x12: {  	[sflag:s9] =	ssyncadd.s32 $0xFFFFFE00  }
0x13: {  	[tilespmem:s10], [sflag:$0x2] =	stream.linear.gather [hbm4b:s5+s2], $0x200, $0x38;
	[tilespmem:$0x10800] =	vst v63  }
0x14: {  	_ =	swait.ge [sflag:s9], $0x200  }
0x15: {  	[sflag:s9] =	ssyncset.done $0x0  }
0x16: {  	[sflag:s9] =	ssyncadd.s32 $0xFFFFFE00  }
0x17: {  	v0 =	vld [tilespmem:$0x0]  }
0x18: {  	v1 =	vld [tilespmem:$0x200]  }
0x19: {  	v2 =	vld [tilespmem:$0x10]  }
0x1a: {  	v3 =	vld [tilespmem:$0x210]  }
0x1b: {  	v4 =	vld [tilespmem:$0x20]  }
0x1c: {  	v5 =	vld [tilespmem:$0x220]  }
0x1d: {  	v15 =	vld [tilespmem:$0x30]  }
0x1e: {  	v6 =	vld [tilespmem:$0x230];
	v1 =	vmul.u32 $0x8DD9, v1  }
0x1f: {  	v17 =	vld [tilespmem:$0x40];
	v0 =	vmul.u32 $0x6A37, v0;
	v3 =	vmul.u32 $0x8DD9, v3;
	v2 =	vmul.u32 $0x6A37, v2  }
0x20: {  	v18 =	vld [tilespmem:$0x240]  }
0x21: {  	v25 =	vld [tilespmem:$0x250];
	v0 =	vxor.u32 v0, v1;
	v2 =	vxor.u32 v2, v3  }
0x22: {  	v33 =	vld [tilespmem:$0x260];
	v1 =	vcvt.s32.f32 v0;
	v3 =	vcvt.s32.f32 v2  }
0x23: {  	v40 =	vld [tilespmem:$0x270]  }
0x24: {  	v48 =	vld [tilespmem:$0x280];
	v1 =	vmul.f32 $1.000001020e-06, v1;
	v3 =	vmul.f32 $1.000001020e-06, v3  }
0x25: {  	v55 =	vld [tilespmem:$0x290];
	v14 =	vmul.u32 $0x8DD9, v5;
	v4 =	vmul.u32 $0x6A37, v4;
	v16 =	vmul.u32 $0x8DD9, v6  }
0x26: {  	v5 =	vmul.u32 $0x6A37, v15;
	v1 =	vtrunc.f32 v1;
	v3 =	vtrunc.f32 v3  }
0x27: {  	v23 =	vmul.u32 $0x8DD9, v18;
	v1 =	vcvt.f32.s32 v1;
	v3 =	vcvt.f32.s32 v3  }
0x28: {  	v6 =	vmul.u32 $0x6A37, v17;
	v31 =	vmul.u32 $0x8DD9, v25;
	v38 =	vmul.u32 $0x8DD9, v33  }
0x29: {  	v46 =	vmul.u32 $0x8DD9, v40;
	v1 =	vmul.u32 $0xFFF0BDC1, v1;
	v3 =	vmul.u32 $0xFFF0BDC1, v3  }
0x2a: {  	v32 =	vld [tilespmem:$0x60];
	v53 =	vmul.u32 $0x8DD9, v48;
	v61 =	vmul.u32 $0x8DD9, v55;
	v4 =	vxor.u32 v4, v14  }
0x2b: {  	v0 =	vadd.s32 v0, v1;
	v1 =	vcvt.s32.f32 v4;
	v2 =	vadd.s32 v2, v3  }
0x2c: {  	v3 =	vxor.u32 v5, v16;
	v5 =	vxor.u32 v6, v23;
	vm1 =	vlt.s32 v0, $0x0  }
0x2d: {  	v24 =	vld [tilespmem:$0x50];
	v7 =	vadd.s32 $0xF423F, v0;
	vm2 =	vlt.s32 v2, $0x0;
	v8 =	vadd.s32 $0xF423F, v2  }
0x2e: {  	v39 =	vld [tilespmem:$0x70];
	v20 =	vcvt.s32.f32 v3;
	v28 =	vcvt.s32.f32 v5;
	v0 =	vsel vm1, v7, v0  }
0x2f: {  	v1 =	vmul.f32 $1.000001020e-06, v1;
	v2 =	vsel vm2, v8, v2;
	v8 =	vmul.u32 $0x6A37, v32  }
0x30: {  	v23 =	vld [tilespmem:$0x2B0];
	vm1 =	vlt.s32 v0, $0x0;
	v7 =	vadd.s32 $0xF423F, v0;
	vm2 =	vlt.s32 v2, $0x0  }
0x31: {  	v9 =	vadd.s32 $0xF423F, v2;
	v22 =	vmul.f32 $1.000001020e-06, v20;
	v30 =	vmul.f32 $1.000001020e-06, v28  }
0x32: {  	v0 =	vsel vm1, v7, v0;
	v1 =	vtrunc.f32 v1;
	v21 =	vsel vm2, v9, v2  }
0x33: {  	v7 =	vmul.u32 $0x6A37, v24;
	v9 =	vmul.u32 $0x6A37, v39;
	vm1 =	vgt.s32 v0, $0xF423E  }
0x34: {  	v63 =	vld [tilespmem:$0x2A0];
	v1 =	vcvt.f32.s32 v1;
	v19 =	vadd.s32 $0xFFF0BDC1, v0;
	v2 =	vtrunc.f32 v22  }
0x35: {  	v54 =	vld [tilespmem:$0x90];
	v27 =	vadd.s32 $0xFFF0BDC1, v21;
	v6 =	vtrunc.f32 v30;
	v28 =	vmul.u32 $0x8DD9, v23  }
0x36: {  	v2 =	vcvt.f32.s32 v2;
	v6 =	vcvt.f32.s32 v6;
	v7 =	vxor.u32 v7, v31  }
0x37: {  	v10 =	vmul.u32 $0xFFF0BDC1, v1;
	v1 =	vsel vm1, v19, v0;
	vm1 =	vgt.s32 v21, $0xF423E  }
0x38: {  	v11 =	vcvt.s32.f32 v7;
	v2 =	vmul.u32 $0xFFF0BDC1, v2;
	v0 =	vsel vm1, v27, v21  }
0x39: {  	v6 =	vmul.u32 $0xFFF0BDC1, v6;
	v21 =	vmul.u32 $0x8DD9, v63;
	v4 =	vadd.s32 v4, v10  }
0x3a: {  	v37 =	vmul.f32 $1.000001020e-06, v11;
	v11 =	vmul.u32 $0x6A37, v54;
	vm2 =	vlt.s32 v4, $0x0  }
0x3b: {  	v26 =	vadd.s32 $0xF423F, v4;
	v2 =	vadd.s32 v3, v2;
	v5 =	vadd.s32 v5, v6  }
0x3c: {  	v6 =	vxor.u32 v8, v38;
	v4 =	vsel vm2, v26, v4;
	v34 =	vadd.s32 $0xF423F, v2  }
0x3d: {  	v30 =	vld [tilespmem:$0x2C0];
	v43 =	vcvt.s32.f32 v6;
	vm2 =	vlt.s32 v4, $0x0;
	v29 =	vadd.s32 $0xF423F, v4  }
0x3e: {  	v47 =	vld [tilespmem:$0x80];
	v41 =	vadd.s32 $0xF423F, v5;
	v4 =	vsel vm2, v29, v4;
	vm2 =	vlt.s32 v2, $0x0  }
0x3f: {  	v45 =	vmul.f32 $1.000001020e-06, v43;
	vm1 =	vgt.s32 v4, $0xF423E;
	v10 =	vsel vm2, v34, v2  }
0x40: {  	v35 =	vadd.s32 $0xFFF0BDC1, v4;
	vm2 =	vlt.s32 v10, $0x0;
	v12 =	vadd.s32 $0xF423F, v10  }
0x41: {  	v2 =	vsel vm1, v35, v4;
	v4 =	vtrunc.f32 v37;
	v8 =	vtrunc.f32 v45  }
0x42: {  	v35 =	vmul.u32 $0x8DD9, v30;
	v36 =	vsel vm2, v12, v10;
	vm2 =	vlt.s32 v5, $0x0  }
0x43: {  	v4 =	vcvt.f32.s32 v4;
	v8 =	vcvt.f32.s32 v8;
	v10 =	vmul.u32 $0x6A37, v47  }
0x44: {  	v37 =	vld [tilespmem:$0x2D0];
	vm1 =	vgt.s32 v36, $0xF423E;
	v42 =	vadd.s32 $0xFFF0BDC1, v36;
	v5 =	vsel vm2, v41, v5  }
0x45: {  	vm2 =	vlt.s32 v5, $0x0;
	v44 =	vadd.s32 $0xF423F, v5;
	v4 =	vmul.u32 $0xFFF0BDC1, v4  }
0x46: {  	v62 =	vld [tilespmem:$0xA0];
	v3 =	vsel vm1, v42, v36;
	v8 =	vmul.u32 $0xFFF0BDC1, v8;
	v5 =	vsel vm2, v44, v5  }
0x47: {  	v22 =	vld [tilespmem:$0xB0];
	v4 =	vadd.s32 v7, v4;
	vm1 =	vgt.s32 v5, $0xF423E;
	v7 =	vxor.u32 v9, v46  }
0x48: {  	v29 =	vld [tilespmem:$0xC0];
	v50 =	vadd.s32 $0xFFF0BDC1, v5;
	v6 =	vadd.s32 v6, v8;
	v8 =	vxor.u32 v10, v53  }
0x49: {  	v44 =	vld [tilespmem:$0x2E0];
	v42 =	vmul.u32 $0x8DD9, v37;
	vm2 =	vlt.s32 v4, $0x0;
	v49 =	vadd.s32 $0xF423F, v4  }
0x4a: {  	v13 =	vcvt.s32.f32 v7;
	v58 =	vcvt.s32.f32 v8;
	v12 =	vsel vm2, v49, v4  }
0x4b: {  	v56 =	vadd.s32 $0xF423F, v6;
	v4 =	vsel vm1, v50, v5;
	vm2 =	vlt.s32 v12, $0x0  }
0x4c: {  	v14 =	vadd.s32 $0xF423F, v12;
	v52 =	vmul.f32 $1.000001020e-06, v13;
	v60 =	vmul.f32 $1.000001020e-06, v58  }
0x4d: {  	v13 =	vmul.u32 $0x6A37, v22;
	v51 =	vsel vm2, v14, v12;
	vm2 =	vlt.s32 v6, $0x0  }
0x4e: {  	v12 =	vmul.u32 $0x6A37, v62;
	v14 =	vmul.u32 $0x6A37, v29;
	v49 =	vmul.u32 $0x8DD9, v44  }
0x4f: {  	v58 =	vld [tilespmem:$0x300];
	vm1 =	vgt.s32 v51, $0xF423E;
	v9 =	vtrunc.f32 v52;
	v57 =	vadd.s32 $0xFFF0BDC1, v51  }
0x50: {  	v6 =	vsel vm2, v56, v6;
	v10 =	vtrunc.f32 v60;
	v9 =	vcvt.f32.s32 v9  }
0x51: {  	vm2 =	vlt.s32 v6, $0x0;
	v59 =	vadd.s32 $0xF423F, v6;
	v10 =	vcvt.f32.s32 v10  }
0x52: {  	v5 =	vsel vm1, v57, v51;
	v6 =	vsel vm2, v59, v6;
	v9 =	vmul.u32 $0xFFF0BDC1, v9  }
0x53: {  	v51 =	vld [tilespmem:$0x2F0];
	vm1 =	vgt.s32 v6, $0xF423E;
	v18 =	vadd.s32 $0xFFF0BDC1, v6;
	v10 =	vmul.u32 $0xFFF0BDC1, v10  }
0x54: {  	v63 =	vmul.u32 $0x8DD9, v58;
	v6 =	vsel vm1, v18, v6;
	v7 =	vadd.s32 v7, v9  }
0x55: {  	v36 =	vld [tilespmem:$0xD0];
	v9 =	vxor.u32 v11, v61;
	v8 =	vadd.s32 v8, v10;
	v10 =	vxor.u32 v12, v21  }
0x56: {  	vm2 =	vlt.s32 v7, $0x0;
	v17 =	vadd.s32 $0xF423F, v7;
	v19 =	vcvt.s32.f32 v9  }
0x57: {  	v24 =	vadd.s32 $0xF423F, v8;
	v26 =	vcvt.s32.f32 v10;
	v7 =	vsel vm2, v17, v7  }
0x58: {  	v56 =	vmul.u32 $0x8DD9, v51;
	vm2 =	vlt.s32 v7, $0x0;
	v15 =	vadd.s32 $0xF423F, v7  }
0x59: {  	v43 =	vld [tilespmem:$0xE0];
	v20 =	vmul.f32 $1.000001020e-06, v19;
	v27 =	vmul.f32 $1.000001020e-06, v26;
	v7 =	vsel vm2, v15, v7  }
0x5a: {  	vm2 =	vlt.s32 v8, $0x0;
	v15 =	vmul.u32 $0x6A37, v36;
	vm1 =	vgt.s32 v7, $0xF423E  }
0x5b: {  	v11 =	vtrunc.f32 v20;
	v25 =	vadd.s32 $0xFFF0BDC1, v7;
	v8 =	vsel vm2, v24, v8  }
0x5c: {  	v12 =	vtrunc.f32 v27;
	v11 =	vcvt.f32.s32 v11;
	vm2 =	vlt.s32 v8, $0x0  }
0x5d: {  	v16 =	vadd.s32 $0xF423F, v8;
	v7 =	vsel vm1, v25, v7;
	v12 =	vcvt.f32.s32 v12  }
0x5e: {  	v25 =	vld [tilespmem:$0x310];
	v8 =	vsel vm2, v16, v8;
	v16 =	vmul.u32 $0x6A37, v43;
	v11 =	vmul.u32 $0xFFF0BDC1, v11  }
0x5f: {  	vm1 =	vgt.s32 v8, $0xF423E;
	v32 =	vadd.s32 $0xFFF0BDC1, v8;
	v12 =	vmul.u32 $0xFFF0BDC1, v12  }
0x60: {  	v50 =	vld [tilespmem:$0xF0];
	v8 =	vsel vm1, v32, v8;
	v9 =	vadd.s32 v9, v11;
	v11 =	vxor.u32 v13, v28  }
0x61: {  	v32 =	vld [tilespmem:$0x320];
	v10 =	vadd.s32 v10, v12;
	v12 =	vxor.u32 v14, v35;
	vm2 =	vlt.s32 v9, $0x0  }
0x62: {  	v31 =	vadd.s32 $0xF423F, v9;
	v33 =	vcvt.s32.f32 v11;
	v38 =	vadd.s32 $0xF423F, v10  }
0x63: {  	v40 =	vcvt.s32.f32 v12;
	v30 =	vmul.u32 $0x8DD9, v25;
	v9 =	vsel vm2, v31, v9  }
0x64: {  	vm2 =	vlt.s32 v9, $0x0;
	v17 =	vadd.s32 $0xF423F, v9;
	v34 =	vmul.f32 $1.000001020e-06, v33  }
0x65: {  	v57 =	vld [tilespmem:$0x100];
	v41 =	vmul.f32 $1.000001020e-06, v40;
	v9 =	vsel vm2, v17, v9;
	vm2 =	vlt.s32 v10, $0x0  }
0x66: {  	v17 =	vmul.u32 $0x6A37, v50;
	v37 =	vmul.u32 $0x8DD9, v32;
	vm1 =	vgt.s32 v9, $0xF423E  }
0x67: {  	v13 =	vtrunc.f32 v34;
	v39 =	vadd.s32 $0xFFF0BDC1, v9;
	v10 =	vsel vm2, v38, v10  }
0x68: {  	v14 =	vtrunc.f32 v41;
	v13 =	vcvt.f32.s32 v13;
	vm2 =	vlt.s32 v10, $0x0  }
0x69: {  	v18 =	vadd.s32 $0xF423F, v10;
	v9 =	vsel vm1, v39, v9;
	v14 =	vcvt.f32.s32 v14  }
0x6a: {  	v39 =	vld [tilespmem:$0x330];
	v10 =	vsel vm2, v18, v10;
	v18 =	vmul.u32 $0x6A37, v57;
	v13 =	vmul.u32 $0xFFF0BDC1, v13  }
0x6b: {  	vm1 =	vgt.s32 v10, $0xF423E;
	v46 =	vadd.s32 $0xFFF0BDC1, v10;
	v14 =	vmul.u32 $0xFFF0BDC1, v14  }
0x6c: {  	v24 =	vld [tilespmem:$0x110];
	v10 =	vsel vm1, v46, v10;
	v11 =	vadd.s32 v11, v13;
	v13 =	vxor.u32 v15, v42  }
0x6d: {  	v46 =	vld [tilespmem:$0x340];
	v12 =	vadd.s32 v12, v14;
	v14 =	vxor.u32 v16, v49;
	vm2 =	vlt.s32 v11, $0x0  }
0x6e: {  	v45 =	vadd.s32 $0xF423F, v11;
	v47 =	vcvt.s32.f32 v13;
	v52 =	vadd.s32 $0xF423F, v12  }
0x6f: {  	v54 =	vcvt.s32.f32 v14;
	v44 =	vmul.u32 $0x8DD9, v39;
	v11 =	vsel vm2, v45, v11  }
0x70: {  	vm2 =	vlt.s32 v11, $0x0;
	v19 =	vadd.s32 $0xF423F, v11;
	v48 =	vmul.f32 $1.000001020e-06, v47  }
0x71: {  	v55 =	vmul.f32 $1.000001020e-06, v54;
	v11 =	vsel vm2, v19, v11;
	vm2 =	vlt.s32 v12, $0x0  }
0x72: {  	v31 =	vld [tilespmem:$0x120];
	v19 =	vmul.u32 $0x6A37, v24;
	v51 =	vmul.u32 $0x8DD9, v46;
	vm1 =	vgt.s32 v11, $0xF423E  }
0x73: {  	v15 =	vtrunc.f32 v48;
	v53 =	vadd.s32 $0xFFF0BDC1, v11;
	v16 =	vtrunc.f32 v55  }
0x74: {  	v12 =	vsel vm2, v52, v12;
	v15 =	vcvt.f32.s32 v15;
	v16 =	vcvt.f32.s32 v16  }
0x75: {  	vm2 =	vlt.s32 v12, $0x0;
	v20 =	vadd.s32 $0xF423F, v12;
	v11 =	vsel vm1, v53, v11  }
0x76: {  	v12 =	vsel vm2, v20, v12;
	v15 =	vmul.u32 $0xFFF0BDC1, v15;
	v16 =	vmul.u32 $0xFFF0BDC1, v16  }
0x77: {  	v20 =	vmul.u32 $0x6A37, v31;
	vm1 =	vgt.s32 v12, $0xF423E;
	v60 =	vadd.s32 $0xFFF0BDC1, v12  }
0x78: {  	v38 =	vld [tilespmem:$0x130];
	v13 =	vadd.s32 v13, v15;
	v15 =	vxor.u32 v17, v56;
	v14 =	vadd.s32 v14, v16  }
0x79: {  	v16 =	vxor.u32 v18, v63;
	vm2 =	vlt.s32 v13, $0x0;
	v59 =	vadd.s32 $0xF423F, v13  }
0x7a: {  	v61 =	vcvt.s32.f32 v15;
	v28 =	vcvt.s32.f32 v16;
	v13 =	vsel vm2, v59, v13  }
0x7b: {  	v12 =	vsel vm1, v60, v12;
	v26 =	vadd.s32 $0xF423F, v14;
	vm2 =	vlt.s32 v13, $0x0  }
0x7c: {  	v21 =	vadd.s32 $0xF423F, v13;
	v62 =	vmul.f32 $1.000001020e-06, v61;
	v29 =	vmul.f32 $1.000001020e-06, v28  }
0x7d: {  	v13 =	vsel vm2, v21, v13;
	vm2 =	vlt.s32 v14, $0x0;
	v21 =	vmul.u32 $0x6A37, v38  }
0x7e: {  	v45 =	vld [tilespmem:$0x140];
	vm1 =	vgt.s32 v13, $0xF423E;
	v17 =	vtrunc.f32 v62;
	v27 =	vadd.s32 $0xFFF0BDC1, v13  }
0x7f: {  	v14 =	vsel vm2, v26, v14;
	v18 =	vtrunc.f32 v29;
	v17 =	vcvt.f32.s32 v17  }
0x80: {  	vm2 =	vlt.s32 v14, $0x0;
	v22 =	vadd.s32 $0xF423F, v14;
	v18 =	vcvt.f32.s32 v18  }
0x81: {  	v13 =	vsel vm1, v27, v13;
	v14 =	vsel vm2, v22, v14;
	v17 =	vmul.u32 $0xFFF0BDC1, v17  }
0x82: {  	vm1 =	vgt.s32 v14, $0xF423E;
	v34 =	vadd.s32 $0xFFF0BDC1, v14;
	v18 =	vmul.u32 $0xFFF0BDC1, v18  }
0x83: {  	v22 =	vmul.u32 $0x6A37, v45;
	v14 =	vsel vm1, v34, v14;
	v15 =	vadd.s32 v15, v17  }
0x84: {  	v17 =	vxor.u32 v19, v30;
	v16 =	vadd.s32 v16, v18;
	v18 =	vxor.u32 v20, v37  }
0x85: {  	vm2 =	vlt.s32 v15, $0x0;
	v33 =	vadd.s32 $0xF423F, v15;
	v35 =	vcvt.s32.f32 v17  }
0x86: {  	v40 =	vadd.s32 $0xF423F, v16;
	v42 =	vcvt.s32.f32 v18;
	v15 =	vsel vm2, v33, v15  }
0x87: {  	vm2 =	vlt.s32 v15, $0x0;
	v23 =	vadd.s32 $0xF423F, v15;
	v36 =	vmul.f32 $1.000001020e-06, v35  }
0x88: {  	v52 =	vld [tilespmem:$0x150];
	v43 =	vmul.f32 $1.000001020e-06, v42;
	v15 =	vsel vm2, v23, v15;
	vm2 =	vlt.s32 v16, $0x0  }
0x89: {  	v59 =	vld [tilespmem:$0x360];
	vm1 =	vgt.s32 v15, $0xF423E;
	v19 =	vtrunc.f32 v36;
	v41 =	vadd.s32 $0xFFF0BDC1, v15  }
0x8a: {  	v16 =	vsel vm2, v40, v16;
	v20 =	vtrunc.f32 v43;
	v19 =	vcvt.f32.s32 v19  }
0x8b: {  	v54 =	vld [tilespmem:$0x350];
	vm2 =	vlt.s32 v16, $0x0;
	v24 =	vadd.s32 $0xF423F, v16;
	v20 =	vcvt.f32.s32 v20  }
0x8c: {  	v15 =	vsel vm1, v41, v15;
	v16 =	vsel vm2, v24, v16;
	v19 =	vmul.u32 $0xFFF0BDC1, v19  }
0x8d: {  	v41 =	vld [tilespmem:$0x380];
	vm1 =	vgt.s32 v16, $0xF423E;
	v48 =	vadd.s32 $0xFFF0BDC1, v16;
	v20 =	vmul.u32 $0xFFF0BDC1, v20  }
0x8e: {  	v31 =	vmul.u32 $0x8DD9, v59;
	v23 =	vmul.u32 $0x6A37, v52;
	v16 =	vsel vm1, v48, v16  }
0x8f: {  	v39 =	vld [tilespmem:$0x180];
	v17 =	vadd.s32 v17, v19;
	v19 =	vxor.u32 v21, v44;
	v18 =	vadd.s32 v18, v20  }
0x90: {  	v20 =	vxor.u32 v22, v51;
	v22 =	vmul.u32 $0x8DD9, v54;
	vm2 =	vlt.s32 v17, $0x0  }
0x91: {  	v47 =	vadd.s32 $0xF423F, v17;
	v49 =	vcvt.s32.f32 v19;
	v53 =	vadd.s32 $0xF423F, v18  }
0x92: {  	v26 =	vcvt.s32.f32 v20;
	v46 =	vmul.u32 $0x8DD9, v41;
	v41 =	vshrl.u32 v3, $0x1  }
0x93: {  	v3 =	vand.u32 $0x1, v3;
	v17 =	vsel vm2, v47, v17;
	v63 =	vxor.u32 v23, v22  }
0x94: {  	v34 =	vld [tilespmem:$0x370];
	v47 =	vmul.u32 $0x6A37, v39;
	[tilespmem:$0x430] =	vst v41;
	v41 =	vshrl.u32 v13, $0x1;
	v13 =	vand.u32 $0x1, v13  }
0x95: {  	vm2 =	vlt.s32 v17, $0x0;
	v25 =	vadd.s32 $0xF423F, v17;
	v50 =	vmul.f32 $1.000001020e-06, v49  }
0x96: {  	v57 =	vld [tilespmem:$0x160];
	v56 =	vmul.f32 $1.000001020e-06, v26;
	v23 =	vcvt.s32.f32 v63;
	v17 =	vsel vm2, v25, v17  }
0x97: {  	v32 =	vld [tilespmem:$0x170];
	vm2 =	vlt.s32 v18, $0x0;
	vm1 =	vgt.s32 v17, $0xF423E;
	v21 =	vtrunc.f32 v50  }
0x98: {  	v25 =	vadd.s32 $0xFFF0BDC1, v17;
	v24 =	vsel vm2, v53, v18;
	v60 =	vtrunc.f32 v56  }
0x99: {  	v33 =	vmul.f32 $1.000001020e-06, v23;
	v23 =	vmul.u32 $0x8DD9, v34;
	v21 =	vcvt.f32.s32 v21  }
0x9a: {  	vm2 =	vlt.s32 v24, $0x0;
	v27 =	vadd.s32 $0xF423F, v24;
	v18 =	vsel vm1, v25, v17  }
0x9b: {  	v28 =	vcvt.f32.s32 v60;
	v25 =	vmul.u32 $0x6A37, v57;
	v55 =	vsel vm2, v27, v24  }
0x9c: {  	v22 =	vtrunc.f32 v33;
	v27 =	vmul.u32 $0x6A37, v32;
	v32 =	vshrl.u32 v11, $0x1  }
0x9d: {  	v21 =	vmul.u32 $0xFFF0BDC1, v21;
	vm1 =	vgt.s32 v55, $0xF423E;
	v58 =	vadd.s32 $0xFFF0BDC1, v55  }
0x9e: {  	v30 =	vmul.u32 $0xFFF0BDC1, v28;
	v35 =	vxor.u32 v25, v31;
	v22 =	vcvt.f32.s32 v22  }
0x9f: {  	v31 =	vshrl.u32 v10, $0x1;
	v10 =	vand.u32 $0x1, v10;
	v26 =	vcvt.s32.f32 v35  }
0xa0: {  	v23 =	vxor.u32 v27, v23;
	v21 =	vadd.s32 v19, v21;
	v19 =	vsel vm1, v58, v55  }
0xa1: {  	v20 =	vadd.s32 v20, v30;
	v22 =	vmul.u32 $0xFFF0BDC1, v22;
	v43 =	vcvt.s32.f32 v23  }
0xa2: {  	v55 =	vsel vm0, $0xF423F, v1;
	vm2 =	vlt.s32 v21, $0x0;
	v61 =	vadd.s32 $0xF423F, v21  }
0xa3: {  	v36 =	vadd.s32 $0xF423F, v20;
	v26 =	vmul.f32 $1.000001020e-06, v26;
	v62 =	vsel vm2, v61, v21  }
0xa4: {  	vm2 =	vlt.s32 v20, $0x0;
	v21 =	vadd.s32 v63, v22;
	v28 =	vmul.f32 $1.000001020e-06, v43  }
0xa5: {  	vm1 =	vlt.s32 v62, $0x0;
	v24 =	vadd.s32 $0xF423F, v62;
	v20 =	vsel vm2, v36, v20  }
0xa6: {  	v51 =	vld [tilespmem:$0x390];
	v38 =	vtrunc.f32 v26;
	v42 =	vadd.s32 $0xF423F, v21;
	v36 =	vshrl.u32 v55, $0x1  }
0xa7: {  	v30 =	vld [tilespmem:$0x190];
	v17 =	vsel vm1, v24, v62;
	vm2 =	vlt.s32 v20, $0x0;
	v25 =	vadd.s32 $0xF423F, v20  }
0xa8: {  	v40 =	vcvt.f32.s32 v38;
	v45 =	vtrunc.f32 v28;
	v24 =	vxor.u32 v47, v46  }
0xa9: {  	v28 =	vand.u32 $0x1, v55;
	v38 =	vshrl.u32 v2, $0x1;
	v2 =	vand.u32 $0x1, v2  }
0xaa: {  	[tilespmem:$0x400] =	vst v36;
	v36 =	vshrl.u32 v12, $0x1;
	vm1 =	vgt.s32 v17, $0xF423E;
	v37 =	vadd.s32 $0xFFF0BDC1, v17  }
0xab: {  	v33 =	vld [tilespmem:$0x3A0];
	v20 =	vsel vm2, v25, v20;
	v50 =	vcvt.s32.f32 v24;
	v25 =	vmul.u32 $0x8DD9, v51  }
0xac: {  	v59 =	vmul.u32 $0x6A37, v30;
	v51 =	vand.u32 $0x1, v5;
	v17 =	vsel vm1, v37, v17  }
0xad: {  	vm1 =	vlt.s32 v21, $0x0;
	vm2 =	vgt.s32 v20, $0xF423E;
	v22 =	vmul.u32 $0xFFF0BDC1, v40  }
0xae: {  	v29 =	vadd.s32 $0xFFF0BDC1, v20;
	v37 =	vshrl.u32 v0, $0x1;
	v0 =	vand.u32 $0x1, v0  }
0xaf: {  	v62 =	vld [tilespmem:$0x1A0];
	v21 =	vsel vm1, v42, v21;
	v53 =	vmul.f32 $1.000001020e-06, v50;
	v63 =	vxor.u32 v59, v25  }
0xb0: {  	v25 =	vmul.u32 $0x8DD9, v33;
	v33 =	vand.u32 $0x1, v11;
	vm1 =	vlt.s32 v21, $0x0  }
0xb1: {  	v27 =	vadd.s32 $0xF423F, v21;
	v44 =	vadd.s32 v35, v22;
	v22 =	vcvt.f32.s32 v45  }
0xb2: {  	v45 =	vshrl.u32 v4, $0x1;
	v4 =	vand.u32 $0x1, v4;
	v27 =	vsel vm1, v27, v21  }
0xb3: {  	vm1 =	vlt.s32 v44, $0x0;
	v48 =	vadd.s32 $0xF423F, v44;
	v21 =	vsel vm2, v29, v20  }
0xb4: {  	v57 =	vtrunc.f32 v53;
	v30 =	vmul.u32 $0x6A37, v62;
	v53 =	vand.u32 $0x1, v6  }
0xb5: {  	[tilespmem:$0x440] =	vst v45;
	v62 =	vand.u32 $0x1, v8;
	v29 =	vand.u32 $0x1, v9;
	v45 =	vshrl.u32 v16, $0x1  }
0xb6: {  	v50 =	vld [tilespmem:$0x3B0];
	v26 =	vsel vm1, v48, v44;
	vm1 =	vgt.s32 v27, $0xF423E;
	v49 =	vadd.s32 $0xFFF0BDC1, v27  }
0xb7: {  	v22 =	vmul.u32 $0xFFF0BDC1, v22;
	[tilespmem:$0x660] =	vst v53;
	v53 =	vshrl.u32 v19, $0x1;
	v20 =	vsel vm1, v49, v27  }
0xb8: {  	vm1 =	vlt.s32 v26, $0x0;
	v52 =	vadd.s32 $0xF423F, v26;
	v27 =	vcvt.s32.f32 v63  }
0xb9: {  	v25 =	vxor.u32 v30, v25;
	v49 =	vshrl.u32 v5, $0x1;
	v22 =	vadd.s32 v23, v22  }
0xba: {  	[tilespmem:$0x4A0] =	vst v31;
	v26 =	vsel vm1, v52, v26;
	v40 =	vcvt.s32.f32 v25;
	v52 =	vshrl.u32 v6, $0x1  }
0xbb: {  	[tilespmem:$0x450] =	vst v49;
	v59 =	vmul.u32 $0x8DD9, v50;
	v49 =	vand.u32 $0x1, v18;
	v31 =	vand.u32 $0x1, v20  }
0xbc: {  	vm1 =	vlt.s32 v22, $0x0;
	v54 =	vadd.s32 $0xF423F, v22;
	v60 =	vadd.s32 $0xFFF0BDC1, v26  }
0xbd: {  	v48 =	vld [tilespmem:$0x1B0];
	v27 =	vmul.f32 $1.000001020e-06, v27;
	v56 =	vsel vm1, v54, v22;
	vm1 =	vgt.s32 v26, $0xF423E  }
0xbe: {  	v22 =	vcvt.f32.s32 v57;
	v43 =	vmul.f32 $1.000001020e-06, v40;
	v54 =	vshrl.u32 v7, $0x1  }
0xbf: {  	v7 =	vand.u32 $0x1, v7;
	v57 =	vshrl.u32 v8, $0x1;
	vm2 =	vlt.s32 v56, $0x0  }
0xc0: {  	v58 =	vadd.s32 $0xF423F, v56;
	v27 =	vtrunc.f32 v27;
	[tilespmem:$0x470] =	vst v54;
	v54 =	vand.u32 $0x1, v19  }
0xc1: {  	[tilespmem:$0x630] =	vst v3;
	v40 =	vld [tilespmem:$0x3D0];
	v1 =	vsel vm2, v58, v56;
	v61 =	vmul.u32 $0xFFF0BDC1, v22;
	v22 =	vsel vm1, v60, v26  }
0xc2: {  	[tilespmem:$0x4D0] =	vst v41;
	v27 =	vcvt.f32.s32 v27;
	v46 =	vtrunc.f32 v43;
	v60 =	vmul.u32 $0x6A37, v48  }
0xc3: {  	[tilespmem:$0x6D0] =	vst v13;
	v43 =	vshrl.u32 v14, $0x1;
	v14 =	vand.u32 $0x1, v14;
	v48 =	vshrl.u32 v18, $0x1  }
0xc4: {  	[tilespmem:$0x4B0] =	vst v32;
	vm1 =	vgt.s32 v1, $0xF423E;
	v34 =	vadd.s32 $0xFFF0BDC1, v1;
	v24 =	vadd.s32 v24, v61  }
0xc5: {  	[tilespmem:$0x6A0] =	vst v10;
	v26 =	vld [tilespmem:$0x3C0];
	v1 =	vsel vm1, v34, v1;
	v27 =	vmul.u32 $0xFFF0BDC1, v27;
	vm1 =	vlt.s32 v24, $0x0  }
0xc6: {  	[tilespmem:$0x4C0] =	vst v36;
	v35 =	vadd.s32 $0xF423F, v24;
	v11 =	vmul.u32 $0x8DD9, v40;
	v36 =	vshrl.u32 v1, $0x1  }
0xc7: {  	[tilespmem:$0x600] =	vst v28;
	v61 =	vld [tilespmem:$0x1C0];
	v1 =	vand.u32 $0x1, v1;
	v24 =	vsel vm1, v35, v24;
	v23 =	vadd.s32 v63, v27  }
0xc8: {  	[tilespmem:$0x420] =	vst v38;
	v63 =	vshrl.u32 v9, $0x1;
	v27 =	vxor.u32 v60, v59;
	v60 =	vshrl.u32 v17, $0x1  }
0xc9: {  	[tilespmem:$0x620] =	vst v2;
	vm1 =	vlt.s32 v24, $0x0;
	v39 =	vadd.s32 $0xF423F, v24;
	v44 =	vadd.s32 $0xF423F, v23  }
0xca: {  	[tilespmem:$0x650] =	vst v51;
	v30 =	vcvt.s32.f32 v27;
	v8 =	vmul.u32 $0x8DD9, v26;
	v24 =	vsel vm1, v39, v24  }
0xcb: {  	v38 =	vld [tilespmem:$0x1D0];
	[tilespmem:$0x410] =	vst v37;
	v26 =	vshrl.u32 v21, $0x1;
	v39 =	vand.u32 $0x1, v12;
	vm1 =	vgt.s32 v24, $0xF423E  }
0xcc: {  	[tilespmem:$0x610] =	vst v0;
	v42 =	vadd.s32 $0xFFF0BDC1, v24;
	v9 =	vmul.f32 $1.000001020e-06, v30;
	v35 =	vmul.u32 $0x6A37, v61  }
0xcd: {  	[tilespmem:$0x6B0] =	vst v33;
	v30 =	vshrl.u32 v20, $0x1;
	v0 =	vsel vm1, v42, v24;
	vm1 =	vlt.s32 v23, $0x0  }
0xce: {  	[tilespmem:$0x640] =	vst v4;
	v2 =	vsel vm1, v44, v23;
	v23 =	vcvt.f32.s32 v46;
	v37 =	vtrunc.f32 v9  }
0xcf: {  	[tilespmem:$0x680] =	vst v62;
	v8 =	vxor.u32 v35, v8;
	v44 =	vshrl.u32 v15, $0x1;
	v15 =	vand.u32 $0x1, v15  }
0xd0: {  	[tilespmem:$0x690] =	vst v29;
	v46 =	vand.u32 $0x1, v16;
	v9 =	vmul.u32 $0x6A37, v38;
	v35 =	vand.u32 $0x1, v22  }
0xd1: {  	[tilespmem:$0x6C0] =	vst v39;
	v24 =	vld [tilespmem:$0x3F0];
	v39 =	vshrl.u32 v0, $0x1;
	v0 =	vand.u32 $0x1, v0;
	vm1 =	vlt.s32 v2, $0x0  }
0xd2: {  	[tilespmem:$0x500] =	vst v45;
	v47 =	vadd.s32 $0xF423F, v2;
	v6 =	vcvt.f32.s32 v37;
	v42 =	vcvt.s32.f32 v8  }
0xd3: {  	[tilespmem:$0x480] =	vst v57;
	v57 =	vld [tilespmem:$0x1E0];
	v2 =	vsel vm1, v47, v2;
	v23 =	vmul.u32 $0xFFF0BDC1, v23;
	v50 =	vxor.u32 v9, v11  }
0xd4: {  	[tilespmem:$0x520] =	vst v53;
	vm1 =	vgt.s32 v2, $0xF423E;
	v56 =	vadd.s32 $0xFFF0BDC1, v2;
	v6 =	vmul.u32 $0xFFF0BDC1, v6  }
0xd5: {  	[tilespmem:$0x460] =	vst v52;
	v59 =	vld [tilespmem:$0x3E0];
	v11 =	vcvt.s32.f32 v50;
	v55 =	vadd.s32 v25, v23;
	v2 =	vsel vm1, v56, v2  }
0xd6: {  	[tilespmem:$0x710] =	vst v49;
	v23 =	vmul.f32 $1.000001020e-06, v42;
	v25 =	vand.u32 $0x1, v17;
	v33 =	vmul.u32 $0x8DD9, v24  }
0xd7: {  	[tilespmem:$0x750] =	vst v31;
	vm1 =	vlt.s32 v55, $0x0;
	v58 =	vadd.s32 $0xF423F, v55;
	v6 =	vadd.s32 v27, v6  }
0xd8: {  	[tilespmem:$0x670] =	vst v7;
	v56 =	vmul.f32 $1.000001020e-06, v11;
	v11 =	vmul.u32 $0x6A37, v57;
	v27 =	vand.u32 $0x1, v21  }
0xd9: {  	[tilespmem:$0x720] =	vst v54;
	v42 =	vshrl.u32 v2, $0x1;
	v2 =	vand.u32 $0x1, v2;
	v3 =	vsel vm1, v58, v55  }
0xda: {  	v18 =	vld [tilespmem:$0x1F0];
	[tilespmem:$0x4E0] =	vst v43;
	v47 =	vtrunc.f32 v23;
	v51 =	vadd.s32 $0xF423F, v6;
	v23 =	vmul.u32 $0x8DD9, v59  }
0xdb: {  	[tilespmem:$0x6E0] =	vst v14;
	vm1 =	vlt.s32 v3, $0x0;
	v28 =	vadd.s32 $0xF423F, v3;
	v9 =	vtrunc.f32 v56  }
0xdc: {  	[tilespmem:$0x510] =	vst v48;
	v12 =	vcvt.f32.s32 v47;
	v3 =	vsel vm1, v28, v3;
	v9 =	vcvt.f32.s32 v9  }
0xdd: {  	[tilespmem:$0x570] =	vst v36;
	v28 =	vxor.u32 v11, v23;
	vm1 =	vgt.s32 v3, $0xF423E;
	v34 =	vadd.s32 $0xFFF0BDC1, v3  }
0xde: {  	[tilespmem:$0x770] =	vst v1;
	v52 =	vmul.u32 $0xFFF0BDC1, v12;
	v11 =	vcvt.s32.f32 v28;
	v3 =	vsel vm1, v34, v3  }
0xdf: {  	[tilespmem:$0x490] =	vst v63;
	vm1 =	vlt.s32 v6, $0x0;
	v16 =	vmul.u32 $0xFFF0BDC1, v9;
	v9 =	vmul.u32 $0x6A37, v18  }
0xe0: {  	[tilespmem:$0x530] =	vst v60;
	v34 =	vshrl.u32 v22, $0x1;
	v6 =	vsel vm1, v51, v6;
	v8 =	vadd.s32 v8, v52  }
0xe1: {  	[tilespmem:$0x700] =	vst v46;
	v32 =	vmul.f32 $1.000001020e-06, v11;
	v46 =	vshrl.u32 v3, $0x1;
	v47 =	vand.u32 $0x1, v3  }
0xe2: {  	[tilespmem:$0x540] =	vst v26;
	vm1 =	vlt.s32 v6, $0x0;
	v55 =	vadd.s32 $0xF423F, v6;
	v58 =	vadd.s32 $0xF423F, v8  }
0xe3: {  	[tilespmem:$0x550] =	vst v30;
	v4 =	vadd.s32 v50, v16;
	v6 =	vsel vm1, v55, v6;
	vm1 =	vlt.s32 v8, $0x0  }
0xe4: {  	[tilespmem:$0x4F0] =	vst v44;
	v37 =	vxor.u32 v9, v33;
	v29 =	vadd.s32 $0xF423F, v4;
	v7 =	vsel vm1, v58, v8  }
0xe5: {  	[tilespmem:$0x6F0] =	vst v15;
	v11 =	vcvt.s32.f32 v37;
	vm1 =	vlt.s32 v7, $0x0;
	v61 =	vadd.s32 $0xF423F, v7  }
0xe6: {  	[tilespmem:$0x760] =	vst v35;
	v62 =	vadd.s32 $0xFFF0BDC1, v6;
	v7 =	vsel vm1, v61, v7;
	vm1 =	vgt.s32 v6, $0xF423E  }
0xe7: {  	[tilespmem:$0x580] =	vst v39;
	v63 =	vsel vm1, v62, v6;
	vm1 =	vgt.s32 v7, $0xF423E;
	v19 =	vadd.s32 $0xFFF0BDC1, v7  }
0xe8: {  	[tilespmem:$0x780] =	vst v0;
	v6 =	vtrunc.f32 v32;
	v7 =	vsel vm1, v19, v7;
	vm1 =	vlt.s32 v4, $0x0  }
0xe9: {  	[tilespmem:$0x730] =	vst v25;
	v41 =	vmul.f32 $1.000001020e-06, v11;
	v6 =	vcvt.f32.s32 v6;
	v4 =	vsel vm1, v29, v4  }
0xea: {  	[tilespmem:$0x740] =	vst v27;
	v48 =	vshrl.u32 v63, $0x1;
	v50 =	vand.u32 $0x1, v63;
	vm1 =	vlt.s32 v4, $0x0  }
0xeb: {  	[tilespmem:$0x590] =	vst v42;
	v38 =	vadd.s32 $0xF423F, v4;
	v40 =	vmul.u32 $0xFFF0BDC1, v6;
	v6 =	vtrunc.f32 v41  }
0xec: {  	[tilespmem:$0x790] =	vst v2;
	v51 =	vshrl.u32 v7, $0x1;
	v4 =	vsel vm1, v38, v4;
	v6 =	vcvt.f32.s32 v6  }
0xed: {  	[tilespmem:$0x560] =	vst v34;
	vm1 =	vgt.s32 v4, $0xF423E;
	v43 =	vadd.s32 v28, v40;
	v44 =	vadd.s32 $0xFFF0BDC1, v4  }
0xee: {  	[tilespmem:$0x5A0] =	vst v46;
	vm2 =	vlt.s32 v43, $0x0;
	v45 =	vadd.s32 $0xF423F, v43;
	v49 =	vmul.u32 $0xFFF0BDC1, v6  }
0xef: {  	[tilespmem:$0x7A0] =	vst v47;
	v52 =	vand.u32 $0x1, v7;
	v1 =	vsel vm1, v44, v4;
	v0 =	vsel vm2, v45, v43  }
0xf0: {  	[tilespmem:$0x5B0] =	vst v48;
	vm1 =	vlt.s32 v0, $0x0;
	v53 =	vadd.s32 v37, v49;
	v54 =	vadd.s32 $0xF423F, v0  }
0xf1: {  	[tilespmem:$0x7B0] =	vst v50;
	v0 =	vsel vm1, v54, v0;
	vm1 =	vlt.s32 v53, $0x0;
	v55 =	vadd.s32 $0xF423F, v53  }
0xf2: {  	[tilespmem:$0x5C0] =	vst v51;
	v56 =	vshrl.u32 v1, $0x1;
	vm2 =	vgt.s32 v0, $0xF423E;
	v2 =	vsel vm1, v55, v53  }
0xf3: {  	[tilespmem:$0x7C0] =	vst v52;
	v57 =	vadd.s32 $0xFFF0BDC1, v0;
	vm1 =	vlt.s32 v2, $0x0;
	v58 =	vadd.s32 $0xF423F, v2  }
0xf4: {  	v1 =	vand.u32 $0x1, v1;
	[tilespmem:$0x5D0] =	vst v56;
	v0 =	vsel vm2, v57, v0;
	v2 =	vsel vm1, v58, v2  }
0xf5: {  	[tilespmem:$0x7D0] =	vst v1;
	v59 =	vshrl.u32 v0, $0x1;
	vm1 =	vgt.s32 v2, $0xF423E;
	v60 =	vadd.s32 $0xFFF0BDC1, v2  }
0xf6: {  	v0 =	vand.u32 $0x1, v0;
	[tilespmem:$0x5E0] =	vst v59;
	v61 =	vsel vm1, v60, v2  }
0xf7: {  	[tilespmem:$0x7E0] =	vst v0;
	v62 =	vshrl.u32 v61, $0x1  }
0xf8: {  	v63 =	vand.u32 $0x1, v61;
	[tilespmem:$0x5F0] =	vst v62  }
0xf9: {  	[tilespmem:$0x7F0] =	vst v63  }
0xfa: {  	[tilespmem:s13], [sflag:$0x1] =	stream.indirect.gather [hbm4b:s3+s11], $0x80, s12, s11, $0xb8;
	[tilespmem:$0x10800] =	vst v63  }
0xfb: {  	_ = 	snop  }
0xfc: {  	[tilespmem:s15], [sflag:$0x1] =	stream.indirect.gather [hbm4b:s3+s11], $0x80, s14, s11, $0xb8;
	[tilespmem:$0x10800] =	vst v63  }
0xfd: {  	_ = 	snop  }
0xfe: {  	[tilespmem:s17], [sflag:$0x1] =	stream.indirect.gather [hbm4b:s3+s11], $0x80, s16, s11, $0xb8;
	[tilespmem:$0x10800] =	vst v63  }
0xff: {  	_ = 	snop  }
0x100: {  	[tilespmem:s19], [sflag:$0x1] =	stream.indirect.gather [hbm4b:s3+s11], $0x80, s18, s11, $0xb8;
	[tilespmem:$0x10800] =	vst v63  }
0x101: {  	_ =	swait.ge [sflag:s20], $0x4000  }
0x102: {  	[sflag:s20] =	ssyncset.done $0x0  }
0x103: {  	[sflag:s20] =	ssyncadd.s32 $0xFFFFC000  }
0x104: {  	_ =	swait.ge [sflag:s20], $0x4000  }
0x105: {  	[sflag:s20] =	ssyncset.done $0x0  }
0x106: {  	[sflag:s20] =	ssyncadd.s32 $0xFFFFC000  }
0x107: {  	_ =	swait.ge [sflag:s20], $0x4000  }
0x108: {  	[sflag:s20] =	ssyncset.done $0x0  }
0x109: {  	[sflag:s20] =	ssyncadd.s32 $0xFFFFC000  }
0x10a: {  	_ =	swait.ge [sflag:s20], $0x4000  }
0x10b: {  	[sflag:s20] =	ssyncset.done $0x0  }
0x10c: {  	[sflag:s20] =	ssyncadd.s32 $0xFFFFC000  }
0x10d: {  	[hbm4b:s6+s2] =	stream.linear.scatter [tilespmem:s13], [sflag:$0x2], $0x10000, $0x38;
	[tilespmem:$0x10800] =	vst v63  }
0x10e: {  	_ =	swait.ge [sflag:s9], $0x10000  }
0x10f: {  	p0 =	sne.s32 s8, $0x1;
	[sflag:s9] =	ssyncset.done $0x0  }
.Ltmp0:
0x110: {  	[sflag:s9] =	ssyncadd.s32 $0xFFFF0000;
	(pc) =	sbr.rel @p0 .LBB2_1-.Ltmp0, $4  }
0x111: {  	[hbm4b:s7+s2] =	stream.linear.scatter [tilespmem:s21], [sflag:$0x2], $0x200, $0x38;
	[tilespmem:$0x10800] =	vst v63  }
0x112: {  	_ =	swait.ge [sflag:s9], $0x200  }
0x113: {  	[sflag:s9] =	ssyncset.done $0x0  }
0x114: {  	s8 =	sadd.s32 $0xFFFFFFFF, s8;
	[sflag:s9] =	ssyncadd.s32 $0xFFFFFE00  }
0x115: {  	_ =	sfence.sel $0x180000  }
0x116: {  	[bflag:$0x0] =	sbarrier.arrive $0xFFFF  }
0x117: {  	p0 =	sne.s32 s1, $0x0;
	_ =	strace $0x90000047  }
0x118: {  	s0 =	sadd.s32 @!p0 $0x100000, s0;
	[bflag:$0x2] =	sbarrier.arrive $0xFFFF  }
0x119: {  	[sflag:s0] =	ssyncadd.tile.s32 @!p0 $0x1;
	_ =	shalt  }
.Lfunc_end2:
_tile_overlayer_lowered:
.L_overlay_start_2:
0x11a: {  	(tag) =	ssettag $0x2  }
0x11b: {  	s0 =	rddreg [dreg:$0x0];
	s2 =	stileid.u32  }
0x11c: {  	s1 =	rddreg [dreg:$0x1];
	p0 =	sne.s32 s2, $0x0  }
0x11d: {  	s3 =	rddreg [dreg:$0x2];
	[bflag:$0x3] =	sbarrier.arrive $0xFFFF;
	s2 =	simm.s32 @!p0 $0x1C02  }
0x11e: {  	[timem:s3], [sflag:s2] =	dma.local @!p0 [hbm:s0], s1  }
0x11f: {  	s0 =	simm.s32 @!p0 $0x2  }
0x120: {  	_ =	swait.ge @!p0 [sflag:s0], s1  }
0x121: {  	s1 =	ssub.s32 @!p0 $0x0, s1;
	[sflag:s0] =	ssyncset.done @!p0 $0x0  }
0x122: {  	[sflag:s0] =	ssyncadd.s32 @!p0 s1  }
0x123: {  	[bflag:$0x3] =	sbarrier.arrive $0xFFFF  }
0x124: {  	_ =	shalt  }

</sc_bundles>
